<compile_context>
chip_gen: v7x
topology: tpu7x:2x2x1
jax: 0.10.2.dev20260603
libtpu: 0.0.44.dev20260713+nightly
codegen_flags: <defaults>
</compile_context>

<pallas_src>
import functools

import jax
import jax.numpy as jnp
from jax import lax
from jax.experimental import pallas as pl
from jax.experimental.pallas import tpu as pltpu
from jax.experimental.pallas import tpu_sc as plsc

N = 10000
E = 320000
NC = 2
NS = 16
NW = NC * NS
EPW = E // NW

CH = 125
NCH = EPW // CH
WBD = 80
NWBD = N // WBD

CHP = 64
NR = 80
EPWP = NR * 128

ACC_R = 10240
NZ = ACC_R // CHP
LDR = 200
NLD = N // LDR


def _mesh():
    return plsc.VectorSubcoreMesh(core_axis_name="c", subcore_axis_name="s")


def _make_degree():
    @functools.partial(
        pl.kernel,
        out_type=jax.ShapeDtypeStruct((NC, N, 16), jnp.float32),
        mesh=_mesh(),
        scratch_types=[
            pltpu.VMEM((NCH, CH), jnp.int32),
            pltpu.VMEM((CH, 16), jnp.float32),
            pltpu.VMEM_SHARED((N, 16), jnp.float32),
        ],
    )
    def deg_kernel(dst_hbm, out_hbm, idxv, buf, acc):
        c = lax.axis_index("c")
        s = lax.axis_index("s")
        wid = s * NC + c

        @pl.loop(0, CH)
        def _zero(i):
            buf[i, :] = jnp.zeros((16,), jnp.float32)

        @pl.loop(s, NWBD, step=NS)
        def _zacc(t):
            pltpu.sync_copy(buf.at[pl.ds(0, WBD)],
                            acc.at[pl.ds(t * WBD, WBD)])

        @pl.loop(0, CH)
        def _fill(i):
            buf[i, :] = jnp.ones((16,), jnp.float32)

        pltpu.sync_copy(dst_hbm.at[wid], idxv)
        plsc.subcore_barrier()

        @pl.loop(0, NCH)
        def _scatter(j):
            pltpu.sync_copy(buf, acc.at[idxv.at[j]], add=True)

        plsc.subcore_barrier()

        @pl.loop(s, NWBD, step=NS)
        def _wb(t):
            pltpu.sync_copy(acc.at[pl.ds(t * WBD, WBD)],
                            out_hbm.at[c, pl.ds(t * WBD, WBD)])

    return deg_kernel


def _make_spmm(f):
    @functools.partial(
        pl.kernel,
        out_type=jax.ShapeDtypeStruct((NC, N, f), jnp.float32),
        mesh=_mesh(),
        scratch_types=[
            pltpu.VMEM((NR, 128), jnp.int32),
            pltpu.VMEM((NR, 128), jnp.int32),
            pltpu.VMEM((2, CHP, f), jnp.float32),
            pltpu.VMEM_SHARED((ACC_R, f), jnp.float32),
            pltpu.SemaphoreType.DMA,
            pltpu.SemaphoreType.DMA,
        ],
    )
    def spmm(src_hbm, dst_hbm, y_hbm, out_hbm, srcv, dstv,
             rows, acc, sem0, sem1):
        c = lax.axis_index("c")
        s = lax.axis_index("s")
        wid = s * NC + c
        sems = (sem0, sem1)

        pltpu.sync_copy(src_hbm.at[wid], srcv)
        pltpu.sync_copy(dst_hbm.at[wid], dstv)

        def start_gather(r, q, b):
            pltpu.async_copy(
                y_hbm.at[srcv.at[r, pl.ds(CHP * q, CHP)]],
                rows.at[b], sems[b])

        def wait_gather(r, q, b):
            pltpu.make_async_copy(
                y_hbm.at[srcv.at[r, pl.ds(CHP * q, CHP)]],
                rows.at[b], sems[b]).wait()

        @pl.loop(0, CHP)
        def _zrow(i):
            for k in range(f // 16):
                rows[0, i, pl.ds(16 * k, 16)] = jnp.zeros((16,), jnp.float32)

        @pl.loop(s, NZ, step=NS)
        def _zacc(t):
            pltpu.sync_copy(rows.at[0], acc.at[pl.ds(t * CHP, CHP)])

        plsc.subcore_barrier()

        start_gather(0, 0, 0)

        @pl.loop(0, NR)
        def _edges(r):
            start_gather(r, 1, 1)
            wait_gather(r, 0, 0)
            pltpu.sync_copy(rows.at[0],
                            acc.at[dstv.at[r, pl.ds(0, CHP)]],
                            add=True)

            @pl.when(r + 1 < NR)
            def _():
                start_gather(r + 1, 0, 0)

            wait_gather(r, 1, 1)
            pltpu.sync_copy(rows.at[1],
                            acc.at[dstv.at[r, pl.ds(CHP, CHP)]],
                            add=True)

        plsc.subcore_barrier()

        @pl.loop(s, NLD, step=NS)
        def _wb(t):
            pltpu.sync_copy(acc.at[pl.ds(t * LDR, LDR)],
                            out_hbm.at[c, pl.ds(t * LDR, LDR)])

    return spmm


_deg_call = _make_degree()
_spmm128 = _make_spmm(128)


BLK = 1000


def _dinv_of(dp_ref):
    deg = dp_ref[0, :, 0:1] + dp_ref[1, :, 0:1] + 1.0
    return lax.rsqrt(deg)


def _asum_of(a_ref):
    return a_ref[0] + a_ref[1]


def _scale_body(dp_ref, x_ref, xs_ref):
    xs_ref[...] = x_ref[...] * _dinv_of(dp_ref)


def _layer1_body(dp_ref, x_ref, a_ref, w1_ref, b1_ref, w2_ref, ys2_ref):
    dinv = _dinv_of(dp_ref)
    g1 = dinv * (_asum_of(a_ref) + dinv * x_ref[...])
    h1 = jnp.dot(g1, w1_ref[...], preferred_element_type=jnp.float32)
    h1 = jnp.maximum(h1 + b1_ref[...], 0.0)
    ys2_ref[...] = dinv * jnp.dot(h1, w2_ref[...],
                                  preferred_element_type=jnp.float32)


def _layer2_body(dp_ref, ys2_ref, a_ref, b2_ref, w3_ref, ys3_ref):
    dinv = _dinv_of(dp_ref)
    g2 = dinv * (_asum_of(a_ref) + ys2_ref[...])
    h2 = jnp.maximum(g2 + b2_ref[...], 0.0)
    ys3_ref[...] = dinv * jnp.dot(h2, w3_ref[...],
                                  preferred_element_type=jnp.float32)


def _layer3_body(dp_ref, ys3_ref, a_ref, b3_ref, out_ref):
    dinv = _dinv_of(dp_ref)
    g3 = dinv * (_asum_of(a_ref) + ys3_ref[...])
    out_ref[...] = g3[:, :40] + b3_ref[...]


def _dp_spec():
    return pl.BlockSpec((2, BLK, 16), lambda i: (0, i, 0))


def _rows_spec(f):
    return pl.BlockSpec((BLK, f), lambda i: (i, 0))


def _agg_spec(f):
    return pl.BlockSpec((NC, BLK, f), lambda i: (0, i, 0))


def _full_spec(shape):
    nd = len(shape)
    return pl.BlockSpec(shape, lambda i: (0,) * nd)


def _scale(dp, x):
    return pl.pallas_call(
        _scale_body,
        grid=(N // BLK,),
        in_specs=[_dp_spec(), _rows_spec(128)],
        out_specs=_rows_spec(128),
        out_shape=jax.ShapeDtypeStruct((N, 128), jnp.float32),
    )(dp, x)


def _layer1(dp, x, agg1, w1, b1, w2p):
    return pl.pallas_call(
        _layer1_body,
        grid=(N // BLK,),
        in_specs=[_dp_spec(), _rows_spec(128), _agg_spec(128),
                  _full_spec((128, 300)), _full_spec((1, 300)),
                  _full_spec((300, 128))],
        out_specs=_rows_spec(128),
        out_shape=jax.ShapeDtypeStruct((N, 128), jnp.float32),
    )(dp, x, agg1, w1, b1, w2p)


def _layer2(dp, ys2, agg2, b2p, w3p):
    return pl.pallas_call(
        _layer2_body,
        grid=(N // BLK,),
        in_specs=[_dp_spec(), _rows_spec(128), _agg_spec(128),
                  _full_spec((1, 128)), _full_spec((128, 128))],
        out_specs=_rows_spec(128),
        out_shape=jax.ShapeDtypeStruct((N, 128), jnp.float32),
    )(dp, ys2, agg2, b2p, w3p)


def _layer3(dp, ys3, agg3, b3):
    return pl.pallas_call(
        _layer3_body,
        grid=(N // BLK,),
        in_specs=[_dp_spec(), _rows_spec(128), _agg_spec(128),
                  _full_spec((1, 40))],
        out_specs=_rows_spec(40),
        out_shape=jax.ShapeDtypeStruct((N, 40), jnp.float32),
    )(dp, ys3, agg3, b3)


def kernel(x, edge_index, edge_attr, W1, b1, W2, b2, W3, b3):
    src = edge_index[0]
    dst = edge_index[1]
    dst_deg = dst.reshape(NW, NCH, CH)
    srcp = jnp.pad(src.reshape(NW, EPW),
                   ((0, 0), (0, EPWP - EPW))).reshape(NW, NR, 128)
    pad_vals = jnp.broadcast_to(
        jnp.arange(N, N + EPWP - EPW, dtype=jnp.int32),
        (NW, EPWP - EPW))
    dstp = jnp.concatenate([dst.reshape(NW, EPW), pad_vals],
                           axis=1).reshape(NW, NR, 128)

    dp = _deg_call(dst_deg)
    xs = _scale(dp, x)
    agg1 = _spmm128(srcp, dstp, xs)

    w2p = jnp.pad(W2, ((0, 0), (0, 78)))
    b2p = jnp.pad(b2, (0, 78)).reshape(1, 128)
    w3p = jnp.pad(W3, ((0, 78), (0, 88)))

    ys2 = _layer1(dp, x, agg1, W1, b1.reshape(1, 300), w2p)
    agg2 = _spmm128(srcp, dstp, ys2)
    ys3 = _layer2(dp, ys2, agg2, b2p, w3p)
    agg3 = _spmm128(srcp, dstp, ys3)
    return _layer3(dp, ys3, agg3, b3.reshape(1, 40))

# --- scband reference (transcript-rebuilt; emitter-appended) ---
"""Pipeline reference for scband-rel-gcnddd-1958505087051 (READ-ONLY COPY).

The authoritative reference and input builder live on the scoring server;
editing this copy changes nothing except your own understanding.
"""

import jax, jax.numpy as jnp
import numpy as np

N = 10000
E = 320000
F_IN = 128
H1 = 300
H2 = 50
NUM_CLASSES = 40
EDGE_DIM = 4


def setup_inputs(seed: int = 0) -> dict:
    key = jax.random.key(seed)
    ks = jax.random.split(key, 10)
    x = jax.random.normal(ks[0], (N, F_IN), dtype=jnp.float32)
    edge_index = jax.random.randint(ks[1], (2, E), 0, N, dtype=jnp.int32)
    edge_attr = jax.random.normal(ks[2], (E, EDGE_DIM), dtype=jnp.float32)
    W1 = jax.random.normal(ks[3], (F_IN, H1), dtype=jnp.float32) * (1.0 / np.sqrt(F_IN))
    b1 = jnp.zeros((H1,), dtype=jnp.float32)
    W2 = jax.random.normal(ks[4], (H1, H2), dtype=jnp.float32) * (1.0 / np.sqrt(H1))
    b2 = jnp.zeros((H2,), dtype=jnp.float32)
    W3 = jax.random.normal(ks[5], (H2, NUM_CLASSES), dtype=jnp.float32) * (1.0 / np.sqrt(H2))
    b3 = jnp.zeros((NUM_CLASSES,), dtype=jnp.float32)
    return {"x": x, "edge_index": edge_index, "edge_attr": edge_attr,
            "W1": W1, "b1": b1, "W2": W2, "b2": b2, "W3": W3, "b3": b3}


def gcn_conv(x, edge_index, W, b):
    # Faithful PyG GCNConv: x' = D^{-1/2} (A + I) D^{-1/2} x W + b
    n = x.shape[0]
    loop = jnp.arange(n, dtype=edge_index.dtype)
    src = jnp.concatenate([edge_index[0], loop])
    dst = jnp.concatenate([edge_index[1], loop])
    deg = jnp.zeros((n,), dtype=x.dtype).at[dst].add(1.0)
    dinv = jnp.where(deg > 0, jax.lax.rsqrt(deg), 0.0)
    norm = dinv[src] * dinv[dst]
    xw = x @ W
    msg = xw[src] * norm[:, None]
    out = jnp.zeros((n, W.shape[1]), dtype=x.dtype).at[dst].add(msg)
    return out + b


def reference(x, edge_index, edge_attr, W1, b1, W2, b2, W3, b3):
    # edge_attr is unpacked by the original forward but never used in compute
    h = gcn_conv(x, edge_index, W1, b1)
    h = jax.nn.relu(h)
    h = gcn_conv(h, edge_index, W2, b2)
    h = jax.nn.relu(h)
    out = gcn_conv(h, edge_index, W3, b3)
    return out

if __name__ == "__main__":
    import jax
    _d = setup_inputs()
    print(jax.jit(kernel)(*tuple(_d.values())))

</pallas_src>

<mosaic_0001>
#map = affine_map<(d0, d1) -> (0, 0, 0)>
#map1 = affine_map<(d0, d1) -> (0, 0)>
module attributes {stable_mosaic.version = 14 : i64} {
  func.func @spmm(%arg0: i32, %arg1: i32, %arg2: memref<32x80x128xi32, #tpu.memory_space<hbm>>, %arg3: memref<32x80x128xi32, #tpu.memory_space<hbm>>, %arg4: memref<10000x128xf32, #tpu.memory_space<hbm>>, %arg5: memref<2x10000x128xf32, #tpu.memory_space<hbm>>, %arg6: memref<80x128xi32, #tpu.memory_space<vmem>>, %arg7: memref<80x128xi32, #tpu.memory_space<vmem>>, %arg8: memref<2x64x128xf32, #tpu.memory_space<vmem>>, %arg9: memref<10240x128xf32, #tpu.memory_space<vmem_shared>>, %arg10: memref<!tpu.dma_semaphore, #tpu.memory_space<semaphore_mem>>, %arg11: memref<!tpu.dma_semaphore, #tpu.memory_space<semaphore_mem>>) attributes {dimension_semantics = [#tpu.dimension_semantics<core_parallel>, #tpu.dimension_semantics<subcore_parallel>], iteration_bounds = array<i64: 2, 16>, scalar_prefetch = 0 : i64, scratch_operands = 6 : i64, tpu.core_type = #tpu.core_type<sc_vector_subcore>, window_params = [{transform_indices = #map}, {transform_indices = #map}, {transform_indices = #map1}, {transform_indices = #map}]} {
    %mul3A = arith.constant 2 : i32
    %mul3A_0 = arith.muli %arg1, %mul3A : i32
    %add3A = arith.addi %mul3A_0, %arg0 : i32
    "tpu.region"() ({
      %run_scoped3A = tpu.sem_alloc : memref<!tpu.dma_semaphore, #tpu.memory_space<semaphore_mem>>
      %dma_start3A_55 = arith.constant 0 : i32
      %dma_start3A_56 = arith.constant 0 : i32
      %dma_start3A_57 = tpu.memref_slice %arg2[%add3A, %dma_start3A_55, %dma_start3A_56] : memref<32x80x128xi32, #tpu.memory_space<hbm>> -> memref<1x80x128xi32, #tpu.memory_space<hbm>>
      %dma_start3A_58 = tpu.memref_squeeze %dma_start3A_57 : memref<1x80x128xi32, #tpu.memory_space<hbm>> -> memref<80x128xi32, #tpu.memory_space<hbm>>
      %dma_start3A_59 = arith.constant 0 : i32
      %dma_start3A_60 = arith.constant 0 : i32
      %dma_start3A_61 = tpu.memref_slice %arg2[%add3A, %dma_start3A_59, %dma_start3A_60] : memref<32x80x128xi32, #tpu.memory_space<hbm>> -> memref<1x80x128xi32, #tpu.memory_space<hbm>>
      %dma_start3A_62 = tpu.memref_squeeze %dma_start3A_61 : memref<1x80x128xi32, #tpu.memory_space<hbm>> -> memref<80x128xi32, #tpu.memory_space<hbm>>
      tpu.enqueue_dma source(%dma_start3A_62 : memref<80x128xi32, #tpu.memory_space<hbm>>) target(%arg6 : memref<80x128xi32, #tpu.memory_space<vmem>>) target_semaphore(%run_scoped3A : memref<!tpu.dma_semaphore, #tpu.memory_space<semaphore_mem>>)
      %dma_wait3A = arith.constant 0 : i32
      %dma_wait3A_63 = arith.constant 0 : i32
      %dma_wait3A_64 = tpu.memref_slice %arg2[%add3A, %dma_wait3A, %dma_wait3A_63] : memref<32x80x128xi32, #tpu.memory_space<hbm>> -> memref<1x80x128xi32, #tpu.memory_space<hbm>>
      %dma_wait3A_65 = tpu.memref_squeeze %dma_wait3A_64 : memref<1x80x128xi32, #tpu.memory_space<hbm>> -> memref<80x128xi32, #tpu.memory_space<hbm>>
      %dma_wait3A_66 = arith.constant 0 : i32
      %dma_wait3A_67 = arith.constant 0 : i32
      %dma_wait3A_68 = tpu.memref_slice %arg2[%add3A, %dma_wait3A_66, %dma_wait3A_67] : memref<32x80x128xi32, #tpu.memory_space<hbm>> -> memref<1x80x128xi32, #tpu.memory_space<hbm>>
      %dma_wait3A_69 = tpu.memref_squeeze %dma_wait3A_68 : memref<1x80x128xi32, #tpu.memory_space<hbm>> -> memref<80x128xi32, #tpu.memory_space<hbm>>
      tpu.wait_dma2 semaphore(%run_scoped3A : memref<!tpu.dma_semaphore, #tpu.memory_space<semaphore_mem>>) src(%dma_wait3A_69 : memref<80x128xi32, #tpu.memory_space<hbm>>) dst(%arg6 : memref<80x128xi32, #tpu.memory_space<vmem>>)
      tpu.yield
    }) : () -> ()
    "tpu.region"() ({
      %run_scoped3A = tpu.sem_alloc : memref<!tpu.dma_semaphore, #tpu.memory_space<semaphore_mem>>
      %dma_start3A_55 = arith.constant 0 : i32
      %dma_start3A_56 = arith.constant 0 : i32
      %dma_start3A_57 = tpu.memref_slice %arg3[%add3A, %dma_start3A_55, %dma_start3A_56] : memref<32x80x128xi32, #tpu.memory_space<hbm>> -> memref<1x80x128xi32, #tpu.memory_space<hbm>>
      %dma_start3A_58 = tpu.memref_squeeze %dma_start3A_57 : memref<1x80x128xi32, #tpu.memory_space<hbm>> -> memref<80x128xi32, #tpu.memory_space<hbm>>
      %dma_start3A_59 = arith.constant 0 : i32
      %dma_start3A_60 = arith.constant 0 : i32
      %dma_start3A_61 = tpu.memref_slice %arg3[%add3A, %dma_start3A_59, %dma_start3A_60] : memref<32x80x128xi32, #tpu.memory_space<hbm>> -> memref<1x80x128xi32, #tpu.memory_space<hbm>>
      %dma_start3A_62 = tpu.memref_squeeze %dma_start3A_61 : memref<1x80x128xi32, #tpu.memory_space<hbm>> -> memref<80x128xi32, #tpu.memory_space<hbm>>
      tpu.enqueue_dma source(%dma_start3A_62 : memref<80x128xi32, #tpu.memory_space<hbm>>) target(%arg7 : memref<80x128xi32, #tpu.memory_space<vmem>>) target_semaphore(%run_scoped3A : memref<!tpu.dma_semaphore, #tpu.memory_space<semaphore_mem>>)
      %dma_wait3A = arith.constant 0 : i32
      %dma_wait3A_63 = arith.constant 0 : i32
      %dma_wait3A_64 = tpu.memref_slice %arg3[%add3A, %dma_wait3A, %dma_wait3A_63] : memref<32x80x128xi32, #tpu.memory_space<hbm>> -> memref<1x80x128xi32, #tpu.memory_space<hbm>>
      %dma_wait3A_65 = tpu.memref_squeeze %dma_wait3A_64 : memref<1x80x128xi32, #tpu.memory_space<hbm>> -> memref<80x128xi32, #tpu.memory_space<hbm>>
      %dma_wait3A_66 = arith.constant 0 : i32
      %dma_wait3A_67 = arith.constant 0 : i32
      %dma_wait3A_68 = tpu.memref_slice %arg3[%add3A, %dma_wait3A_66, %dma_wait3A_67] : memref<32x80x128xi32, #tpu.memory_space<hbm>> -> memref<1x80x128xi32, #tpu.memory_space<hbm>>
      %dma_wait3A_69 = tpu.memref_squeeze %dma_wait3A_68 : memref<1x80x128xi32, #tpu.memory_space<hbm>> -> memref<80x128xi32, #tpu.memory_space<hbm>>
      tpu.wait_dma2 semaphore(%run_scoped3A : memref<!tpu.dma_semaphore, #tpu.memory_space<semaphore_mem>>) src(%dma_wait3A_69 : memref<80x128xi32, #tpu.memory_space<hbm>>) dst(%arg7 : memref<80x128xi32, #tpu.memory_space<vmem>>)
      tpu.yield
    }) : () -> ()
    %scan3A = arith.constant 0 : i32
    %scan3A_1 = arith.constant 64 : i32
    %scan3A_2 = arith.addi %scan3A, %scan3A_1 : i32
    %scan3A_3 = arith.constant 1 : i32
    scf.for %scan3A_55 = %scan3A to %scan3A_2 step %scan3A_3  : i32 {
      %mul3A_56 = arith.constant 1 : i32
      %mul3A_57 = arith.muli %scan3A_55, %mul3A_56 : i32
      %add3A_58 = arith.constant 0 : i32
      %add3A_59 = arith.addi %add3A_58, %mul3A_57 : i32
      %broadcast_in_dim3A = arith.constant 0.000000e+00 : f32
      %broadcast_in_dim3A_60 = vector.broadcast %broadcast_in_dim3A : f32 to vector<16xf32>
      %swap3A = arith.constant 0 : i32
      %swap3A_61 = arith.index_cast %swap3A : i32 to index
      %swap3A_62 = arith.index_cast %add3A_59 : i32 to index
      %swap3A_63 = arith.constant 0 : index
      %swap3A_64 = tpu.vector_load %arg8[%swap3A_61, %swap3A_62, %swap3A_63] {strides = array<i32>} : memref<2x64x128xf32, #tpu.memory_space<vmem>>, vector<1x1x16xf32>,
      %swap3A_65 = vector.shape_cast %swap3A_64 : vector<1x1x16xf32> to vector<16xf32>
      %swap3A_66 = vector.shape_cast %broadcast_in_dim3A_60 : vector<16xf32> to vector<1x1x16xf32>
      tpu.vector_store %arg8[%swap3A_61, %swap3A_62, %swap3A_63], %swap3A_66 {strides = array<i32>} : memref<2x64x128xf32, #tpu.memory_space<vmem>>, vector<1x1x16xf32>,
      %broadcast_in_dim3A_67 = arith.constant 0.000000e+00 : f32
      %broadcast_in_dim3A_68 = vector.broadcast %broadcast_in_dim3A_67 : f32 to vector<16xf32>
      %swap3A_69 = arith.constant 0 : i32
      %swap3A_70 = arith.index_cast %swap3A_69 : i32 to index
      %swap3A_71 = arith.index_cast %add3A_59 : i32 to index
      %swap3A_72 = arith.constant 16 : index
      %swap3A_73 = tpu.vector_load %arg8[%swap3A_70, %swap3A_71, %swap3A_72] {strides = array<i32>} : memref<2x64x128xf32, #tpu.memory_space<vmem>>, vector<1x1x16xf32>,
      %swap3A_74 = vector.shape_cast %swap3A_73 : vector<1x1x16xf32> to vector<16xf32>
      %swap3A_75 = vector.shape_cast %broadcast_in_dim3A_68 : vector<16xf32> to vector<1x1x16xf32>
      tpu.vector_store %arg8[%swap3A_70, %swap3A_71, %swap3A_72], %swap3A_75 {strides = array<i32>} : memref<2x64x128xf32, #tpu.memory_space<vmem>>, vector<1x1x16xf32>,
      %broadcast_in_dim3A_76 = arith.constant 0.000000e+00 : f32
      %broadcast_in_dim3A_77 = vector.broadcast %broadcast_in_dim3A_76 : f32 to vector<16xf32>
      %swap3A_78 = arith.constant 0 : i32
      %swap3A_79 = arith.index_cast %swap3A_78 : i32 to index
      %swap3A_80 = arith.index_cast %add3A_59 : i32 to index
      %swap3A_81 = arith.constant 32 : index
      %swap3A_82 = tpu.vector_load %arg8[%swap3A_79, %swap3A_80, %swap3A_81] {strides = array<i32>} : memref<2x64x128xf32, #tpu.memory_space<vmem>>, vector<1x1x16xf32>,
      %swap3A_83 = vector.shape_cast %swap3A_82 : vector<1x1x16xf32> to vector<16xf32>
      %swap3A_84 = vector.shape_cast %broadcast_in_dim3A_77 : vector<16xf32> to vector<1x1x16xf32>
      tpu.vector_store %arg8[%swap3A_79, %swap3A_80, %swap3A_81], %swap3A_84 {strides = array<i32>} : memref<2x64x128xf32, #tpu.memory_space<vmem>>, vector<1x1x16xf32>,
      %broadcast_in_dim3A_85 = arith.constant 0.000000e+00 : f32
      %broadcast_in_dim3A_86 = vector.broadcast %broadcast_in_dim3A_85 : f32 to vector<16xf32>
      %swap3A_87 = arith.constant 0 : i32
      %swap3A_88 = arith.index_cast %swap3A_87 : i32 to index
      %swap3A_89 = arith.index_cast %add3A_59 : i32 to index
      %swap3A_90 = arith.constant 48 : index
      %swap3A_91 = tpu.vector_load %arg8[%swap3A_88, %swap3A_89, %swap3A_90] {strides = array<i32>} : memref<2x64x128xf32, #tpu.memory_space<vmem>>, vector<1x1x16xf32>,
      %swap3A_92 = vector.shape_cast %swap3A_91 : vector<1x1x16xf32> to vector<16xf32>
      %swap3A_93 = vector.shape_cast %broadcast_in_dim3A_86 : vector<16xf32> to vector<1x1x16xf32>
      tpu.vector_store %arg8[%swap3A_88, %swap3A_89, %swap3A_90], %swap3A_93 {strides = array<i32>} : memref<2x64x128xf32, #tpu.memory_space<vmem>>, vector<1x1x16xf32>,
      %broadcast_in_dim3A_94 = arith.constant 0.000000e+00 : f32
      %broadcast_in_dim3A_95 = vector.broadcast %broadcast_in_dim3A_94 : f32 to vector<16xf32>
      %swap3A_96 = arith.constant 0 : i32
      %swap3A_97 = arith.index_cast %swap3A_96 : i32 to index
      %swap3A_98 = arith.index_cast %add3A_59 : i32 to index
      %swap3A_99 = arith.constant 64 : index
      %swap3A_100 = tpu.vector_load %arg8[%swap3A_97, %swap3A_98, %swap3A_99] {strides = array<i32>} : memref<2x64x128xf32, #tpu.memory_space<vmem>>, vector<1x1x16xf32>,
      %swap3A_101 = vector.shape_cast %swap3A_100 : vector<1x1x16xf32> to vector<16xf32>
      %swap3A_102 = vector.shape_cast %broadcast_in_dim3A_95 : vector<16xf32> to vector<1x1x16xf32>
      tpu.vector_store %arg8[%swap3A_97, %swap3A_98, %swap3A_99], %swap3A_102 {strides = array<i32>} : memref<2x64x128xf32, #tpu.memory_space<vmem>>, vector<1x1x16xf32>,
      %broadcast_in_dim3A_103 = arith.constant 0.000000e+00 : f32
      %broadcast_in_dim3A_104 = vector.broadcast %broadcast_in_dim3A_103 : f32 to vector<16xf32>
      %swap3A_105 = arith.constant 0 : i32
      %swap3A_106 = arith.index_cast %swap3A_105 : i32 to index
      %swap3A_107 = arith.index_cast %add3A_59 : i32 to index
      %swap3A_108 = arith.constant 80 : index
      %swap3A_109 = tpu.vector_load %arg8[%swap3A_106, %swap3A_107, %swap3A_108] {strides = array<i32>} : memref<2x64x128xf32, #tpu.memory_space<vmem>>, vector<1x1x16xf32>,
      %swap3A_110 = vector.shape_cast %swap3A_109 : vector<1x1x16xf32> to vector<16xf32>
      %swap3A_111 = vector.shape_cast %broadcast_in_dim3A_104 : vector<16xf32> to vector<1x1x16xf32>
      tpu.vector_store %arg8[%swap3A_106, %swap3A_107, %swap3A_108], %swap3A_111 {strides = array<i32>} : memref<2x64x128xf32, #tpu.memory_space<vmem>>, vector<1x1x16xf32>,
      %broadcast_in_dim3A_112 = arith.constant 0.000000e+00 : f32
      %broadcast_in_dim3A_113 = vector.broadcast %broadcast_in_dim3A_112 : f32 to vector<16xf32>
      %swap3A_114 = arith.constant 0 : i32
      %swap3A_115 = arith.index_cast %swap3A_114 : i32 to index
      %swap3A_116 = arith.index_cast %add3A_59 : i32 to index
      %swap3A_117 = arith.constant 96 : index
      %swap3A_118 = tpu.vector_load %arg8[%swap3A_115, %swap3A_116, %swap3A_117] {strides = array<i32>} : memref<2x64x128xf32, #tpu.memory_space<vmem>>, vector<1x1x16xf32>,
      %swap3A_119 = vector.shape_cast %swap3A_118 : vector<1x1x16xf32> to vector<16xf32>
      %swap3A_120 = vector.shape_cast %broadcast_in_dim3A_113 : vector<16xf32> to vector<1x1x16xf32>
      tpu.vector_store %arg8[%swap3A_115, %swap3A_116, %swap3A_117], %swap3A_120 {strides = array<i32>} : memref<2x64x128xf32, #tpu.memory_space<vmem>>, vector<1x1x16xf32>,
      %broadcast_in_dim3A_121 = arith.constant 0.000000e+00 : f32
      %broadcast_in_dim3A_122 = vector.broadcast %broadcast_in_dim3A_121 : f32 to vector<16xf32>
      %swap3A_123 = arith.constant 0 : i32
      %swap3A_124 = arith.index_cast %swap3A_123 : i32 to index
      %swap3A_125 = arith.index_cast %add3A_59 : i32 to index
      %swap3A_126 = arith.constant 112 : index
      %swap3A_127 = tpu.vector_load %arg8[%swap3A_124, %swap3A_125, %swap3A_126] {strides = array<i32>} : memref<2x64x128xf32, #tpu.memory_space<vmem>>, vector<1x1x16xf32>,
      %swap3A_128 = vector.shape_cast %swap3A_127 : vector<1x1x16xf32> to vector<16xf32>
      %swap3A_129 = vector.shape_cast %broadcast_in_dim3A_122 : vector<16xf32> to vector<1x1x16xf32>
      tpu.vector_store %arg8[%swap3A_124, %swap3A_125, %swap3A_126], %swap3A_129 {strides = array<i32>} : memref<2x64x128xf32, #tpu.memory_space<vmem>>, vector<1x1x16xf32>,
    }
    %scan3A_4 = arith.constant 64 : i32
    %sub3A = arith.constant 160 : i32
    %sub3A_5 = arith.subi %sub3A, %arg1 : i32
    %sub3A_6 = arith.constant 16 : i32
    %sub3A_7 = arith.constant 1 : i32
    %sub3A_8 = arith.subi %sub3A_6, %sub3A_7 : i32
    %add3A_9 = arith.addi %sub3A_5, %sub3A_8 : i32
    %div3A = arith.constant 16 : i32
    %div3A_10 = arith.divsi %add3A_9, %div3A : i32
    %while3A = arith.constant 16 : i32
    %while3A_11 = arith.constant 0 : i32
    %while3A_12 = arith.subi %div3A_10, %while3A_11 : i32
    %while3A_13 = arith.addi %while3A_11, %while3A_12 : i32
    %while3A_14 = arith.constant 1 : i32
    %while3A_15 = arith.divsi %while3A_12, %while3A_14 : i32
    %while3A_16 = arith.muli %while3A_15, %while3A_14 : i32
    %while3A_17 = arith.addi %while3A_11, %while3A_16 : i32
    %while3A_18 = arith.constant 1 : i32
    scf.for %while3A_55 = %while3A_11 to %while3A_17 step %while3A_18  : i32 {
      %mul3A_56 = arith.muli %while3A_55, %while3A : i32
      %add3A_57 = arith.addi %arg1, %mul3A_56 : i32
      %mul3A_58 = arith.constant 64 : i32
      %mul3A_59 = arith.muli %add3A_57, %mul3A_58 : i32
      %run_scoped3A = arith.constant 0 : i32
      "tpu.region"() ({
        %run_scoped3A_60 = tpu.sem_alloc : memref<!tpu.dma_semaphore, #tpu.memory_space<semaphore_mem>>
        %dma_start3A_61 = arith.constant 0 : i32
        %dma_start3A_62 = arith.constant 0 : i32
        %dma_start3A_63 = tpu.memref_slice %arg8[%run_scoped3A, %dma_start3A_61, %dma_start3A_62] : memref<2x64x128xf32, #tpu.memory_space<vmem>> -> memref<1x64x128xf32, #tpu.memory_space<vmem>>
        %dma_start3A_64 = tpu.memref_squeeze %dma_start3A_63 : memref<1x64x128xf32, #tpu.memory_space<vmem>> -> memref<64x128xf32, #tpu.memory_space<vmem>>
        %dma_start3A_65 = arith.constant 0 : i32
        %dma_start3A_66 = tpu.memref_slice %arg9[%mul3A_59, %dma_start3A_65] : memref<10240x128xf32, #tpu.memory_space<vmem_shared>> -> memref<64x128xf32, #tpu.memory_space<vmem_shared>>
        %dma_start3A_67 = arith.constant 0 : i32
        %dma_start3A_68 = tpu.memref_slice %arg9[%mul3A_59, %dma_start3A_67] : memref<10240x128xf32, #tpu.memory_space<vmem_shared>> -> memref<64x128xf32, #tpu.memory_space<vmem_shared>>
        %dma_start3A_69 = arith.constant 0 : i32
        %dma_start3A_70 = arith.constant 0 : i32
        %dma_start3A_71 = tpu.memref_slice %arg8[%run_scoped3A, %dma_start3A_69, %dma_start3A_70] : memref<2x64x128xf32, #tpu.memory_space<vmem>> -> memref<1x64x128xf32, #tpu.memory_space<vmem>>
        %dma_start3A_72 = tpu.memref_squeeze %dma_start3A_71 : memref<1x64x128xf32, #tpu.memory_space<vmem>> -> memref<64x128xf32, #tpu.memory_space<vmem>>
        tpu.enqueue_dma source(%dma_start3A_72 : memref<64x128xf32, #tpu.memory_space<vmem>>) target(%dma_start3A_68 : memref<64x128xf32, #tpu.memory_space<vmem_shared>>) target_semaphore(%run_scoped3A_60 : memref<!tpu.dma_semaphore, #tpu.memory_space<semaphore_mem>>)
        %dma_wait3A = arith.constant 0 : i32
        %dma_wait3A_73 = arith.constant 0 : i32
        %dma_wait3A_74 = tpu.memref_slice %arg8[%run_scoped3A, %dma_wait3A, %dma_wait3A_73] : memref<2x64x128xf32, #tpu.memory_space<vmem>> -> memref<1x64x128xf32, #tpu.memory_space<vmem>>
        %dma_wait3A_75 = tpu.memref_squeeze %dma_wait3A_74 : memref<1x64x128xf32, #tpu.memory_space<vmem>> -> memref<64x128xf32, #tpu.memory_space<vmem>>
        %dma_wait3A_76 = arith.constant 0 : i32
        %dma_wait3A_77 = tpu.memref_slice %arg9[%mul3A_59, %dma_wait3A_76] : memref<10240x128xf32, #tpu.memory_space<vmem_shared>> -> memref<64x128xf32, #tpu.memory_space<vmem_shared>>
        %dma_wait3A_78 = arith.constant 0 : i32
        %dma_wait3A_79 = tpu.memref_slice %arg9[%mul3A_59, %dma_wait3A_78] : memref<10240x128xf32, #tpu.memory_space<vmem_shared>> -> memref<64x128xf32, #tpu.memory_space<vmem_shared>>
        %dma_wait3A_80 = arith.constant 0 : i32
        %dma_wait3A_81 = arith.constant 0 : i32
        %dma_wait3A_82 = tpu.memref_slice %arg8[%run_scoped3A, %dma_wait3A_80, %dma_wait3A_81] : memref<2x64x128xf32, #tpu.memory_space<vmem>> -> memref<1x64x128xf32, #tpu.memory_space<vmem>>
        %dma_wait3A_83 = tpu.memref_squeeze %dma_wait3A_82 : memref<1x64x128xf32, #tpu.memory_space<vmem>> -> memref<64x128xf32, #tpu.memory_space<vmem>>
        tpu.wait_dma2 semaphore(%run_scoped3A_60 : memref<!tpu.dma_semaphore, #tpu.memory_space<semaphore_mem>>) src(%dma_wait3A_83 : memref<64x128xf32, #tpu.memory_space<vmem>>) dst(%dma_wait3A_79 : memref<64x128xf32, #tpu.memory_space<vmem_shared>>)
        tpu.yield
      }) : () -> ()
    }
    %while3A_19 = arith.constant 1 : i32
    scf.for %while3A_55 = %while3A_17 to %while3A_13 step %while3A_19  : i32 {
      %mul3A_56 = arith.muli %while3A_55, %while3A : i32
      %add3A_57 = arith.addi %arg1, %mul3A_56 : i32
      %mul3A_58 = arith.constant 64 : i32
      %mul3A_59 = arith.muli %add3A_57, %mul3A_58 : i32
      %run_scoped3A = arith.constant 0 : i32
      "tpu.region"() ({
        %run_scoped3A_60 = tpu.sem_alloc : memref<!tpu.dma_semaphore, #tpu.memory_space<semaphore_mem>>
        %dma_start3A_61 = arith.constant 0 : i32
        %dma_start3A_62 = arith.constant 0 : i32
        %dma_start3A_63 = tpu.memref_slice %arg8[%run_scoped3A, %dma_start3A_61, %dma_start3A_62] : memref<2x64x128xf32, #tpu.memory_space<vmem>> -> memref<1x64x128xf32, #tpu.memory_space<vmem>>
        %dma_start3A_64 = tpu.memref_squeeze %dma_start3A_63 : memref<1x64x128xf32, #tpu.memory_space<vmem>> -> memref<64x128xf32, #tpu.memory_space<vmem>>
        %dma_start3A_65 = arith.constant 0 : i32
        %dma_start3A_66 = tpu.memref_slice %arg9[%mul3A_59, %dma_start3A_65] : memref<10240x128xf32, #tpu.memory_space<vmem_shared>> -> memref<64x128xf32, #tpu.memory_space<vmem_shared>>
        %dma_start3A_67 = arith.constant 0 : i32
        %dma_start3A_68 = tpu.memref_slice %arg9[%mul3A_59, %dma_start3A_67] : memref<10240x128xf32, #tpu.memory_space<vmem_shared>> -> memref<64x128xf32, #tpu.memory_space<vmem_shared>>
        %dma_start3A_69 = arith.constant 0 : i32
        %dma_start3A_70 = arith.constant 0 : i32
        %dma_start3A_71 = tpu.memref_slice %arg8[%run_scoped3A, %dma_start3A_69, %dma_start3A_70] : memref<2x64x128xf32, #tpu.memory_space<vmem>> -> memref<1x64x128xf32, #tpu.memory_space<vmem>>
        %dma_start3A_72 = tpu.memref_squeeze %dma_start3A_71 : memref<1x64x128xf32, #tpu.memory_space<vmem>> -> memref<64x128xf32, #tpu.memory_space<vmem>>
        tpu.enqueue_dma source(%dma_start3A_72 : memref<64x128xf32, #tpu.memory_space<vmem>>) target(%dma_start3A_68 : memref<64x128xf32, #tpu.memory_space<vmem_shared>>) target_semaphore(%run_scoped3A_60 : memref<!tpu.dma_semaphore, #tpu.memory_space<semaphore_mem>>)
        %dma_wait3A = arith.constant 0 : i32
        %dma_wait3A_73 = arith.constant 0 : i32
        %dma_wait3A_74 = tpu.memref_slice %arg8[%run_scoped3A, %dma_wait3A, %dma_wait3A_73] : memref<2x64x128xf32, #tpu.memory_space<vmem>> -> memref<1x64x128xf32, #tpu.memory_space<vmem>>
        %dma_wait3A_75 = tpu.memref_squeeze %dma_wait3A_74 : memref<1x64x128xf32, #tpu.memory_space<vmem>> -> memref<64x128xf32, #tpu.memory_space<vmem>>
        %dma_wait3A_76 = arith.constant 0 : i32
        %dma_wait3A_77 = tpu.memref_slice %arg9[%mul3A_59, %dma_wait3A_76] : memref<10240x128xf32, #tpu.memory_space<vmem_shared>> -> memref<64x128xf32, #tpu.memory_space<vmem_shared>>
        %dma_wait3A_78 = arith.constant 0 : i32
        %dma_wait3A_79 = tpu.memref_slice %arg9[%mul3A_59, %dma_wait3A_78] : memref<10240x128xf32, #tpu.memory_space<vmem_shared>> -> memref<64x128xf32, #tpu.memory_space<vmem_shared>>
        %dma_wait3A_80 = arith.constant 0 : i32
        %dma_wait3A_81 = arith.constant 0 : i32
        %dma_wait3A_82 = tpu.memref_slice %arg8[%run_scoped3A, %dma_wait3A_80, %dma_wait3A_81] : memref<2x64x128xf32, #tpu.memory_space<vmem>> -> memref<1x64x128xf32, #tpu.memory_space<vmem>>
        %dma_wait3A_83 = tpu.memref_squeeze %dma_wait3A_82 : memref<1x64x128xf32, #tpu.memory_space<vmem>> -> memref<64x128xf32, #tpu.memory_space<vmem>>
        tpu.wait_dma2 semaphore(%run_scoped3A_60 : memref<!tpu.dma_semaphore, #tpu.memory_space<semaphore_mem>>) src(%dma_wait3A_83 : memref<64x128xf32, #tpu.memory_space<vmem>>) dst(%dma_wait3A_79 : memref<64x128xf32, #tpu.memory_space<vmem_shared>>)
        tpu.yield
      }) : () -> ()
    }
    %barrier3A = arith.constant 0 : index
    tpu.barrier barrier_id(%barrier3A)
    %dma_start3A = arith.constant 0 : i32
    %dma_start3A_20 = arith.constant 0 : i32
    %dma_start3A_21 = arith.constant 0 : i32
    %dma_start3A_22 = arith.constant 0 : i32
    %dma_start3A_23 = tpu.memref_slice %arg8[%dma_start3A_20, %dma_start3A_21, %dma_start3A_22] : memref<2x64x128xf32, #tpu.memory_space<vmem>> -> memref<1x64x128xf32, #tpu.memory_space<vmem>>
    %dma_start3A_24 = tpu.memref_squeeze %dma_start3A_23 : memref<1x64x128xf32, #tpu.memory_space<vmem>> -> memref<64x128xf32, #tpu.memory_space<vmem>>
    %dma_start3A_25 = arith.constant 0 : i32
    %dma_start3A_26 = tpu.memref_slice %arg6[%dma_start3A, %dma_start3A_25] : memref<80x128xi32, #tpu.memory_space<vmem>> -> memref<1x64xi32, #tpu.memory_space<vmem>>
    %dma_start3A_27 = tpu.memref_squeeze %dma_start3A_26 : memref<1x64xi32, #tpu.memory_space<vmem>> -> memref<64xi32, #tpu.memory_space<vmem>>
    %dma_start3A_28 = arith.constant 0 : i32
    %dma_start3A_29 = arith.constant 0 : i32
    %dma_start3A_30 = tpu.memref_slice %arg4[%dma_start3A_28, %dma_start3A_29] : memref<10000x128xf32, #tpu.memory_space<hbm>> -> memref<10000x128xf32, #tpu.memory_space<hbm>>
    tpu.enqueue_indirect_dma source(%dma_start3A_30 : memref<10000x128xf32, #tpu.memory_space<hbm>>) target(%dma_start3A_24 : memref<64x128xf32, #tpu.memory_space<vmem>>) offsets(%dma_start3A_27 : memref<64xi32, #tpu.memory_space<vmem>>) semaphore(%arg10 : memref<!tpu.dma_semaphore, #tpu.memory_space<semaphore_mem>>)
    %scan3A_31 = arith.constant 0 : i32
    %scan3A_32 = arith.constant 80 : i32
    %scan3A_33 = arith.addi %scan3A_31, %scan3A_32 : i32
    %scan3A_34 = arith.constant 1 : i32
    scf.for %scan3A_55 = %scan3A_31 to %scan3A_33 step %scan3A_34  : i32 {
      %mul3A_56 = arith.constant 1 : i32
      %mul3A_57 = arith.muli %scan3A_55, %mul3A_56 : i32
      %add3A_58 = arith.constant 0 : i32
      %add3A_59 = arith.addi %add3A_58, %mul3A_57 : i32
      %dma_start3A_60 = arith.constant 1 : i32
      %dma_start3A_61 = arith.constant 0 : i32
      %dma_start3A_62 = arith.constant 0 : i32
      %dma_start3A_63 = tpu.memref_slice %arg8[%dma_start3A_60, %dma_start3A_61, %dma_start3A_62] : memref<2x64x128xf32, #tpu.memory_space<vmem>> -> memref<1x64x128xf32, #tpu.memory_space<vmem>>
      %dma_start3A_64 = tpu.memref_squeeze %dma_start3A_63 : memref<1x64x128xf32, #tpu.memory_space<vmem>> -> memref<64x128xf32, #tpu.memory_space<vmem>>
      %dma_start3A_65 = arith.constant 64 : i32
      %dma_start3A_66 = tpu.memref_slice %arg6[%add3A_59, %dma_start3A_65] : memref<80x128xi32, #tpu.memory_space<vmem>> -> memref<1x64xi32, #tpu.memory_space<vmem>>
      %dma_start3A_67 = tpu.memref_squeeze %dma_start3A_66 : memref<1x64xi32, #tpu.memory_space<vmem>> -> memref<64xi32, #tpu.memory_space<vmem>>
      %dma_start3A_68 = arith.constant 0 : i32
      %dma_start3A_69 = arith.constant 0 : i32
      %dma_start3A_70 = tpu.memref_slice %arg4[%dma_start3A_68, %dma_start3A_69] : memref<10000x128xf32, #tpu.memory_space<hbm>> -> memref<10000x128xf32, #tpu.memory_space<hbm>>
      tpu.enqueue_indirect_dma source(%dma_start3A_70 : memref<10000x128xf32, #tpu.memory_space<hbm>>) target(%dma_start3A_64 : memref<64x128xf32, #tpu.memory_space<vmem>>) offsets(%dma_start3A_67 : memref<64xi32, #tpu.memory_space<vmem>>) semaphore(%arg11 : memref<!tpu.dma_semaphore, #tpu.memory_space<semaphore_mem>>)
      %dma_wait3A = arith.constant 0 : i32
      %dma_wait3A_71 = arith.constant 0 : i32
      %dma_wait3A_72 = arith.constant 0 : i32
      %dma_wait3A_73 = tpu.memref_slice %arg8[%dma_wait3A, %dma_wait3A_71, %dma_wait3A_72] : memref<2x64x128xf32, #tpu.memory_space<vmem>> -> memref<1x64x128xf32, #tpu.memory_space<vmem>>
      %dma_wait3A_74 = tpu.memref_squeeze %dma_wait3A_73 : memref<1x64x128xf32, #tpu.memory_space<vmem>> -> memref<64x128xf32, #tpu.memory_space<vmem>>
      %dma_wait3A_75 = arith.constant 0 : i32
      %dma_wait3A_76 = tpu.memref_slice %arg6[%add3A_59, %dma_wait3A_75] : memref<80x128xi32, #tpu.memory_space<vmem>> -> memref<1x64xi32, #tpu.memory_space<vmem>>
      %dma_wait3A_77 = tpu.memref_squeeze %dma_wait3A_76 : memref<1x64xi32, #tpu.memory_space<vmem>> -> memref<64xi32, #tpu.memory_space<vmem>>
      %dma_wait3A_78 = arith.constant 0 : i32
      %dma_wait3A_79 = arith.constant 0 : i32
      %dma_wait3A_80 = tpu.memref_slice %arg4[%dma_wait3A_78, %dma_wait3A_79] : memref<10000x128xf32, #tpu.memory_space<hbm>> -> memref<10000x128xf32, #tpu.memory_space<hbm>>
      tpu.wait_indirect_dma semaphore(%arg10 : memref<!tpu.dma_semaphore, #tpu.memory_space<semaphore_mem>>) src(%dma_wait3A_80 : memref<10000x128xf32, #tpu.memory_space<hbm>>) dst(%dma_wait3A_74 : memref<64x128xf32, #tpu.memory_space<vmem>>)
      %run_scoped3A = arith.constant 0 : i32
      "tpu.region"() ({
        %run_scoped3A_97 = tpu.sem_alloc : memref<!tpu.dma_semaphore, #tpu.memory_space<semaphore_mem>>
        %dma_start3A_98 = arith.constant 0 : i32
        %dma_start3A_99 = arith.constant 0 : i32
        %dma_start3A_100 = tpu.memref_slice %arg8[%run_scoped3A, %dma_start3A_98, %dma_start3A_99] : memref<2x64x128xf32, #tpu.memory_space<vmem>> -> memref<1x64x128xf32, #tpu.memory_space<vmem>>
        %dma_start3A_101 = tpu.memref_squeeze %dma_start3A_100 : memref<1x64x128xf32, #tpu.memory_space<vmem>> -> memref<64x128xf32, #tpu.memory_space<vmem>>
        %dma_start3A_102 = arith.constant 0 : i32
        %dma_start3A_103 = tpu.memref_slice %arg7[%add3A_59, %dma_start3A_102] : memref<80x128xi32, #tpu.memory_space<vmem>> -> memref<1x64xi32, #tpu.memory_space<vmem>>
        %dma_start3A_104 = tpu.memref_squeeze %dma_start3A_103 : memref<1x64xi32, #tpu.memory_space<vmem>> -> memref<64xi32, #tpu.memory_space<vmem>>
        %dma_start3A_105 = arith.constant 0 : i32
        %dma_start3A_106 = arith.constant 0 : i32
        %dma_start3A_107 = tpu.memref_slice %arg9[%dma_start3A_105, %dma_start3A_106] : memref<10240x128xf32, #tpu.memory_space<vmem_shared>> -> memref<10240x128xf32, #tpu.memory_space<vmem_shared>>
        tpu.enqueue_indirect_dma source(%dma_start3A_101 : memref<64x128xf32, #tpu.memory_space<vmem>>) target(%dma_start3A_107 : memref<10240x128xf32, #tpu.memory_space<vmem_shared>>) offsets(%dma_start3A_104 : memref<64xi32, #tpu.memory_space<vmem>>) semaphore(%run_scoped3A_97 : memref<!tpu.dma_semaphore, #tpu.memory_space<semaphore_mem>>) {add = true}
        %dma_wait3A_108 = arith.constant 0 : i32
        %dma_wait3A_109 = arith.constant 0 : i32
        %dma_wait3A_110 = tpu.memref_slice %arg8[%run_scoped3A, %dma_wait3A_108, %dma_wait3A_109] : memref<2x64x128xf32, #tpu.memory_space<vmem>> -> memref<1x64x128xf32, #tpu.memory_space<vmem>>
        %dma_wait3A_111 = tpu.memref_squeeze %dma_wait3A_110 : memref<1x64x128xf32, #tpu.memory_space<vmem>> -> memref<64x128xf32, #tpu.memory_space<vmem>>
        %dma_wait3A_112 = arith.constant 0 : i32
        %dma_wait3A_113 = tpu.memref_slice %arg7[%add3A_59, %dma_wait3A_112] : memref<80x128xi32, #tpu.memory_space<vmem>> -> memref<1x64xi32, #tpu.memory_space<vmem>>
        %dma_wait3A_114 = tpu.memref_squeeze %dma_wait3A_113 : memref<1x64xi32, #tpu.memory_space<vmem>> -> memref<64xi32, #tpu.memory_space<vmem>>
        %dma_wait3A_115 = arith.constant 0 : i32
        %dma_wait3A_116 = arith.constant 0 : i32
        %dma_wait3A_117 = tpu.memref_slice %arg9[%dma_wait3A_115, %dma_wait3A_116] : memref<10240x128xf32, #tpu.memory_space<vmem_shared>> -> memref<10240x128xf32, #tpu.memory_space<vmem_shared>>
        tpu.wait_indirect_dma semaphore(%run_scoped3A_97 : memref<!tpu.dma_semaphore, #tpu.memory_space<semaphore_mem>>) src(%dma_wait3A_111 : memref<64x128xf32, #tpu.memory_space<vmem>>) dst(%dma_wait3A_117 : memref<10240x128xf32, #tpu.memory_space<vmem_shared>>)
        tpu.yield
      }) : () -> ()
      %add3A_81 = arith.constant 1 : i32
      %add3A_82 = arith.addi %add3A_59, %add3A_81 : i32
      %lt3A = arith.constant 80 : i32
      %lt3A_83 = arith.cmpi slt, %add3A_82, %lt3A : i32
      %convert_element_type3A = arith.extui %lt3A_83 : i1 to i32
      %cond3A = arith.constant 0 : i32
      %cond3A_84 = arith.cmpi ne, %convert_element_type3A, %cond3A : i32
      scf.if %cond3A_84 {
        %add3A_97 = arith.constant 1 : i32
        %add3A_98 = arith.addi %add3A_59, %add3A_97 : i32
        %dma_start3A_99 = arith.constant 0 : i32
        %dma_start3A_100 = arith.constant 0 : i32
        %dma_start3A_101 = arith.constant 0 : i32
        %dma_start3A_102 = tpu.memref_slice %arg8[%dma_start3A_99, %dma_start3A_100, %dma_start3A_101] : memref<2x64x128xf32, #tpu.memory_space<vmem>> -> memref<1x64x128xf32, #tpu.memory_space<vmem>>
        %dma_start3A_103 = tpu.memref_squeeze %dma_start3A_102 : memref<1x64x128xf32, #tpu.memory_space<vmem>> -> memref<64x128xf32, #tpu.memory_space<vmem>>
        %dma_start3A_104 = arith.constant 0 : i32
        %dma_start3A_105 = tpu.memref_slice %arg6[%add3A_98, %dma_start3A_104] : memref<80x128xi32, #tpu.memory_space<vmem>> -> memref<1x64xi32, #tpu.memory_space<vmem>>
        %dma_start3A_106 = tpu.memref_squeeze %dma_start3A_105 : memref<1x64xi32, #tpu.memory_space<vmem>> -> memref<64xi32, #tpu.memory_space<vmem>>
        %dma_start3A_107 = arith.constant 0 : i32
        %dma_start3A_108 = arith.constant 0 : i32
        %dma_start3A_109 = tpu.memref_slice %arg4[%dma_start3A_107, %dma_start3A_108] : memref<10000x128xf32, #tpu.memory_space<hbm>> -> memref<10000x128xf32, #tpu.memory_space<hbm>>
        tpu.enqueue_indirect_dma source(%dma_start3A_109 : memref<10000x128xf32, #tpu.memory_space<hbm>>) target(%dma_start3A_103 : memref<64x128xf32, #tpu.memory_space<vmem>>) offsets(%dma_start3A_106 : memref<64xi32, #tpu.memory_space<vmem>>) semaphore(%arg10 : memref<!tpu.dma_semaphore, #tpu.memory_space<semaphore_mem>>)
      } else {
      }
      %dma_wait3A_85 = arith.constant 1 : i32
      %dma_wait3A_86 = arith.constant 0 : i32
      %dma_wait3A_87 = arith.constant 0 : i32
      %dma_wait3A_88 = tpu.memref_slice %arg8[%dma_wait3A_85, %dma_wait3A_86, %dma_wait3A_87] : memref<2x64x128xf32, #tpu.memory_space<vmem>> -> memref<1x64x128xf32, #tpu.memory_space<vmem>>
      %dma_wait3A_89 = tpu.memref_squeeze %dma_wait3A_88 : memref<1x64x128xf32, #tpu.memory_space<vmem>> -> memref<64x128xf32, #tpu.memory_space<vmem>>
      %dma_wait3A_90 = arith.constant 64 : i32
      %dma_wait3A_91 = tpu.memref_slice %arg6[%add3A_59, %dma_wait3A_90] : memref<80x128xi32, #tpu.memory_space<vmem>> -> memref<1x64xi32, #tpu.memory_space<vmem>>
      %dma_wait3A_92 = tpu.memref_squeeze %dma_wait3A_91 : memref<1x64xi32, #tpu.memory_space<vmem>> -> memref<64xi32, #tpu.memory_space<vmem>>
      %dma_wait3A_93 = arith.constant 0 : i32
      %dma_wait3A_94 = arith.constant 0 : i32
      %dma_wait3A_95 = tpu.memref_slice %arg4[%dma_wait3A_93, %dma_wait3A_94] : memref<10000x128xf32, #tpu.memory_space<hbm>> -> memref<10000x128xf32, #tpu.memory_space<hbm>>
      tpu.wait_indirect_dma semaphore(%arg11 : memref<!tpu.dma_semaphore, #tpu.memory_space<semaphore_mem>>) src(%dma_wait3A_95 : memref<10000x128xf32, #tpu.memory_space<hbm>>) dst(%dma_wait3A_89 : memref<64x128xf32, #tpu.memory_space<vmem>>)
      %run_scoped3A_96 = arith.constant 1 : i32
      "tpu.region"() ({
        %run_scoped3A_97 = tpu.sem_alloc : memref<!tpu.dma_semaphore, #tpu.memory_space<semaphore_mem>>
        %dma_start3A_98 = arith.constant 0 : i32
        %dma_start3A_99 = arith.constant 0 : i32
        %dma_start3A_100 = tpu.memref_slice %arg8[%run_scoped3A_96, %dma_start3A_98, %dma_start3A_99] : memref<2x64x128xf32, #tpu.memory_space<vmem>> -> memref<1x64x128xf32, #tpu.memory_space<vmem>>
        %dma_start3A_101 = tpu.memref_squeeze %dma_start3A_100 : memref<1x64x128xf32, #tpu.memory_space<vmem>> -> memref<64x128xf32, #tpu.memory_space<vmem>>
        %dma_start3A_102 = arith.constant 64 : i32
        %dma_start3A_103 = tpu.memref_slice %arg7[%add3A_59, %dma_start3A_102] : memref<80x128xi32, #tpu.memory_space<vmem>> -> memref<1x64xi32, #tpu.memory_space<vmem>>
        %dma_start3A_104 = tpu.memref_squeeze %dma_start3A_103 : memref<1x64xi32, #tpu.memory_space<vmem>> -> memref<64xi32, #tpu.memory_space<vmem>>
        %dma_start3A_105 = arith.constant 0 : i32
        %dma_start3A_106 = arith.constant 0 : i32
        %dma_start3A_107 = tpu.memref_slice %arg9[%dma_start3A_105, %dma_start3A_106] : memref<10240x128xf32, #tpu.memory_space<vmem_shared>> -> memref<10240x128xf32, #tpu.memory_space<vmem_shared>>
        tpu.enqueue_indirect_dma source(%dma_start3A_101 : memref<64x128xf32, #tpu.memory_space<vmem>>) target(%dma_start3A_107 : memref<10240x128xf32, #tpu.memory_space<vmem_shared>>) offsets(%dma_start3A_104 : memref<64xi32, #tpu.memory_space<vmem>>) semaphore(%run_scoped3A_97 : memref<!tpu.dma_semaphore, #tpu.memory_space<semaphore_mem>>) {add = true}
        %dma_wait3A_108 = arith.constant 0 : i32
        %dma_wait3A_109 = arith.constant 0 : i32
        %dma_wait3A_110 = tpu.memref_slice %arg8[%run_scoped3A_96, %dma_wait3A_108, %dma_wait3A_109] : memref<2x64x128xf32, #tpu.memory_space<vmem>> -> memref<1x64x128xf32, #tpu.memory_space<vmem>>
        %dma_wait3A_111 = tpu.memref_squeeze %dma_wait3A_110 : memref<1x64x128xf32, #tpu.memory_space<vmem>> -> memref<64x128xf32, #tpu.memory_space<vmem>>
        %dma_wait3A_112 = arith.constant 64 : i32
        %dma_wait3A_113 = tpu.memref_slice %arg7[%add3A_59, %dma_wait3A_112] : memref<80x128xi32, #tpu.memory_space<vmem>> -> memref<1x64xi32, #tpu.memory_space<vmem>>
        %dma_wait3A_114 = tpu.memref_squeeze %dma_wait3A_113 : memref<1x64xi32, #tpu.memory_space<vmem>> -> memref<64xi32, #tpu.memory_space<vmem>>
        %dma_wait3A_115 = arith.constant 0 : i32
        %dma_wait3A_116 = arith.constant 0 : i32
        %dma_wait3A_117 = tpu.memref_slice %arg9[%dma_wait3A_115, %dma_wait3A_116] : memref<10240x128xf32, #tpu.memory_space<vmem_shared>> -> memref<10240x128xf32, #tpu.memory_space<vmem_shared>>
        tpu.wait_indirect_dma semaphore(%run_scoped3A_97 : memref<!tpu.dma_semaphore, #tpu.memory_space<semaphore_mem>>) src(%dma_wait3A_111 : memref<64x128xf32, #tpu.memory_space<vmem>>) dst(%dma_wait3A_117 : memref<10240x128xf32, #tpu.memory_space<vmem_shared>>)
        tpu.yield
      }) : () -> ()
    }
    %scan3A_35 = arith.constant 80 : i32
    %barrier3A_36 = arith.constant 0 : index
    tpu.barrier barrier_id(%barrier3A_36)
    %sub3A_37 = arith.constant 50 : i32
    %sub3A_38 = arith.subi %sub3A_37, %arg1 : i32
    %sub3A_39 = arith.constant 16 : i32
    %sub3A_40 = arith.constant 1 : i32
    %sub3A_41 = arith.subi %sub3A_39, %sub3A_40 : i32
    %add3A_42 = arith.addi %sub3A_38, %sub3A_41 : i32
    %div3A_43 = arith.constant 16 : i32
    %div3A_44 = arith.divsi %add3A_42, %div3A_43 : i32
    %while3A_45 = arith.constant 16 : i32
    %while3A_46 = arith.constant 0 : i32
    %while3A_47 = arith.subi %div3A_44, %while3A_46 : i32
    %while3A_48 = arith.addi %while3A_46, %while3A_47 : i32
    %while3A_49 = arith.constant 1 : i32
    %while3A_50 = arith.divsi %while3A_47, %while3A_49 : i32
    %while3A_51 = arith.muli %while3A_50, %while3A_49 : i32
    %while3A_52 = arith.addi %while3A_46, %while3A_51 : i32
    %while3A_53 = arith.constant 1 : i32
    scf.for %while3A_55 = %while3A_46 to %while3A_52 step %while3A_53  : i32 {
      %mul3A_56 = arith.muli %while3A_55, %while3A_45 : i32
      %add3A_57 = arith.addi %arg1, %mul3A_56 : i32
      %mul3A_58 = arith.constant 200 : i32
      %mul3A_59 = arith.muli %add3A_57, %mul3A_58 : i32
      %mul3A_60 = arith.constant 200 : i32
      %mul3A_61 = arith.muli %add3A_57, %mul3A_60 : i32
      "tpu.region"() ({
        %run_scoped3A = tpu.sem_alloc : memref<!tpu.dma_semaphore, #tpu.memory_space<semaphore_mem>>
        %dma_start3A_62 = arith.constant 0 : i32
        %dma_start3A_63 = tpu.memref_slice %arg5[%arg0, %mul3A_61, %dma_start3A_62] : memref<2x10000x128xf32, #tpu.memory_space<hbm>> -> memref<1x200x128xf32, #tpu.memory_space<hbm>>
        %dma_start3A_64 = tpu.memref_squeeze %dma_start3A_63 : memref<1x200x128xf32, #tpu.memory_space<hbm>> -> memref<200x128xf32, #tpu.memory_space<hbm>>
        %dma_start3A_65 = arith.constant 0 : i32
        %dma_start3A_66 = tpu.memref_slice %arg9[%mul3A_59, %dma_start3A_65] : memref<10240x128xf32, #tpu.memory_space<vmem_shared>> -> memref<200x128xf32, #tpu.memory_space<vmem_shared>>
        tpu.enqueue_dma source(%dma_start3A_66 : memref<200x128xf32, #tpu.memory_space<vmem_shared>>) target(%dma_start3A_64 : memref<200x128xf32, #tpu.memory_space<hbm>>) target_semaphore(%run_scoped3A : memref<!tpu.dma_semaphore, #tpu.memory_space<semaphore_mem>>)
        %dma_wait3A = arith.constant 0 : i32
        %dma_wait3A_67 = tpu.memref_slice %arg5[%arg0, %mul3A_61, %dma_wait3A] : memref<2x10000x128xf32, #tpu.memory_space<hbm>> -> memref<1x200x128xf32, #tpu.memory_space<hbm>>
        %dma_wait3A_68 = tpu.memref_squeeze %dma_wait3A_67 : memref<1x200x128xf32, #tpu.memory_space<hbm>> -> memref<200x128xf32, #tpu.memory_space<hbm>>
        %dma_wait3A_69 = arith.constant 0 : i32
        %dma_wait3A_70 = tpu.memref_slice %arg9[%mul3A_59, %dma_wait3A_69] : memref<10240x128xf32, #tpu.memory_space<vmem_shared>> -> memref<200x128xf32, #tpu.memory_space<vmem_shared>>
        tpu.wait_dma2 semaphore(%run_scoped3A : memref<!tpu.dma_semaphore, #tpu.memory_space<semaphore_mem>>) src(%dma_wait3A_70 : memref<200x128xf32, #tpu.memory_space<vmem_shared>>) dst(%dma_wait3A_68 : memref<200x128xf32, #tpu.memory_space<hbm>>)
        tpu.yield
      }) : () -> ()
    }
    %while3A_54 = arith.constant 1 : i32
    scf.for %while3A_55 = %while3A_52 to %while3A_48 step %while3A_54  : i32 {
      %mul3A_56 = arith.muli %while3A_55, %while3A_45 : i32
      %add3A_57 = arith.addi %arg1, %mul3A_56 : i32
      %mul3A_58 = arith.constant 200 : i32
      %mul3A_59 = arith.muli %add3A_57, %mul3A_58 : i32
      %mul3A_60 = arith.constant 200 : i32
      %mul3A_61 = arith.muli %add3A_57, %mul3A_60 : i32
      "tpu.region"() ({
        %run_scoped3A = tpu.sem_alloc : memref<!tpu.dma_semaphore, #tpu.memory_space<semaphore_mem>>
        %dma_start3A_62 = arith.constant 0 : i32
        %dma_start3A_63 = tpu.memref_slice %arg5[%arg0, %mul3A_61, %dma_start3A_62] : memref<2x10000x128xf32, #tpu.memory_space<hbm>> -> memref<1x200x128xf32, #tpu.memory_space<hbm>>
        %dma_start3A_64 = tpu.memref_squeeze %dma_start3A_63 : memref<1x200x128xf32, #tpu.memory_space<hbm>> -> memref<200x128xf32, #tpu.memory_space<hbm>>
        %dma_start3A_65 = arith.constant 0 : i32
        %dma_start3A_66 = tpu.memref_slice %arg9[%mul3A_59, %dma_start3A_65] : memref<10240x128xf32, #tpu.memory_space<vmem_shared>> -> memref<200x128xf32, #tpu.memory_space<vmem_shared>>
        tpu.enqueue_dma source(%dma_start3A_66 : memref<200x128xf32, #tpu.memory_space<vmem_shared>>) target(%dma_start3A_64 : memref<200x128xf32, #tpu.memory_space<hbm>>) target_semaphore(%run_scoped3A : memref<!tpu.dma_semaphore, #tpu.memory_space<semaphore_mem>>)
        %dma_wait3A = arith.constant 0 : i32
        %dma_wait3A_67 = tpu.memref_slice %arg5[%arg0, %mul3A_61, %dma_wait3A] : memref<2x10000x128xf32, #tpu.memory_space<hbm>> -> memref<1x200x128xf32, #tpu.memory_space<hbm>>
        %dma_wait3A_68 = tpu.memref_squeeze %dma_wait3A_67 : memref<1x200x128xf32, #tpu.memory_space<hbm>> -> memref<200x128xf32, #tpu.memory_space<hbm>>
        %dma_wait3A_69 = arith.constant 0 : i32
        %dma_wait3A_70 = tpu.memref_slice %arg9[%mul3A_59, %dma_wait3A_69] : memref<10240x128xf32, #tpu.memory_space<vmem_shared>> -> memref<200x128xf32, #tpu.memory_space<vmem_shared>>
        tpu.wait_dma2 semaphore(%run_scoped3A : memref<!tpu.dma_semaphore, #tpu.memory_space<semaphore_mem>>) src(%dma_wait3A_70 : memref<200x128xf32, #tpu.memory_space<vmem_shared>>) dst(%dma_wait3A_68 : memref<200x128xf32, #tpu.memory_space<hbm>>)
        tpu.yield
      }) : () -> ()
    }
    return
  }
}

#map = affine_map<(d0, d1) -> (0, 0, 0)>
#map1 = affine_map<(d0, d1) -> (0, 0)>
module attributes {stable_mosaic.version = 14 : i64} {
  func.func @spmm(%arg0: i32, %arg1: i32, %arg2: memref<32x80x128xi32, #tpu.memory_space<hbm>>, %arg3: memref<32x80x128xi32, #tpu.memory_space<hbm>>, %arg4: memref<10000x128xf32, #tpu.memory_space<hbm>>, %arg5: memref<2x10000x128xf32, #tpu.memory_space<hbm>>, %arg6: memref<80x128xi32, #tpu.memory_space<vmem>>, %arg7: memref<80x128xi32, #tpu.memory_space<vmem>>, %arg8: memref<2x64x128xf32, #tpu.memory_space<vmem>>, %arg9: memref<10240x128xf32, #tpu.memory_space<vmem_shared>>, %arg10: memref<!tpu.dma_semaphore, #tpu.memory_space<semaphore_mem>>, %arg11: memref<!tpu.dma_semaphore, #tpu.memory_space<semaphore_mem>>) attributes {dimension_semantics = [#tpu.dimension_semantics<core_parallel>, #tpu.dimension_semantics<subcore_parallel>], iteration_bounds = array<i64: 2, 16>, scalar_prefetch = 0 : i64, scratch_operands = 6 : i64, tpu.core_type = #tpu.core_type<sc_vector_subcore>, window_params = [{transform_indices = #map}, {transform_indices = #map}, {transform_indices = #map1}, {transform_indices = #map}]} {
    %mul3A = arith.constant 2 : i32
    %mul3A_0 = arith.muli %arg1, %mul3A : i32
    %add3A = arith.addi %mul3A_0, %arg0 : i32
    "tpu.region"() ({
      %run_scoped3A = tpu.sem_alloc : memref<!tpu.dma_semaphore, #tpu.memory_space<semaphore_mem>>
      %dma_start3A_55 = arith.constant 0 : i32
      %dma_start3A_56 = arith.constant 0 : i32
      %dma_start3A_57 = tpu.memref_slice %arg2[%add3A, %dma_start3A_55, %dma_start3A_56] : memref<32x80x128xi32, #tpu.memory_space<hbm>> -> memref<1x80x128xi32, #tpu.memory_space<hbm>>
      %dma_start3A_58 = tpu.memref_squeeze %dma_start3A_57 : memref<1x80x128xi32, #tpu.memory_space<hbm>> -> memref<80x128xi32, #tpu.memory_space<hbm>>
      %dma_start3A_59 = arith.constant 0 : i32
      %dma_start3A_60 = arith.constant 0 : i32
      %dma_start3A_61 = tpu.memref_slice %arg2[%add3A, %dma_start3A_59, %dma_start3A_60] : memref<32x80x128xi32, #tpu.memory_space<hbm>> -> memref<1x80x128xi32, #tpu.memory_space<hbm>>
      %dma_start3A_62 = tpu.memref_squeeze %dma_start3A_61 : memref<1x80x128xi32, #tpu.memory_space<hbm>> -> memref<80x128xi32, #tpu.memory_space<hbm>>
      tpu.enqueue_dma source(%dma_start3A_62 : memref<80x128xi32, #tpu.memory_space<hbm>>) target(%arg6 : memref<80x128xi32, #tpu.memory_space<vmem>>) target_semaphore(%run_scoped3A : memref<!tpu.dma_semaphore, #tpu.memory_space<semaphore_mem>>)
      %dma_wait3A = arith.constant 0 : i32
      %dma_wait3A_63 = arith.constant 0 : i32
      %dma_wait3A_64 = tpu.memref_slice %arg2[%add3A, %dma_wait3A, %dma_wait3A_63] : memref<32x80x128xi32, #tpu.memory_space<hbm>> -> memref<1x80x128xi32, #tpu.memory_space<hbm>>
      %dma_wait3A_65 = tpu.memref_squeeze %dma_wait3A_64 : memref<1x80x128xi32, #tpu.memory_space<hbm>> -> memref<80x128xi32, #tpu.memory_space<hbm>>
      %dma_wait3A_66 = arith.constant 0 : i32
      %dma_wait3A_67 = arith.constant 0 : i32
      %dma_wait3A_68 = tpu.memref_slice %arg2[%add3A, %dma_wait3A_66, %dma_wait3A_67] : memref<32x80x128xi32, #tpu.memory_space<hbm>> -> memref<1x80x128xi32, #tpu.memory_space<hbm>>
      %dma_wait3A_69 = tpu.memref_squeeze %dma_wait3A_68 : memref<1x80x128xi32, #tpu.memory_space<hbm>> -> memref<80x128xi32, #tpu.memory_space<hbm>>
      tpu.wait_dma2 semaphore(%run_scoped3A : memref<!tpu.dma_semaphore, #tpu.memory_space<semaphore_mem>>) src(%dma_wait3A_69 : memref<80x128xi32, #tpu.memory_space<hbm>>) dst(%arg6 : memref<80x128xi32, #tpu.memory_space<vmem>>)
      tpu.yield
    }) : () -> ()
    "tpu.region"() ({
      %run_scoped3A = tpu.sem_alloc : memref<!tpu.dma_semaphore, #tpu.memory_space<semaphore_mem>>
      %dma_start3A_55 = arith.constant 0 : i32
      %dma_start3A_56 = arith.constant 0 : i32
      %dma_start3A_57 = tpu.memref_slice %arg3[%add3A, %dma_start3A_55, %dma_start3A_56] : memref<32x80x128xi32, #tpu.memory_space<hbm>> -> memref<1x80x128xi32, #tpu.memory_space<hbm>>
      %dma_start3A_58 = tpu.memref_squeeze %dma_start3A_57 : memref<1x80x128xi32, #tpu.memory_space<hbm>> -> memref<80x128xi32, #tpu.memory_space<hbm>>
      %dma_start3A_59 = arith.constant 0 : i32
      %dma_start3A_60 = arith.constant 0 : i32
      %dma_start3A_61 = tpu.memref_slice %arg3[%add3A, %dma_start3A_59, %dma_start3A_60] : memref<32x80x128xi32, #tpu.memory_space<hbm>> -> memref<1x80x128xi32, #tpu.memory_space<hbm>>
      %dma_start3A_62 = tpu.memref_squeeze %dma_start3A_61 : memref<1x80x128xi32, #tpu.memory_space<hbm>> -> memref<80x128xi32, #tpu.memory_space<hbm>>
      tpu.enqueue_dma source(%dma_start3A_62 : memref<80x128xi32, #tpu.memory_space<hbm>>) target(%arg7 : memref<80x128xi32, #tpu.memory_space<vmem>>) target_semaphore(%run_scoped3A : memref<!tpu.dma_semaphore, #tpu.memory_space<semaphore_mem>>)
      %dma_wait3A = arith.constant 0 : i32
      %dma_wait3A_63 = arith.constant 0 : i32
      %dma_wait3A_64 = tpu.memref_slice %arg3[%add3A, %dma_wait3A, %dma_wait3A_63] : memref<32x80x128xi32, #tpu.memory_space<hbm>> -> memref<1x80x128xi32, #tpu.memory_space<hbm>>
      %dma_wait3A_65 = tpu.memref_squeeze %dma_wait3A_64 : memref<1x80x128xi32, #tpu.memory_space<hbm>> -> memref<80x128xi32, #tpu.memory_space<hbm>>
      %dma_wait3A_66 = arith.constant 0 : i32
      %dma_wait3A_67 = arith.constant 0 : i32
      %dma_wait3A_68 = tpu.memref_slice %arg3[%add3A, %dma_wait3A_66, %dma_wait3A_67] : memref<32x80x128xi32, #tpu.memory_space<hbm>> -> memref<1x80x128xi32, #tpu.memory_space<hbm>>
      %dma_wait3A_69 = tpu.memref_squeeze %dma_wait3A_68 : memref<1x80x128xi32, #tpu.memory_space<hbm>> -> memref<80x128xi32, #tpu.memory_space<hbm>>
      tpu.wait_dma2 semaphore(%run_scoped3A : memref<!tpu.dma_semaphore, #tpu.memory_space<semaphore_mem>>) src(%dma_wait3A_69 : memref<80x128xi32, #tpu.memory_space<hbm>>) dst(%arg7 : memref<80x128xi32, #tpu.memory_space<vmem>>)
      tpu.yield
    }) : () -> ()
    %scan3A = arith.constant 0 : i32
    %scan3A_1 = arith.constant 64 : i32
    %scan3A_2 = arith.addi %scan3A, %scan3A_1 : i32
    %scan3A_3 = arith.constant 1 : i32
    scf.for %scan3A_55 = %scan3A to %scan3A_2 step %scan3A_3  : i32 {
      %mul3A_56 = arith.constant 1 : i32
      %mul3A_57 = arith.muli %scan3A_55, %mul3A_56 : i32
      %add3A_58 = arith.constant 0 : i32
      %add3A_59 = arith.addi %add3A_58, %mul3A_57 : i32
      %broadcast_in_dim3A = arith.constant 0.000000e+00 : f32
      %broadcast_in_dim3A_60 = vector.broadcast %broadcast_in_dim3A : f32 to vector<16xf32>
      %swap3A = arith.constant 0 : i32
      %swap3A_61 = arith.index_cast %swap3A : i32 to index
      %swap3A_62 = arith.index_cast %add3A_59 : i32 to index
      %swap3A_63 = arith.constant 0 : index
      %swap3A_64 = tpu.vector_load %arg8[%swap3A_61, %swap3A_62, %swap3A_63] {strides = array<i32>} : memref<2x64x128xf32, #tpu.memory_space<vmem>>, vector<1x1x16xf32>,
      %swap3A_65 = vector.shape_cast %swap3A_64 : vector<1x1x16xf32> to vector<16xf32>
      %swap3A_66 = vector.shape_cast %broadcast_in_dim3A_60 : vector<16xf32> to vector<1x1x16xf32>
      tpu.vector_store %arg8[%swap3A_61, %swap3A_62, %swap3A_63], %swap3A_66 {strides = array<i32>} : memref<2x64x128xf32, #tpu.memory_space<vmem>>, vector<1x1x16xf32>,
      %broadcast_in_dim3A_67 = arith.constant 0.000000e+00 : f32
      %broadcast_in_dim3A_68 = vector.broadcast %broadcast_in_dim3A_67 : f32 to vector<16xf32>
      %swap3A_69 = arith.constant 0 : i32
      %swap3A_70 = arith.index_cast %swap3A_69 : i32 to index
      %swap3A_71 = arith.index_cast %add3A_59 : i32 to index
      %swap3A_72 = arith.constant 16 : index
      %swap3A_73 = tpu.vector_load %arg8[%swap3A_70, %swap3A_71, %swap3A_72] {strides = array<i32>} : memref<2x64x128xf32, #tpu.memory_space<vmem>>, vector<1x1x16xf32>,
      %swap3A_74 = vector.shape_cast %swap3A_73 : vector<1x1x16xf32> to vector<16xf32>
      %swap3A_75 = vector.shape_cast %broadcast_in_dim3A_68 : vector<16xf32> to vector<1x1x16xf32>
      tpu.vector_store %arg8[%swap3A_70, %swap3A_71, %swap3A_72], %swap3A_75 {strides = array<i32>} : memref<2x64x128xf32, #tpu.memory_space<vmem>>, vector<1x1x16xf32>,
      %broadcast_in_dim3A_76 = arith.constant 0.000000e+00 : f32
      %broadcast_in_dim3A_77 = vector.broadcast %broadcast_in_dim3A_76 : f32 to vector<16xf32>
      %swap3A_78 = arith.constant 0 : i32
      %swap3A_79 = arith.index_cast %swap3A_78 : i32 to index
      %swap3A_80 = arith.index_cast %add3A_59 : i32 to index
      %swap3A_81 = arith.constant 32 : index
      %swap3A_82 = tpu.vector_load %arg8[%swap3A_79, %swap3A_80, %swap3A_81] {strides = array<i32>} : memref<2x64x128xf32, #tpu.memory_space<vmem>>, vector<1x1x16xf32>,
      %swap3A_83 = vector.shape_cast %swap3A_82 : vector<1x1x16xf32> to vector<16xf32>
      %swap3A_84 = vector.shape_cast %broadcast_in_dim3A_77 : vector<16xf32> to vector<1x1x16xf32>
      tpu.vector_store %arg8[%swap3A_79, %swap3A_80, %swap3A_81], %swap3A_84 {strides = array<i32>} : memref<2x64x128xf32, #tpu.memory_space<vmem>>, vector<1x1x16xf32>,
      %broadcast_in_dim3A_85 = arith.constant 0.000000e+00 : f32
      %broadcast_in_dim3A_86 = vector.broadcast %broadcast_in_dim3A_85 : f32 to vector<16xf32>
      %swap3A_87 = arith.constant 0 : i32
      %swap3A_88 = arith.index_cast %swap3A_87 : i32 to index
      %swap3A_89 = arith.index_cast %add3A_59 : i32 to index
      %swap3A_90 = arith.constant 48 : index
      %swap3A_91 = tpu.vector_load %arg8[%swap3A_88, %swap3A_89, %swap3A_90] {strides = array<i32>} : memref<2x64x128xf32, #tpu.memory_space<vmem>>, vector<1x1x16xf32>,
      %swap3A_92 = vector.shape_cast %swap3A_91 : vector<1x1x16xf32> to vector<16xf32>
      %swap3A_93 = vector.shape_cast %broadcast_in_dim3A_86 : vector<16xf32> to vector<1x1x16xf32>
      tpu.vector_store %arg8[%swap3A_88, %swap3A_89, %swap3A_90], %swap3A_93 {strides = array<i32>} : memref<2x64x128xf32, #tpu.memory_space<vmem>>, vector<1x1x16xf32>,
      %broadcast_in_dim3A_94 = arith.constant 0.000000e+00 : f32
      %broadcast_in_dim3A_95 = vector.broadcast %broadcast_in_dim3A_94 : f32 to vector<16xf32>
      %swap3A_96 = arith.constant 0 : i32
      %swap3A_97 = arith.index_cast %swap3A_96 : i32 to index
      %swap3A_98 = arith.index_cast %add3A_59 : i32 to index
      %swap3A_99 = arith.constant 64 : index
      %swap3A_100 = tpu.vector_load %arg8[%swap3A_97, %swap3A_98, %swap3A_99] {strides = array<i32>} : memref<2x64x128xf32, #tpu.memory_space<vmem>>, vector<1x1x16xf32>,
      %swap3A_101 = vector.shape_cast %swap3A_100 : vector<1x1x16xf32> to vector<16xf32>
      %swap3A_102 = vector.shape_cast %broadcast_in_dim3A_95 : vector<16xf32> to vector<1x1x16xf32>
      tpu.vector_store %arg8[%swap3A_97, %swap3A_98, %swap3A_99], %swap3A_102 {strides = array<i32>} : memref<2x64x128xf32, #tpu.memory_space<vmem>>, vector<1x1x16xf32>,
      %broadcast_in_dim3A_103 = arith.constant 0.000000e+00 : f32
      %broadcast_in_dim3A_104 = vector.broadcast %broadcast_in_dim3A_103 : f32 to vector<16xf32>
      %swap3A_105 = arith.constant 0 : i32
      %swap3A_106 = arith.index_cast %swap3A_105 : i32 to index
      %swap3A_107 = arith.index_cast %add3A_59 : i32 to index
      %swap3A_108 = arith.constant 80 : index
      %swap3A_109 = tpu.vector_load %arg8[%swap3A_106, %swap3A_107, %swap3A_108] {strides = array<i32>} : memref<2x64x128xf32, #tpu.memory_space<vmem>>, vector<1x1x16xf32>,
      %swap3A_110 = vector.shape_cast %swap3A_109 : vector<1x1x16xf32> to vector<16xf32>
      %swap3A_111 = vector.shape_cast %broadcast_in_dim3A_104 : vector<16xf32> to vector<1x1x16xf32>
      tpu.vector_store %arg8[%swap3A_106, %swap3A_107, %swap3A_108], %swap3A_111 {strides = array<i32>} : memref<2x64x128xf32, #tpu.memory_space<vmem>>, vector<1x1x16xf32>,
      %broadcast_in_dim3A_112 = arith.constant 0.000000e+00 : f32
      %broadcast_in_dim3A_113 = vector.broadcast %broadcast_in_dim3A_112 : f32 to vector<16xf32>
      %swap3A_114 = arith.constant 0 : i32
      %swap3A_115 = arith.index_cast %swap3A_114 : i32 to index
      %swap3A_116 = arith.index_cast %add3A_59 : i32 to index
      %swap3A_117 = arith.constant 96 : index
      %swap3A_118 = tpu.vector_load %arg8[%swap3A_115, %swap3A_116, %swap3A_117] {strides = array<i32>} : memref<2x64x128xf32, #tpu.memory_space<vmem>>, vector<1x1x16xf32>,
      %swap3A_119 = vector.shape_cast %swap3A_118 : vector<1x1x16xf32> to vector<16xf32>
      %swap3A_120 = vector.shape_cast %broadcast_in_dim3A_113 : vector<16xf32> to vector<1x1x16xf32>
      tpu.vector_store %arg8[%swap3A_115, %swap3A_116, %swap3A_117], %swap3A_120 {strides = array<i32>} : memref<2x64x128xf32, #tpu.memory_space<vmem>>, vector<1x1x16xf32>,
      %broadcast_in_dim3A_121 = arith.constant 0.000000e+00 : f32
      %broadcast_in_dim3A_122 = vector.broadcast %broadcast_in_dim3A_121 : f32 to vector<16xf32>
      %swap3A_123 = arith.constant 0 : i32
      %swap3A_124 = arith.index_cast %swap3A_123 : i32 to index
      %swap3A_125 = arith.index_cast %add3A_59 : i32 to index
      %swap3A_126 = arith.constant 112 : index
      %swap3A_127 = tpu.vector_load %arg8[%swap3A_124, %swap3A_125, %swap3A_126] {strides = array<i32>} : memref<2x64x128xf32, #tpu.memory_space<vmem>>, vector<1x1x16xf32>,
      %swap3A_128 = vector.shape_cast %swap3A_127 : vector<1x1x16xf32> to vector<16xf32>
      %swap3A_129 = vector.shape_cast %broadcast_in_dim3A_122 : vector<16xf32> to vector<1x1x16xf32>
      tpu.vector_store %arg8[%swap3A_124, %swap3A_125, %swap3A_126], %swap3A_129 {strides = array<i32>} : memref<2x64x128xf32, #tpu.memory_space<vmem>>, vector<1x1x16xf32>,
    }
    %scan3A_4 = arith.constant 64 : i32
    %sub3A = arith.constant 160 : i32
    %sub3A_5 = arith.subi %sub3A, %arg1 : i32
    %sub3A_6 = arith.constant 16 : i32
    %sub3A_7 = arith.constant 1 : i32
    %sub3A_8 = arith.subi %sub3A_6, %sub3A_7 : i32
    %add3A_9 = arith.addi %sub3A_5, %sub3A_8 : i32
    %div3A = arith.constant 16 : i32
    %div3A_10 = arith.divsi %add3A_9, %div3A : i32
    %while3A = arith.constant 16 : i32
    %while3A_11 = arith.constant 0 : i32
    %while3A_12 = arith.subi %div3A_10, %while3A_11 : i32
    %while3A_13 = arith.addi %while3A_11, %while3A_12 : i32
    %while3A_14 = arith.constant 1 : i32
    %while3A_15 = arith.divsi %while3A_12, %while3A_14 : i32
    %while3A_16 = arith.muli %while3A_15, %while3A_14 : i32
    %while3A_17 = arith.addi %while3A_11, %while3A_16 : i32
    %while3A_18 = arith.constant 1 : i32
    scf.for %while3A_55 = %while3A_11 to %while3A_17 step %while3A_18  : i32 {
      %mul3A_56 = arith.muli %while3A_55, %while3A : i32
      %add3A_57 = arith.addi %arg1, %mul3A_56 : i32
      %mul3A_58 = arith.constant 64 : i32
      %mul3A_59 = arith.muli %add3A_57, %mul3A_58 : i32
      %run_scoped3A = arith.constant 0 : i32
      "tpu.region"() ({
        %run_scoped3A_60 = tpu.sem_alloc : memref<!tpu.dma_semaphore, #tpu.memory_space<semaphore_mem>>
        %dma_start3A_61 = arith.constant 0 : i32
        %dma_start3A_62 = arith.constant 0 : i32
        %dma_start3A_63 = tpu.memref_slice %arg8[%run_scoped3A, %dma_start3A_61, %dma_start3A_62] : memref<2x64x128xf32, #tpu.memory_space<vmem>> -> memref<1x64x128xf32, #tpu.memory_space<vmem>>
        %dma_start3A_64 = tpu.memref_squeeze %dma_start3A_63 : memref<1x64x128xf32, #tpu.memory_space<vmem>> -> memref<64x128xf32, #tpu.memory_space<vmem>>
        %dma_start3A_65 = arith.constant 0 : i32
        %dma_start3A_66 = tpu.memref_slice %arg9[%mul3A_59, %dma_start3A_65] : memref<10240x128xf32, #tpu.memory_space<vmem_shared>> -> memref<64x128xf32, #tpu.memory_space<vmem_shared>>
        %dma_start3A_67 = arith.constant 0 : i32
        %dma_start3A_68 = tpu.memref_slice %arg9[%mul3A_59, %dma_start3A_67] : memref<10240x128xf32, #tpu.memory_space<vmem_shared>> -> memref<64x128xf32, #tpu.memory_space<vmem_shared>>
        %dma_start3A_69 = arith.constant 0 : i32
        %dma_start3A_70 = arith.constant 0 : i32
        %dma_start3A_71 = tpu.memref_slice %arg8[%run_scoped3A, %dma_start3A_69, %dma_start3A_70] : memref<2x64x128xf32, #tpu.memory_space<vmem>> -> memref<1x64x128xf32, #tpu.memory_space<vmem>>
        %dma_start3A_72 = tpu.memref_squeeze %dma_start3A_71 : memref<1x64x128xf32, #tpu.memory_space<vmem>> -> memref<64x128xf32, #tpu.memory_space<vmem>>
        tpu.enqueue_dma source(%dma_start3A_72 : memref<64x128xf32, #tpu.memory_space<vmem>>) target(%dma_start3A_68 : memref<64x128xf32, #tpu.memory_space<vmem_shared>>) target_semaphore(%run_scoped3A_60 : memref<!tpu.dma_semaphore, #tpu.memory_space<semaphore_mem>>)
        %dma_wait3A = arith.constant 0 : i32
        %dma_wait3A_73 = arith.constant 0 : i32
        %dma_wait3A_74 = tpu.memref_slice %arg8[%run_scoped3A, %dma_wait3A, %dma_wait3A_73] : memref<2x64x128xf32, #tpu.memory_space<vmem>> -> memref<1x64x128xf32, #tpu.memory_space<vmem>>
        %dma_wait3A_75 = tpu.memref_squeeze %dma_wait3A_74 : memref<1x64x128xf32, #tpu.memory_space<vmem>> -> memref<64x128xf32, #tpu.memory_space<vmem>>
        %dma_wait3A_76 = arith.constant 0 : i32
        %dma_wait3A_77 = tpu.memref_slice %arg9[%mul3A_59, %dma_wait3A_76] : memref<10240x128xf32, #tpu.memory_space<vmem_shared>> -> memref<64x128xf32, #tpu.memory_space<vmem_shared>>
        %dma_wait3A_78 = arith.constant 0 : i32
        %dma_wait3A_79 = tpu.memref_slice %arg9[%mul3A_59, %dma_wait3A_78] : memref<10240x128xf32, #tpu.memory_space<vmem_shared>> -> memref<64x128xf32, #tpu.memory_space<vmem_shared>>
        %dma_wait3A_80 = arith.constant 0 : i32
        %dma_wait3A_81 = arith.constant 0 : i32
        %dma_wait3A_82 = tpu.memref_slice %arg8[%run_scoped3A, %dma_wait3A_80, %dma_wait3A_81] : memref<2x64x128xf32, #tpu.memory_space<vmem>> -> memref<1x64x128xf32, #tpu.memory_space<vmem>>
        %dma_wait3A_83 = tpu.memref_squeeze %dma_wait3A_82 : memref<1x64x128xf32, #tpu.memory_space<vmem>> -> memref<64x128xf32, #tpu.memory_space<vmem>>
        tpu.wait_dma2 semaphore(%run_scoped3A_60 : memref<!tpu.dma_semaphore, #tpu.memory_space<semaphore_mem>>) src(%dma_wait3A_83 : memref<64x128xf32, #tpu.memory_space<vmem>>) dst(%dma_wait3A_79 : memref<64x128xf32, #tpu.memory_space<vmem_shared>>)
        tpu.yield
      }) : () -> ()
    }
    %while3A_19 = arith.constant 1 : i32
    scf.for %while3A_55 = %while3A_17 to %while3A_13 step %while3A_19  : i32 {
      %mul3A_56 = arith.muli %while3A_55, %while3A : i32
      %add3A_57 = arith.addi %arg1, %mul3A_56 : i32
      %mul3A_58 = arith.constant 64 : i32
      %mul3A_59 = arith.muli %add3A_57, %mul3A_58 : i32
      %run_scoped3A = arith.constant 0 : i32
      "tpu.region"() ({
        %run_scoped3A_60 = tpu.sem_alloc : memref<!tpu.dma_semaphore, #tpu.memory_space<semaphore_mem>>
        %dma_start3A_61 = arith.constant 0 : i32
        %dma_start3A_62 = arith.constant 0 : i32
        %dma_start3A_63 = tpu.memref_slice %arg8[%run_scoped3A, %dma_start3A_61, %dma_start3A_62] : memref<2x64x128xf32, #tpu.memory_space<vmem>> -> memref<1x64x128xf32, #tpu.memory_space<vmem>>
        %dma_start3A_64 = tpu.memref_squeeze %dma_start3A_63 : memref<1x64x128xf32, #tpu.memory_space<vmem>> -> memref<64x128xf32, #tpu.memory_space<vmem>>
        %dma_start3A_65 = arith.constant 0 : i32
        %dma_start3A_66 = tpu.memref_slice %arg9[%mul3A_59, %dma_start3A_65] : memref<10240x128xf32, #tpu.memory_space<vmem_shared>> -> memref<64x128xf32, #tpu.memory_space<vmem_shared>>
        %dma_start3A_67 = arith.constant 0 : i32
        %dma_start3A_68 = tpu.memref_slice %arg9[%mul3A_59, %dma_start3A_67] : memref<10240x128xf32, #tpu.memory_space<vmem_shared>> -> memref<64x128xf32, #tpu.memory_space<vmem_shared>>
        %dma_start3A_69 = arith.constant 0 : i32
        %dma_start3A_70 = arith.constant 0 : i32
        %dma_start3A_71 = tpu.memref_slice %arg8[%run_scoped3A, %dma_start3A_69, %dma_start3A_70] : memref<2x64x128xf32, #tpu.memory_space<vmem>> -> memref<1x64x128xf32, #tpu.memory_space<vmem>>
        %dma_start3A_72 = tpu.memref_squeeze %dma_start3A_71 : memref<1x64x128xf32, #tpu.memory_space<vmem>> -> memref<64x128xf32, #tpu.memory_space<vmem>>
        tpu.enqueue_dma source(%dma_start3A_72 : memref<64x128xf32, #tpu.memory_space<vmem>>) target(%dma_start3A_68 : memref<64x128xf32, #tpu.memory_space<vmem_shared>>) target_semaphore(%run_scoped3A_60 : memref<!tpu.dma_semaphore, #tpu.memory_space<semaphore_mem>>)
        %dma_wait3A = arith.constant 0 : i32
        %dma_wait3A_73 = arith.constant 0 : i32
        %dma_wait3A_74 = tpu.memref_slice %arg8[%run_scoped3A, %dma_wait3A, %dma_wait3A_73] : memref<2x64x128xf32, #tpu.memory_space<vmem>> -> memref<1x64x128xf32, #tpu.memory_space<vmem>>
        %dma_wait3A_75 = tpu.memref_squeeze %dma_wait3A_74 : memref<1x64x128xf32, #tpu.memory_space<vmem>> -> memref<64x128xf32, #tpu.memory_space<vmem>>
        %dma_wait3A_76 = arith.constant 0 : i32
        %dma_wait3A_77 = tpu.memref_slice %arg9[%mul3A_59, %dma_wait3A_76] : memref<10240x128xf32, #tpu.memory_space<vmem_shared>> -> memref<64x128xf32, #tpu.memory_space<vmem_shared>>
        %dma_wait3A_78 = arith.constant 0 : i32
        %dma_wait3A_79 = tpu.memref_slice %arg9[%mul3A_59, %dma_wait3A_78] : memref<10240x128xf32, #tpu.memory_space<vmem_shared>> -> memref<64x128xf32, #tpu.memory_space<vmem_shared>>
        %dma_wait3A_80 = arith.constant 0 : i32
        %dma_wait3A_81 = arith.constant 0 : i32
        %dma_wait3A_82 = tpu.memref_slice %arg8[%run_scoped3A, %dma_wait3A_80, %dma_wait3A_81] : memref<2x64x128xf32, #tpu.memory_space<vmem>> -> memref<1x64x128xf32, #tpu.memory_space<vmem>>
        %dma_wait3A_83 = tpu.memref_squeeze %dma_wait3A_82 : memref<1x64x128xf32, #tpu.memory_space<vmem>> -> memref<64x128xf32, #tpu.memory_space<vmem>>
        tpu.wait_dma2 semaphore(%run_scoped3A_60 : memref<!tpu.dma_semaphore, #tpu.memory_space<semaphore_mem>>) src(%dma_wait3A_83 : memref<64x128xf32, #tpu.memory_space<vmem>>) dst(%dma_wait3A_79 : memref<64x128xf32, #tpu.memory_space<vmem_shared>>)
        tpu.yield
      }) : () -> ()
    }
    %barrier3A = arith.constant 0 : index
    tpu.barrier barrier_id(%barrier3A)
    %dma_start3A = arith.constant 0 : i32
    %dma_start3A_20 = arith.constant 0 : i32
    %dma_start3A_21 = arith.constant 0 : i32
    %dma_start3A_22 = arith.constant 0 : i32
    %dma_start3A_23 = tpu.memref_slice %arg8[%dma_start3A_20, %dma_start3A_21, %dma_start3A_22] : memref<2x64x128xf32, #tpu.memory_space<vmem>> -> memref<1x64x128xf32, #tpu.memory_space<vmem>>
    %dma_start3A_24 = tpu.memref_squeeze %dma_start3A_23 : memref<1x64x128xf32, #tpu.memory_space<vmem>> -> memref<64x128xf32, #tpu.memory_space<vmem>>
    %dma_start3A_25 = arith.constant 0 : i32
    %dma_start3A_26 = tpu.memref_slice %arg6[%dma_start3A, %dma_start3A_25] : memref<80x128xi32, #tpu.memory_space<vmem>> -> memref<1x64xi32, #tpu.memory_space<vmem>>
    %dma_start3A_27 = tpu.memref_squeeze %dma_start3A_26 : memref<1x64xi32, #tpu.memory_space<vmem>> -> memref<64xi32, #tpu.memory_space<vmem>>
    %dma_start3A_28 = arith.constant 0 : i32
    %dma_start3A_29 = arith.constant 0 : i32
    %dma_start3A_30 = tpu.memref_slice %arg4[%dma_start3A_28, %dma_start3A_29] : memref<10000x128xf32, #tpu.memory_space<hbm>> -> memref<10000x128xf32, #tpu.memory_space<hbm>>
    tpu.enqueue_indirect_dma source(%dma_start3A_30 : memref<10000x128xf32, #tpu.memory_space<hbm>>) target(%dma_start3A_24 : memref<64x128xf32, #tpu.memory_space<vmem>>) offsets(%dma_start3A_27 : memref<64xi32, #tpu.memory_space<vmem>>) semaphore(%arg10 : memref<!tpu.dma_semaphore, #tpu.memory_space<semaphore_mem>>)
    %scan3A_31 = arith.constant 0 : i32
    %scan3A_32 = arith.constant 80 : i32
    %scan3A_33 = arith.addi %scan3A_31, %scan3A_32 : i32
    %scan3A_34 = arith.constant 1 : i32
    scf.for %scan3A_55 = %scan3A_31 to %scan3A_33 step %scan3A_34  : i32 {
      %mul3A_56 = arith.constant 1 : i32
      %mul3A_57 = arith.muli %scan3A_55, %mul3A_56 : i32
      %add3A_58 = arith.constant 0 : i32
      %add3A_59 = arith.addi %add3A_58, %mul3A_57 : i32
      %dma_start3A_60 = arith.constant 1 : i32
      %dma_start3A_61 = arith.constant 0 : i32
      %dma_start3A_62 = arith.constant 0 : i32
      %dma_start3A_63 = tpu.memref_slice %arg8[%dma_start3A_60, %dma_start3A_61, %dma_start3A_62] : memref<2x64x128xf32, #tpu.memory_space<vmem>> -> memref<1x64x128xf32, #tpu.memory_space<vmem>>
      %dma_start3A_64 = tpu.memref_squeeze %dma_start3A_63 : memref<1x64x128xf32, #tpu.memory_space<vmem>> -> memref<64x128xf32, #tpu.memory_space<vmem>>
      %dma_start3A_65 = arith.constant 64 : i32
      %dma_start3A_66 = tpu.memref_slice %arg6[%add3A_59, %dma_start3A_65] : memref<80x128xi32, #tpu.memory_space<vmem>> -> memref<1x64xi32, #tpu.memory_space<vmem>>
      %dma_start3A_67 = tpu.memref_squeeze %dma_start3A_66 : memref<1x64xi32, #tpu.memory_space<vmem>> -> memref<64xi32, #tpu.memory_space<vmem>>
      %dma_start3A_68 = arith.constant 0 : i32
      %dma_start3A_69 = arith.constant 0 : i32
      %dma_start3A_70 = tpu.memref_slice %arg4[%dma_start3A_68, %dma_start3A_69] : memref<10000x128xf32, #tpu.memory_space<hbm>> -> memref<10000x128xf32, #tpu.memory_space<hbm>>
      tpu.enqueue_indirect_dma source(%dma_start3A_70 : memref<10000x128xf32, #tpu.memory_space<hbm>>) target(%dma_start3A_64 : memref<64x128xf32, #tpu.memory_space<vmem>>) offsets(%dma_start3A_67 : memref<64xi32, #tpu.memory_space<vmem>>) semaphore(%arg11 : memref<!tpu.dma_semaphore, #tpu.memory_space<semaphore_mem>>)
      %dma_wait3A = arith.constant 0 : i32
      %dma_wait3A_71 = arith.constant 0 : i32
      %dma_wait3A_72 = arith.constant 0 : i32
      %dma_wait3A_73 = tpu.memref_slice %arg8[%dma_wait3A, %dma_wait3A_71, %dma_wait3A_72] : memref<2x64x128xf32, #tpu.memory_space<vmem>> -> memref<1x64x128xf32, #tpu.memory_space<vmem>>
      %dma_wait3A_74 = tpu.memref_squeeze %dma_wait3A_73 : memref<1x64x128xf32, #tpu.memory_space<vmem>> -> memref<64x128xf32, #tpu.memory_space<vmem>>
      %dma_wait3A_75 = arith.constant 0 : i32
      %dma_wait3A_76 = tpu.memref_slice %arg6[%add3A_59, %dma_wait3A_75] : memref<80x128xi32, #tpu.memory_space<vmem>> -> memref<1x64xi32, #tpu.memory_space<vmem>>
      %dma_wait3A_77 = tpu.memref_squeeze %dma_wait3A_76 : memref<1x64xi32, #tpu.memory_space<vmem>> -> memref<64xi32, #tpu.memory_space<vmem>>
      %dma_wait3A_78 = arith.constant 0 : i32
      %dma_wait3A_79 = arith.constant 0 : i32
      %dma_wait3A_80 = tpu.memref_slice %arg4[%dma_wait3A_78, %dma_wait3A_79] : memref<10000x128xf32, #tpu.memory_space<hbm>> -> memref<10000x128xf32, #tpu.memory_space<hbm>>
      tpu.wait_indirect_dma semaphore(%arg10 : memref<!tpu.dma_semaphore, #tpu.memory_space<semaphore_mem>>) src(%dma_wait3A_80 : memref<10000x128xf32, #tpu.memory_space<hbm>>) dst(%dma_wait3A_74 : memref<64x128xf32, #tpu.memory_space<vmem>>)
      %run_scoped3A = arith.constant 0 : i32
      "tpu.region"() ({
        %run_scoped3A_97 = tpu.sem_alloc : memref<!tpu.dma_semaphore, #tpu.memory_space<semaphore_mem>>
        %dma_start3A_98 = arith.constant 0 : i32
        %dma_start3A_99 = arith.constant 0 : i32
        %dma_start3A_100 = tpu.memref_slice %arg8[%run_scoped3A, %dma_start3A_98, %dma_start3A_99] : memref<2x64x128xf32, #tpu.memory_space<vmem>> -> memref<1x64x128xf32, #tpu.memory_space<vmem>>
        %dma_start3A_101 = tpu.memref_squeeze %dma_start3A_100 : memref<1x64x128xf32, #tpu.memory_space<vmem>> -> memref<64x128xf32, #tpu.memory_space<vmem>>
        %dma_start3A_102 = arith.constant 0 : i32
        %dma_start3A_103 = tpu.memref_slice %arg7[%add3A_59, %dma_start3A_102] : memref<80x128xi32, #tpu.memory_space<vmem>> -> memref<1x64xi32, #tpu.memory_space<vmem>>
        %dma_start3A_104 = tpu.memref_squeeze %dma_start3A_103 : memref<1x64xi32, #tpu.memory_space<vmem>> -> memref<64xi32, #tpu.memory_space<vmem>>
        %dma_start3A_105 = arith.constant 0 : i32
        %dma_start3A_106 = arith.constant 0 : i32
        %dma_start3A_107 = tpu.memref_slice %arg9[%dma_start3A_105, %dma_start3A_106] : memref<10240x128xf32, #tpu.memory_space<vmem_shared>> -> memref<10240x128xf32, #tpu.memory_space<vmem_shared>>
        tpu.enqueue_indirect_dma source(%dma_start3A_101 : memref<64x128xf32, #tpu.memory_space<vmem>>) target(%dma_start3A_107 : memref<10240x128xf32, #tpu.memory_space<vmem_shared>>) offsets(%dma_start3A_104 : memref<64xi32, #tpu.memory_space<vmem>>) semaphore(%run_scoped3A_97 : memref<!tpu.dma_semaphore, #tpu.memory_space<semaphore_mem>>) {add = true}
        %dma_wait3A_108 = arith.constant 0 : i32
        %dma_wait3A_109 = arith.constant 0 : i32
        %dma_wait3A_110 = tpu.memref_slice %arg8[%run_scoped3A, %dma_wait3A_108, %dma_wait3A_109] : memref<2x64x128xf32, #tpu.memory_space<vmem>> -> memref<1x64x128xf32, #tpu.memory_space<vmem>>
        %dma_wait3A_111 = tpu.memref_squeeze %dma_wait3A_110 : memref<1x64x128xf32, #tpu.memory_space<vmem>> -> memref<64x128xf32, #tpu.memory_space<vmem>>
        %dma_wait3A_112 = arith.constant 0 : i32
        %dma_wait3A_113 = tpu.memref_slice %arg7[%add3A_59, %dma_wait3A_112] : memref<80x128xi32, #tpu.memory_space<vmem>> -> memref<1x64xi32, #tpu.memory_space<vmem>>
        %dma_wait3A_114 = tpu.memref_squeeze %dma_wait3A_113 : memref<1x64xi32, #tpu.memory_space<vmem>> -> memref<64xi32, #tpu.memory_space<vmem>>
        %dma_wait3A_115 = arith.constant 0 : i32
        %dma_wait3A_116 = arith.constant 0 : i32
        %dma_wait3A_117 = tpu.memref_slice %arg9[%dma_wait3A_115, %dma_wait3A_116] : memref<10240x128xf32, #tpu.memory_space<vmem_shared>> -> memref<10240x128xf32, #tpu.memory_space<vmem_shared>>
        tpu.wait_indirect_dma semaphore(%run_scoped3A_97 : memref<!tpu.dma_semaphore, #tpu.memory_space<semaphore_mem>>) src(%dma_wait3A_111 : memref<64x128xf32, #tpu.memory_space<vmem>>) dst(%dma_wait3A_117 : memref<10240x128xf32, #tpu.memory_space<vmem_shared>>)
        tpu.yield
      }) : () -> ()
      %add3A_81 = arith.constant 1 : i32
      %add3A_82 = arith.addi %add3A_59, %add3A_81 : i32
      %lt3A = arith.constant 80 : i32
      %lt3A_83 = arith.cmpi slt, %add3A_82, %lt3A : i32
      %convert_element_type3A = arith.extui %lt3A_83 : i1 to i32
      %cond3A = arith.constant 0 : i32
      %cond3A_84 = arith.cmpi ne, %convert_element_type3A, %cond3A : i32
      scf.if %cond3A_84 {
        %add3A_97 = arith.constant 1 : i32
        %add3A_98 = arith.addi %add3A_59, %add3A_97 : i32
        %dma_start3A_99 = arith.constant 0 : i32
        %dma_start3A_100 = arith.constant 0 : i32
        %dma_start3A_101 = arith.constant 0 : i32
        %dma_start3A_102 = tpu.memref_slice %arg8[%dma_start3A_99, %dma_start3A_100, %dma_start3A_101] : memref<2x64x128xf32, #tpu.memory_space<vmem>> -> memref<1x64x128xf32, #tpu.memory_space<vmem>>
        %dma_start3A_103 = tpu.memref_squeeze %dma_start3A_102 : memref<1x64x128xf32, #tpu.memory_space<vmem>> -> memref<64x128xf32, #tpu.memory_space<vmem>>
        %dma_start3A_104 = arith.constant 0 : i32
        %dma_start3A_105 = tpu.memref_slice %arg6[%add3A_98, %dma_start3A_104] : memref<80x128xi32, #tpu.memory_space<vmem>> -> memref<1x64xi32, #tpu.memory_space<vmem>>
        %dma_start3A_106 = tpu.memref_squeeze %dma_start3A_105 : memref<1x64xi32, #tpu.memory_space<vmem>> -> memref<64xi32, #tpu.memory_space<vmem>>
        %dma_start3A_107 = arith.constant 0 : i32
        %dma_start3A_108 = arith.constant 0 : i32
        %dma_start3A_109 = tpu.memref_slice %arg4[%dma_start3A_107, %dma_start3A_108] : memref<10000x128xf32, #tpu.memory_space<hbm>> -> memref<10000x128xf32, #tpu.memory_space<hbm>>
        tpu.enqueue_indirect_dma source(%dma_start3A_109 : memref<10000x128xf32, #tpu.memory_space<hbm>>) target(%dma_start3A_103 : memref<64x128xf32, #tpu.memory_space<vmem>>) offsets(%dma_start3A_106 : memref<64xi32, #tpu.memory_space<vmem>>) semaphore(%arg10 : memref<!tpu.dma_semaphore, #tpu.memory_space<semaphore_mem>>)
      } else {
      }
      %dma_wait3A_85 = arith.constant 1 : i32
      %dma_wait3A_86 = arith.constant 0 : i32
      %dma_wait3A_87 = arith.constant 0 : i32
      %dma_wait3A_88 = tpu.memref_slice %arg8[%dma_wait3A_85, %dma_wait3A_86, %dma_wait3A_87] : memref<2x64x128xf32, #tpu.memory_space<vmem>> -> memref<1x64x128xf32, #tpu.memory_space<vmem>>
      %dma_wait3A_89 = tpu.memref_squeeze %dma_wait3A_88 : memref<1x64x128xf32, #tpu.memory_space<vmem>> -> memref<64x128xf32, #tpu.memory_space<vmem>>
      %dma_wait3A_90 = arith.constant 64 : i32
      %dma_wait3A_91 = tpu.memref_slice %arg6[%add3A_59, %dma_wait3A_90] : memref<80x128xi32, #tpu.memory_space<vmem>> -> memref<1x64xi32, #tpu.memory_space<vmem>>
      %dma_wait3A_92 = tpu.memref_squeeze %dma_wait3A_91 : memref<1x64xi32, #tpu.memory_space<vmem>> -> memref<64xi32, #tpu.memory_space<vmem>>
      %dma_wait3A_93 = arith.constant 0 : i32
      %dma_wait3A_94 = arith.constant 0 : i32
      %dma_wait3A_95 = tpu.memref_slice %arg4[%dma_wait3A_93, %dma_wait3A_94] : memref<10000x128xf32, #tpu.memory_space<hbm>> -> memref<10000x128xf32, #tpu.memory_space<hbm>>
      tpu.wait_indirect_dma semaphore(%arg11 : memref<!tpu.dma_semaphore, #tpu.memory_space<semaphore_mem>>) src(%dma_wait3A_95 : memref<10000x128xf32, #tpu.memory_space<hbm>>) dst(%dma_wait3A_89 : memref<64x128xf32, #tpu.memory_space<vmem>>)
      %run_scoped3A_96 = arith.constant 1 : i32
      "tpu.region"() ({
        %run_scoped3A_97 = tpu.sem_alloc : memref<!tpu.dma_semaphore, #tpu.memory_space<semaphore_mem>>
        %dma_start3A_98 = arith.constant 0 : i32
        %dma_start3A_99 = arith.constant 0 : i32
        %dma_start3A_100 = tpu.memref_slice %arg8[%run_scoped3A_96, %dma_start3A_98, %dma_start3A_99] : memref<2x64x128xf32, #tpu.memory_space<vmem>> -> memref<1x64x128xf32, #tpu.memory_space<vmem>>
        %dma_start3A_101 = tpu.memref_squeeze %dma_start3A_100 : memref<1x64x128xf32, #tpu.memory_space<vmem>> -> memref<64x128xf32, #tpu.memory_space<vmem>>
        %dma_start3A_102 = arith.constant 64 : i32
        %dma_start3A_103 = tpu.memref_slice %arg7[%add3A_59, %dma_start3A_102] : memref<80x128xi32, #tpu.memory_space<vmem>> -> memref<1x64xi32, #tpu.memory_space<vmem>>
        %dma_start3A_104 = tpu.memref_squeeze %dma_start3A_103 : memref<1x64xi32, #tpu.memory_space<vmem>> -> memref<64xi32, #tpu.memory_space<vmem>>
        %dma_start3A_105 = arith.constant 0 : i32
        %dma_start3A_106 = arith.constant 0 : i32
        %dma_start3A_107 = tpu.memref_slice %arg9[%dma_start3A_105, %dma_start3A_106] : memref<10240x128xf32, #tpu.memory_space<vmem_shared>> -> memref<10240x128xf32, #tpu.memory_space<vmem_shared>>
        tpu.enqueue_indirect_dma source(%dma_start3A_101 : memref<64x128xf32, #tpu.memory_space<vmem>>) target(%dma_start3A_107 : memref<10240x128xf32, #tpu.memory_space<vmem_shared>>) offsets(%dma_start3A_104 : memref<64xi32, #tpu.memory_space<vmem>>) semaphore(%run_scoped3A_97 : memref<!tpu.dma_semaphore, #tpu.memory_space<semaphore_mem>>) {add = true}
        %dma_wait3A_108 = arith.constant 0 : i32
        %dma_wait3A_109 = arith.constant 0 : i32
        %dma_wait3A_110 = tpu.memref_slice %arg8[%run_scoped3A_96, %dma_wait3A_108, %dma_wait3A_109] : memref<2x64x128xf32, #tpu.memory_space<vmem>> -> memref<1x64x128xf32, #tpu.memory_space<vmem>>
        %dma_wait3A_111 = tpu.memref_squeeze %dma_wait3A_110 : memref<1x64x128xf32, #tpu.memory_space<vmem>> -> memref<64x128xf32, #tpu.memory_space<vmem>>
        %dma_wait3A_112 = arith.constant 64 : i32
        %dma_wait3A_113 = tpu.memref_slice %arg7[%add3A_59, %dma_wait3A_112] : memref<80x128xi32, #tpu.memory_space<vmem>> -> memref<1x64xi32, #tpu.memory_space<vmem>>
        %dma_wait3A_114 = tpu.memref_squeeze %dma_wait3A_113 : memref<1x64xi32, #tpu.memory_space<vmem>> -> memref<64xi32, #tpu.memory_space<vmem>>
        %dma_wait3A_115 = arith.constant 0 : i32
        %dma_wait3A_116 = arith.constant 0 : i32
        %dma_wait3A_117 = tpu.memref_slice %arg9[%dma_wait3A_115, %dma_wait3A_116] : memref<10240x128xf32, #tpu.memory_space<vmem_shared>> -> memref<10240x128xf32, #tpu.memory_space<vmem_shared>>
        tpu.wait_indirect_dma semaphore(%run_scoped3A_97 : memref<!tpu.dma_semaphore, #tpu.memory_space<semaphore_mem>>) src(%dma_wait3A_111 : memref<64x128xf32, #tpu.memory_space<vmem>>) dst(%dma_wait3A_117 : memref<10240x128xf32, #tpu.memory_space<vmem_shared>>)
        tpu.yield
      }) : () -> ()
    }
    %scan3A_35 = arith.constant 80 : i32
    %barrier3A_36 = arith.constant 0 : index
    tpu.barrier barrier_id(%barrier3A_36)
    %sub3A_37 = arith.constant 50 : i32
    %sub3A_38 = arith.subi %sub3A_37, %arg1 : i32
    %sub3A_39 = arith.constant 16 : i32
    %sub3A_40 = arith.constant 1 : i32
    %sub3A_41 = arith.subi %sub3A_39, %sub3A_40 : i32
    %add3A_42 = arith.addi %sub3A_38, %sub3A_41 : i32
    %div3A_43 = arith.constant 16 : i32
    %div3A_44 = arith.divsi %add3A_42, %div3A_43 : i32
    %while3A_45 = arith.constant 16 : i32
    %while3A_46 = arith.constant 0 : i32
    %while3A_47 = arith.subi %div3A_44, %while3A_46 : i32
    %while3A_48 = arith.addi %while3A_46, %while3A_47 : i32
    %while3A_49 = arith.constant 1 : i32
    %while3A_50 = arith.divsi %while3A_47, %while3A_49 : i32
    %while3A_51 = arith.muli %while3A_50, %while3A_49 : i32
    %while3A_52 = arith.addi %while3A_46, %while3A_51 : i32
    %while3A_53 = arith.constant 1 : i32
    scf.for %while3A_55 = %while3A_46 to %while3A_52 step %while3A_53  : i32 {
      %mul3A_56 = arith.muli %while3A_55, %while3A_45 : i32
      %add3A_57 = arith.addi %arg1, %mul3A_56 : i32
      %mul3A_58 = arith.constant 200 : i32
      %mul3A_59 = arith.muli %add3A_57, %mul3A_58 : i32
      %mul3A_60 = arith.constant 200 : i32
      %mul3A_61 = arith.muli %add3A_57, %mul3A_60 : i32
      "tpu.region"() ({
        %run_scoped3A = tpu.sem_alloc : memref<!tpu.dma_semaphore, #tpu.memory_space<semaphore_mem>>
        %dma_start3A_62 = arith.constant 0 : i32
        %dma_start3A_63 = tpu.memref_slice %arg5[%arg0, %mul3A_61, %dma_start3A_62] : memref<2x10000x128xf32, #tpu.memory_space<hbm>> -> memref<1x200x128xf32, #tpu.memory_space<hbm>>
        %dma_start3A_64 = tpu.memref_squeeze %dma_start3A_63 : memref<1x200x128xf32, #tpu.memory_space<hbm>> -> memref<200x128xf32, #tpu.memory_space<hbm>>
        %dma_start3A_65 = arith.constant 0 : i32
        %dma_start3A_66 = tpu.memref_slice %arg9[%mul3A_59, %dma_start3A_65] : memref<10240x128xf32, #tpu.memory_space<vmem_shared>> -> memref<200x128xf32, #tpu.memory_space<vmem_shared>>
        tpu.enqueue_dma source(%dma_start3A_66 : memref<200x128xf32, #tpu.memory_space<vmem_shared>>) target(%dma_start3A_64 : memref<200x128xf32, #tpu.memory_space<hbm>>) target_semaphore(%run_scoped3A : memref<!tpu.dma_semaphore, #tpu.memory_space<semaphore_mem>>)
        %dma_wait3A = arith.constant 0 : i32
        %dma_wait3A_67 = tpu.memref_slice %arg5[%arg0, %mul3A_61, %dma_wait3A] : memref<2x10000x128xf32, #tpu.memory_space<hbm>> -> memref<1x200x128xf32, #tpu.memory_space<hbm>>
        %dma_wait3A_68 = tpu.memref_squeeze %dma_wait3A_67 : memref<1x200x128xf32, #tpu.memory_space<hbm>> -> memref<200x128xf32, #tpu.memory_space<hbm>>
        %dma_wait3A_69 = arith.constant 0 : i32
        %dma_wait3A_70 = tpu.memref_slice %arg9[%mul3A_59, %dma_wait3A_69] : memref<10240x128xf32, #tpu.memory_space<vmem_shared>> -> memref<200x128xf32, #tpu.memory_space<vmem_shared>>
        tpu.wait_dma2 semaphore(%run_scoped3A : memref<!tpu.dma_semaphore, #tpu.memory_space<semaphore_mem>>) src(%dma_wait3A_70 : memref<200x128xf32, #tpu.memory_space<vmem_shared>>) dst(%dma_wait3A_68 : memref<200x128xf32, #tpu.memory_space<hbm>>)
        tpu.yield
      }) : () -> ()
    }
    %while3A_54 = arith.constant 1 : i32
    scf.for %while3A_55 = %while3A_52 to %while3A_48 step %while3A_54  : i32 {
      %mul3A_56 = arith.muli %while3A_55, %while3A_45 : i32
      %add3A_57 = arith.addi %arg1, %mul3A_56 : i32
      %mul3A_58 = arith.constant 200 : i32
      %mul3A_59 = arith.muli %add3A_57, %mul3A_58 : i32
      %mul3A_60 = arith.constant 200 : i32
      %mul3A_61 = arith.muli %add3A_57, %mul3A_60 : i32
      "tpu.region"() ({
        %run_scoped3A = tpu.sem_alloc : memref<!tpu.dma_semaphore, #tpu.memory_space<semaphore_mem>>
        %dma_start3A_62 = arith.constant 0 : i32
        %dma_start3A_63 = tpu.memref_slice %arg5[%arg0, %mul3A_61, %dma_start3A_62] : memref<2x10000x128xf32, #tpu.memory_space<hbm>> -> memref<1x200x128xf32, #tpu.memory_space<hbm>>
        %dma_start3A_64 = tpu.memref_squeeze %dma_start3A_63 : memref<1x200x128xf32, #tpu.memory_space<hbm>> -> memref<200x128xf32, #tpu.memory_space<hbm>>
        %dma_start3A_65 = arith.constant 0 : i32
        %dma_start3A_66 = tpu.memref_slice %arg9[%mul3A_59, %dma_start3A_65] : memref<10240x128xf32, #tpu.memory_space<vmem_shared>> -> memref<200x128xf32, #tpu.memory_space<vmem_shared>>
        tpu.enqueue_dma source(%dma_start3A_66 : memref<200x128xf32, #tpu.memory_space<vmem_shared>>) target(%dma_start3A_64 : memref<200x128xf32, #tpu.memory_space<hbm>>) target_semaphore(%run_scoped3A : memref<!tpu.dma_semaphore, #tpu.memory_space<semaphore_mem>>)
        %dma_wait3A = arith.constant 0 : i32
        %dma_wait3A_67 = tpu.memref_slice %arg5[%arg0, %mul3A_61, %dma_wait3A] : memref<2x10000x128xf32, #tpu.memory_space<hbm>> -> memref<1x200x128xf32, #tpu.memory_space<hbm>>
        %dma_wait3A_68 = tpu.memref_squeeze %dma_wait3A_67 : memref<1x200x128xf32, #tpu.memory_space<hbm>> -> memref<200x128xf32, #tpu.memory_space<hbm>>
        %dma_wait3A_69 = arith.constant 0 : i32
        %dma_wait3A_70 = tpu.memref_slice %arg9[%mul3A_59, %dma_wait3A_69] : memref<10240x128xf32, #tpu.memory_space<vmem_shared>> -> memref<200x128xf32, #tpu.memory_space<vmem_shared>>
        tpu.wait_dma2 semaphore(%run_scoped3A : memref<!tpu.dma_semaphore, #tpu.memory_space<semaphore_mem>>) src(%dma_wait3A_70 : memref<200x128xf32, #tpu.memory_space<vmem_shared>>) dst(%dma_wait3A_68 : memref<200x128xf32, #tpu.memory_space<hbm>>)
        tpu.yield
      }) : () -> ()
    }
    return
  }
}

#map = affine_map<(d0, d1) -> (0, 0, 0)>
module attributes {stable_mosaic.version = 14 : i64} {
  func.func @deg_kernel(%arg0: i32, %arg1: i32, %arg2: memref<32x80x125xi32, #tpu.memory_space<hbm>>, %arg3: memref<2x10000x16xf32, #tpu.memory_space<hbm>>, %arg4: memref<80x125xi32, #tpu.memory_space<vmem>>, %arg5: memref<125x16xf32, #tpu.memory_space<vmem>>, %arg6: memref<10000x16xf32, #tpu.memory_space<vmem_shared>>) attributes {dimension_semantics = [#tpu.dimension_semantics<core_parallel>, #tpu.dimension_semantics<subcore_parallel>], iteration_bounds = array<i64: 2, 16>, scalar_prefetch = 0 : i64, scratch_operands = 3 : i64, tpu.core_type = #tpu.core_type<sc_vector_subcore>, window_params = [{transform_indices = #map}, {transform_indices = #map}]} {
    %mul3A = arith.constant 2 : i32
    %mul3A_0 = arith.muli %arg1, %mul3A : i32
    %add3A = arith.addi %mul3A_0, %arg0 : i32
    %scan3A = arith.constant 0 : i32
    %scan3A_1 = arith.constant 125 : i32
    %scan3A_2 = arith.addi %scan3A, %scan3A_1 : i32
    %scan3A_3 = arith.constant 1 : i32
    scf.for %scan3A_49 = %scan3A to %scan3A_2 step %scan3A_3  : i32 {
      %mul3A_50 = arith.constant 1 : i32
      %mul3A_51 = arith.muli %scan3A_49, %mul3A_50 : i32
      %add3A_52 = arith.constant 0 : i32
      %add3A_53 = arith.addi %add3A_52, %mul3A_51 : i32
      %broadcast_in_dim3A = arith.constant 0.000000e+00 : f32
      %broadcast_in_dim3A_54 = vector.broadcast %broadcast_in_dim3A : f32 to vector<16xf32>
      %swap3A = arith.index_cast %add3A_53 : i32 to index
      %swap3A_55 = arith.constant 0 : index
      %swap3A_56 = tpu.vector_load %arg5[%swap3A, %swap3A_55] {strides = array<i32>} : memref<125x16xf32, #tpu.memory_space<vmem>>, vector<1x16xf32>,
      %swap3A_57 = vector.shape_cast %swap3A_56 : vector<1x16xf32> to vector<16xf32>
      %swap3A_58 = vector.shape_cast %broadcast_in_dim3A_54 : vector<16xf32> to vector<1x16xf32>
      tpu.vector_store %arg5[%swap3A, %swap3A_55], %swap3A_58 {strides = array<i32>} : memref<125x16xf32, #tpu.memory_space<vmem>>, vector<1x16xf32>,
    }
    %scan3A_4 = arith.constant 125 : i32
    %sub3A = arith.constant 125 : i32
    %sub3A_5 = arith.subi %sub3A, %arg1 : i32
    %sub3A_6 = arith.constant 16 : i32
    %sub3A_7 = arith.constant 1 : i32
    %sub3A_8 = arith.subi %sub3A_6, %sub3A_7 : i32
    %add3A_9 = arith.addi %sub3A_5, %sub3A_8 : i32
    %div3A = arith.constant 16 : i32
    %div3A_10 = arith.divsi %add3A_9, %div3A : i32
    %while3A = arith.constant 16 : i32
    %while3A_11 = arith.constant 0 : i32
    %while3A_12 = arith.subi %div3A_10, %while3A_11 : i32
    %while3A_13 = arith.addi %while3A_11, %while3A_12 : i32
    %while3A_14 = arith.constant 1 : i32
    %while3A_15 = arith.divsi %while3A_12, %while3A_14 : i32
    %while3A_16 = arith.muli %while3A_15, %while3A_14 : i32
    %while3A_17 = arith.addi %while3A_11, %while3A_16 : i32
    %while3A_18 = arith.constant 1 : i32
    scf.for %while3A_49 = %while3A_11 to %while3A_17 step %while3A_18  : i32 {
      %mul3A_50 = arith.muli %while3A_49, %while3A : i32
      %add3A_51 = arith.addi %arg1, %mul3A_50 : i32
      %mul3A_52 = arith.constant 80 : i32
      %mul3A_53 = arith.muli %add3A_51, %mul3A_52 : i32
      "tpu.region"() ({
        %run_scoped3A = tpu.sem_alloc : memref<!tpu.dma_semaphore, #tpu.memory_space<semaphore_mem>>
        %dma_start3A = arith.constant 0 : i32
        %dma_start3A_54 = arith.constant 0 : i32
        %dma_start3A_55 = tpu.memref_slice %arg5[%dma_start3A, %dma_start3A_54] : memref<125x16xf32, #tpu.memory_space<vmem>> -> memref<80x16xf32, #tpu.memory_space<vmem>>
        %dma_start3A_56 = arith.constant 0 : i32
        %dma_start3A_57 = tpu.memref_slice %arg6[%mul3A_53, %dma_start3A_56] : memref<10000x16xf32, #tpu.memory_space<vmem_shared>> -> memref<80x16xf32, #tpu.memory_space<vmem_shared>>
        %dma_start3A_58 = arith.constant 0 : i32
        %dma_start3A_59 = tpu.memref_slice %arg6[%mul3A_53, %dma_start3A_58] : memref<10000x16xf32, #tpu.memory_space<vmem_shared>> -> memref<80x16xf32, #tpu.memory_space<vmem_shared>>
        %dma_start3A_60 = arith.constant 0 : i32
        %dma_start3A_61 = arith.constant 0 : i32
        %dma_start3A_62 = tpu.memref_slice %arg5[%dma_start3A_60, %dma_start3A_61] : memref<125x16xf32, #tpu.memory_space<vmem>> -> memref<80x16xf32, #tpu.memory_space<vmem>>
        tpu.enqueue_dma source(%dma_start3A_62 : memref<80x16xf32, #tpu.memory_space<vmem>>) target(%dma_start3A_59 : memref<80x16xf32, #tpu.memory_space<vmem_shared>>) target_semaphore(%run_scoped3A : memref<!tpu.dma_semaphore, #tpu.memory_space<semaphore_mem>>)
        %dma_wait3A = arith.constant 0 : i32
        %dma_wait3A_63 = arith.constant 0 : i32
        %dma_wait3A_64 = tpu.memref_slice %arg5[%dma_wait3A, %dma_wait3A_63] : memref<125x16xf32, #tpu.memory_space<vmem>> -> memref<80x16xf32, #tpu.memory_space<vmem>>
        %dma_wait3A_65 = arith.constant 0 : i32
        %dma_wait3A_66 = tpu.memref_slice %arg6[%mul3A_53, %dma_wait3A_65] : memref<10000x16xf32, #tpu.memory_space<vmem_shared>> -> memref<80x16xf32, #tpu.memory_space<vmem_shared>>
        %dma_wait3A_67 = arith.constant 0 : i32
        %dma_wait3A_68 = tpu.memref_slice %arg6[%mul3A_53, %dma_wait3A_67] : memref<10000x16xf32, #tpu.memory_space<vmem_shared>> -> memref<80x16xf32, #tpu.memory_space<vmem_shared>>
        %dma_wait3A_69 = arith.constant 0 : i32
        %dma_wait3A_70 = arith.constant 0 : i32
        %dma_wait3A_71 = tpu.memref_slice %arg5[%dma_wait3A_69, %dma_wait3A_70] : memref<125x16xf32, #tpu.memory_space<vmem>> -> memref<80x16xf32, #tpu.memory_space<vmem>>
        tpu.wait_dma2 semaphore(%run_scoped3A : memref<!tpu.dma_semaphore, #tpu.memory_space<semaphore_mem>>) src(%dma_wait3A_71 : memref<80x16xf32, #tpu.memory_space<vmem>>) dst(%dma_wait3A_68 : memref<80x16xf32, #tpu.memory_space<vmem_shared>>)
        tpu.yield
      }) : () -> ()
    }
    %while3A_19 = arith.constant 1 : i32
    scf.for %while3A_49 = %while3A_17 to %while3A_13 step %while3A_19  : i32 {
      %mul3A_50 = arith.muli %while3A_49, %while3A : i32
      %add3A_51 = arith.addi %arg1, %mul3A_50 : i32
      %mul3A_52 = arith.constant 80 : i32
      %mul3A_53 = arith.muli %add3A_51, %mul3A_52 : i32
      "tpu.region"() ({
        %run_scoped3A = tpu.sem_alloc : memref<!tpu.dma_semaphore, #tpu.memory_space<semaphore_mem>>
        %dma_start3A = arith.constant 0 : i32
        %dma_start3A_54 = arith.constant 0 : i32
        %dma_start3A_55 = tpu.memref_slice %arg5[%dma_start3A, %dma_start3A_54] : memref<125x16xf32, #tpu.memory_space<vmem>> -> memref<80x16xf32, #tpu.memory_space<vmem>>
        %dma_start3A_56 = arith.constant 0 : i32
        %dma_start3A_57 = tpu.memref_slice %arg6[%mul3A_53, %dma_start3A_56] : memref<10000x16xf32, #tpu.memory_space<vmem_shared>> -> memref<80x16xf32, #tpu.memory_space<vmem_shared>>
        %dma_start3A_58 = arith.constant 0 : i32
        %dma_start3A_59 = tpu.memref_slice %arg6[%mul3A_53, %dma_start3A_58] : memref<10000x16xf32, #tpu.memory_space<vmem_shared>> -> memref<80x16xf32, #tpu.memory_space<vmem_shared>>
        %dma_start3A_60 = arith.constant 0 : i32
        %dma_start3A_61 = arith.constant 0 : i32
        %dma_start3A_62 = tpu.memref_slice %arg5[%dma_start3A_60, %dma_start3A_61] : memref<125x16xf32, #tpu.memory_space<vmem>> -> memref<80x16xf32, #tpu.memory_space<vmem>>
        tpu.enqueue_dma source(%dma_start3A_62 : memref<80x16xf32, #tpu.memory_space<vmem>>) target(%dma_start3A_59 : memref<80x16xf32, #tpu.memory_space<vmem_shared>>) target_semaphore(%run_scoped3A : memref<!tpu.dma_semaphore, #tpu.memory_space<semaphore_mem>>)
        %dma_wait3A = arith.constant 0 : i32
        %dma_wait3A_63 = arith.constant 0 : i32
        %dma_wait3A_64 = tpu.memref_slice %arg5[%dma_wait3A, %dma_wait3A_63] : memref<125x16xf32, #tpu.memory_space<vmem>> -> memref<80x16xf32, #tpu.memory_space<vmem>>
        %dma_wait3A_65 = arith.constant 0 : i32
        %dma_wait3A_66 = tpu.memref_slice %arg6[%mul3A_53, %dma_wait3A_65] : memref<10000x16xf32, #tpu.memory_space<vmem_shared>> -> memref<80x16xf32, #tpu.memory_space<vmem_shared>>
        %dma_wait3A_67 = arith.constant 0 : i32
        %dma_wait3A_68 = tpu.memref_slice %arg6[%mul3A_53, %dma_wait3A_67] : memref<10000x16xf32, #tpu.memory_space<vmem_shared>> -> memref<80x16xf32, #tpu.memory_space<vmem_shared>>
        %dma_wait3A_69 = arith.constant 0 : i32
        %dma_wait3A_70 = arith.constant 0 : i32
        %dma_wait3A_71 = tpu.memref_slice %arg5[%dma_wait3A_69, %dma_wait3A_70] : memref<125x16xf32, #tpu.memory_space<vmem>> -> memref<80x16xf32, #tpu.memory_space<vmem>>
        tpu.wait_dma2 semaphore(%run_scoped3A : memref<!tpu.dma_semaphore, #tpu.memory_space<semaphore_mem>>) src(%dma_wait3A_71 : memref<80x16xf32, #tpu.memory_space<vmem>>) dst(%dma_wait3A_68 : memref<80x16xf32, #tpu.memory_space<vmem_shared>>)
        tpu.yield
      }) : () -> ()
    }
    %scan3A_20 = arith.constant 0 : i32
    %scan3A_21 = arith.constant 125 : i32
    %scan3A_22 = arith.addi %scan3A_20, %scan3A_21 : i32
    %scan3A_23 = arith.constant 1 : i32
    scf.for %scan3A_49 = %scan3A_20 to %scan3A_22 step %scan3A_23  : i32 {
      %mul3A_50 = arith.constant 1 : i32
      %mul3A_51 = arith.muli %scan3A_49, %mul3A_50 : i32
      %add3A_52 = arith.constant 0 : i32
      %add3A_53 = arith.addi %add3A_52, %mul3A_51 : i32
      %broadcast_in_dim3A = arith.constant 1.000000e+00 : f32
      %broadcast_in_dim3A_54 = vector.broadcast %broadcast_in_dim3A : f32 to vector<16xf32>
      %swap3A = arith.index_cast %add3A_53 : i32 to index
      %swap3A_55 = arith.constant 0 : index
      %swap3A_56 = tpu.vector_load %arg5[%swap3A, %swap3A_55] {strides = array<i32>} : memref<125x16xf32, #tpu.memory_space<vmem>>, vector<1x16xf32>,
      %swap3A_57 = vector.shape_cast %swap3A_56 : vector<1x16xf32> to vector<16xf32>
      %swap3A_58 = vector.shape_cast %broadcast_in_dim3A_54 : vector<16xf32> to vector<1x16xf32>
      tpu.vector_store %arg5[%swap3A, %swap3A_55], %swap3A_58 {strides = array<i32>} : memref<125x16xf32, #tpu.memory_space<vmem>>, vector<1x16xf32>,
    }
    %scan3A_24 = arith.constant 125 : i32
    "tpu.region"() ({
      %run_scoped3A = tpu.sem_alloc : memref<!tpu.dma_semaphore, #tpu.memory_space<semaphore_mem>>
      %dma_start3A = arith.constant 0 : i32
      %dma_start3A_49 = arith.constant 0 : i32
      %dma_start3A_50 = tpu.memref_slice %arg2[%add3A, %dma_start3A, %dma_start3A_49] : memref<32x80x125xi32, #tpu.memory_space<hbm>> -> memref<1x80x125xi32, #tpu.memory_space<hbm>>
      %dma_start3A_51 = tpu.memref_squeeze %dma_start3A_50 : memref<1x80x125xi32, #tpu.memory_space<hbm>> -> memref<80x125xi32, #tpu.memory_space<hbm>>
      %dma_start3A_52 = arith.constant 0 : i32
      %dma_start3A_53 = arith.constant 0 : i32
      %dma_start3A_54 = tpu.memref_slice %arg2[%add3A, %dma_start3A_52, %dma_start3A_53] : memref<32x80x125xi32, #tpu.memory_space<hbm>> -> memref<1x80x125xi32, #tpu.memory_space<hbm>>
      %dma_start3A_55 = tpu.memref_squeeze %dma_start3A_54 : memref<1x80x125xi32, #tpu.memory_space<hbm>> -> memref<80x125xi32, #tpu.memory_space<hbm>>
      tpu.enqueue_dma source(%dma_start3A_55 : memref<80x125xi32, #tpu.memory_space<hbm>>) target(%arg4 : memref<80x125xi32, #tpu.memory_space<vmem>>) target_semaphore(%run_scoped3A : memref<!tpu.dma_semaphore, #tpu.memory_space<semaphore_mem>>)
      %dma_wait3A = arith.constant 0 : i32
      %dma_wait3A_56 = arith.constant 0 : i32
      %dma_wait3A_57 = tpu.memref_slice %arg2[%add3A, %dma_wait3A, %dma_wait3A_56] : memref<32x80x125xi32, #tpu.memory_space<hbm>> -> memref<1x80x125xi32, #tpu.memory_space<hbm>>
      %dma_wait3A_58 = tpu.memref_squeeze %dma_wait3A_57 : memref<1x80x125xi32, #tpu.memory_space<hbm>> -> memref<80x125xi32, #tpu.memory_space<hbm>>
      %dma_wait3A_59 = arith.constant 0 : i32
      %dma_wait3A_60 = arith.constant 0 : i32
      %dma_wait3A_61 = tpu.memref_slice %arg2[%add3A, %dma_wait3A_59, %dma_wait3A_60] : memref<32x80x125xi32, #tpu.memory_space<hbm>> -> memref<1x80x125xi32, #tpu.memory_space<hbm>>
      %dma_wait3A_62 = tpu.memref_squeeze %dma_wait3A_61 : memref<1x80x125xi32, #tpu.memory_space<hbm>> -> memref<80x125xi32, #tpu.memory_space<hbm>>
      tpu.wait_dma2 semaphore(%run_scoped3A : memref<!tpu.dma_semaphore, #tpu.memory_space<semaphore_mem>>) src(%dma_wait3A_62 : memref<80x125xi32, #tpu.memory_space<hbm>>) dst(%arg4 : memref<80x125xi32, #tpu.memory_space<vmem>>)
      tpu.yield
    }) : () -> ()
    %barrier3A = arith.constant 0 : index
    tpu.barrier barrier_id(%barrier3A)
    %scan3A_25 = arith.constant 0 : i32
    %scan3A_26 = arith.constant 80 : i32
    %scan3A_27 = arith.addi %scan3A_25, %scan3A_26 : i32
    %scan3A_28 = arith.constant 1 : i32
    scf.for %scan3A_49 = %scan3A_25 to %scan3A_27 step %scan3A_28  : i32 {
      %mul3A_50 = arith.constant 1 : i32
      %mul3A_51 = arith.muli %scan3A_49, %mul3A_50 : i32
      %add3A_52 = arith.constant 0 : i32
      %add3A_53 = arith.addi %add3A_52, %mul3A_51 : i32
      "tpu.region"() ({
        %run_scoped3A = tpu.sem_alloc : memref<!tpu.dma_semaphore, #tpu.memory_space<semaphore_mem>>
        %dma_start3A = arith.constant 0 : i32
        %dma_start3A_54 = tpu.memref_slice %arg4[%add3A_53, %dma_start3A] : memref<80x125xi32, #tpu.memory_space<vmem>> -> memref<1x125xi32, #tpu.memory_space<vmem>>
        %dma_start3A_55 = tpu.memref_squeeze %dma_start3A_54 : memref<1x125xi32, #tpu.memory_space<vmem>> -> memref<125xi32, #tpu.memory_space<vmem>>
        %dma_start3A_56 = arith.constant 0 : i32
        %dma_start3A_57 = arith.constant 0 : i32
        %dma_start3A_58 = tpu.memref_slice %arg6[%dma_start3A_56, %dma_start3A_57] : memref<10000x16xf32, #tpu.memory_space<vmem_shared>> -> memref<10000x16xf32, #tpu.memory_space<vmem_shared>>
        tpu.enqueue_indirect_dma source(%arg5 : memref<125x16xf32, #tpu.memory_space<vmem>>) target(%dma_start3A_58 : memref<10000x16xf32, #tpu.memory_space<vmem_shared>>) offsets(%dma_start3A_55 : memref<125xi32, #tpu.memory_space<vmem>>) semaphore(%run_scoped3A : memref<!tpu.dma_semaphore, #tpu.memory_space<semaphore_mem>>) {add = true}
        %dma_wait3A = arith.constant 0 : i32
        %dma_wait3A_59 = tpu.memref_slice %arg4[%add3A_53, %dma_wait3A] : memref<80x125xi32, #tpu.memory_space<vmem>> -> memref<1x125xi32, #tpu.memory_space<vmem>>
        %dma_wait3A_60 = tpu.memref_squeeze %dma_wait3A_59 : memref<1x125xi32, #tpu.memory_space<vmem>> -> memref<125xi32, #tpu.memory_space<vmem>>
        %dma_wait3A_61 = arith.constant 0 : i32
        %dma_wait3A_62 = arith.constant 0 : i32
        %dma_wait3A_63 = tpu.memref_slice %arg6[%dma_wait3A_61, %dma_wait3A_62] : memref<10000x16xf32, #tpu.memory_space<vmem_shared>> -> memref<10000x16xf32, #tpu.memory_space<vmem_shared>>
        tpu.wait_indirect_dma semaphore(%run_scoped3A : memref<!tpu.dma_semaphore, #tpu.memory_space<semaphore_mem>>) src(%arg5 : memref<125x16xf32, #tpu.memory_space<vmem>>) dst(%dma_wait3A_63 : memref<10000x16xf32, #tpu.memory_space<vmem_shared>>)
        tpu.yield
      }) : () -> ()
    }
    %scan3A_29 = arith.constant 80 : i32
    %barrier3A_30 = arith.constant 0 : index
    tpu.barrier barrier_id(%barrier3A_30)
    %sub3A_31 = arith.constant 125 : i32
    %sub3A_32 = arith.subi %sub3A_31, %arg1 : i32
    %sub3A_33 = arith.constant 16 : i32
    %sub3A_34 = arith.constant 1 : i32
    %sub3A_35 = arith.subi %sub3A_33, %sub3A_34 : i32
    %add3A_36 = arith.addi %sub3A_32, %sub3A_35 : i32
    %div3A_37 = arith.constant 16 : i32
    %div3A_38 = arith.divsi %add3A_36, %div3A_37 : i32
    %while3A_39 = arith.constant 16 : i32
    %while3A_40 = arith.constant 0 : i32
    %while3A_41 = arith.subi %div3A_38, %while3A_40 : i32
    %while3A_42 = arith.addi %while3A_40, %while3A_41 : i32
    %while3A_43 = arith.constant 1 : i32
    %while3A_44 = arith.divsi %while3A_41, %while3A_43 : i32
    %while3A_45 = arith.muli %while3A_44, %while3A_43 : i32
    %while3A_46 = arith.addi %while3A_40, %while3A_45 : i32
    %while3A_47 = arith.constant 1 : i32
    scf.for %while3A_49 = %while3A_40 to %while3A_46 step %while3A_47  : i32 {
      %mul3A_50 = arith.muli %while3A_49, %while3A_39 : i32
      %add3A_51 = arith.addi %arg1, %mul3A_50 : i32
      %mul3A_52 = arith.constant 80 : i32
      %mul3A_53 = arith.muli %add3A_51, %mul3A_52 : i32
      %mul3A_54 = arith.constant 80 : i32
      %mul3A_55 = arith.muli %add3A_51, %mul3A_54 : i32
      "tpu.region"() ({
        %run_scoped3A = tpu.sem_alloc : memref<!tpu.dma_semaphore, #tpu.memory_space<semaphore_mem>>
        %dma_start3A = arith.constant 0 : i32
        %dma_start3A_56 = tpu.memref_slice %arg3[%arg0, %mul3A_55, %dma_start3A] : memref<2x10000x16xf32, #tpu.memory_space<hbm>> -> memref<1x80x16xf32, #tpu.memory_space<hbm>>
        %dma_start3A_57 = tpu.memref_squeeze %dma_start3A_56 : memref<1x80x16xf32, #tpu.memory_space<hbm>> -> memref<80x16xf32, #tpu.memory_space<hbm>>
        %dma_start3A_58 = arith.constant 0 : i32
        %dma_start3A_59 = tpu.memref_slice %arg6[%mul3A_53, %dma_start3A_58] : memref<10000x16xf32, #tpu.memory_space<vmem_shared>> -> memref<80x16xf32, #tpu.memory_space<vmem_shared>>
        tpu.enqueue_dma source(%dma_start3A_59 : memref<80x16xf32, #tpu.memory_space<vmem_shared>>) target(%dma_start3A_57 : memref<80x16xf32, #tpu.memory_space<hbm>>) target_semaphore(%run_scoped3A : memref<!tpu.dma_semaphore, #tpu.memory_space<semaphore_mem>>)
        %dma_wait3A = arith.constant 0 : i32
        %dma_wait3A_60 = tpu.memref_slice %arg3[%arg0, %mul3A_55, %dma_wait3A] : memref<2x10000x16xf32, #tpu.memory_space<hbm>> -> memref<1x80x16xf32, #tpu.memory_space<hbm>>
        %dma_wait3A_61 = tpu.memref_squeeze %dma_wait3A_60 : memref<1x80x16xf32, #tpu.memory_space<hbm>> -> memref<80x16xf32, #tpu.memory_space<hbm>>
        %dma_wait3A_62 = arith.constant 0 : i32
        %dma_wait3A_63 = tpu.memref_slice %arg6[%mul3A_53, %dma_wait3A_62] : memref<10000x16xf32, #tpu.memory_space<vmem_shared>> -> memref<80x16xf32, #tpu.memory_space<vmem_shared>>
        tpu.wait_dma2 semaphore(%run_scoped3A : memref<!tpu.dma_semaphore, #tpu.memory_space<semaphore_mem>>) src(%dma_wait3A_63 : memref<80x16xf32, #tpu.memory_space<vmem_shared>>) dst(%dma_wait3A_61 : memref<80x16xf32, #tpu.memory_space<hbm>>)
        tpu.yield
      }) : () -> ()
    }
    %while3A_48 = arith.constant 1 : i32
    scf.for %while3A_49 = %while3A_46 to %while3A_42 step %while3A_48  : i32 {
      %mul3A_50 = arith.muli %while3A_49, %while3A_39 : i32
      %add3A_51 = arith.addi %arg1, %mul3A_50 : i32
      %mul3A_52 = arith.constant 80 : i32
      %mul3A_53 = arith.muli %add3A_51, %mul3A_52 : i32
      %mul3A_54 = arith.constant 80 : i32
      %mul3A_55 = arith.muli %add3A_51, %mul3A_54 : i32
      "tpu.region"() ({
        %run_scoped3A = tpu.sem_alloc : memref<!tpu.dma_semaphore, #tpu.memory_space<semaphore_mem>>
        %dma_start3A = arith.constant 0 : i32
        %dma_start3A_56 = tpu.memref_slice %arg3[%arg0, %mul3A_55, %dma_start3A] : memref<2x10000x16xf32, #tpu.memory_space<hbm>> -> memref<1x80x16xf32, #tpu.memory_space<hbm>>
        %dma_start3A_57 = tpu.memref_squeeze %dma_start3A_56 : memref<1x80x16xf32, #tpu.memory_space<hbm>> -> memref<80x16xf32, #tpu.memory_space<hbm>>
        %dma_start3A_58 = arith.constant 0 : i32
        %dma_start3A_59 = tpu.memref_slice %arg6[%mul3A_53, %dma_start3A_58] : memref<10000x16xf32, #tpu.memory_space<vmem_shared>> -> memref<80x16xf32, #tpu.memory_space<vmem_shared>>
        tpu.enqueue_dma source(%dma_start3A_59 : memref<80x16xf32, #tpu.memory_space<vmem_shared>>) target(%dma_start3A_57 : memref<80x16xf32, #tpu.memory_space<hbm>>) target_semaphore(%run_scoped3A : memref<!tpu.dma_semaphore, #tpu.memory_space<semaphore_mem>>)
        %dma_wait3A = arith.constant 0 : i32
        %dma_wait3A_60 = tpu.memref_slice %arg3[%arg0, %mul3A_55, %dma_wait3A] : memref<2x10000x16xf32, #tpu.memory_space<hbm>> -> memref<1x80x16xf32, #tpu.memory_space<hbm>>
        %dma_wait3A_61 = tpu.memref_squeeze %dma_wait3A_60 : memref<1x80x16xf32, #tpu.memory_space<hbm>> -> memref<80x16xf32, #tpu.memory_space<hbm>>
        %dma_wait3A_62 = arith.constant 0 : i32
        %dma_wait3A_63 = tpu.memref_slice %arg6[%mul3A_53, %dma_wait3A_62] : memref<10000x16xf32, #tpu.memory_space<vmem_shared>> -> memref<80x16xf32, #tpu.memory_space<vmem_shared>>
        tpu.wait_dma2 semaphore(%run_scoped3A : memref<!tpu.dma_semaphore, #tpu.memory_space<semaphore_mem>>) src(%dma_wait3A_63 : memref<80x16xf32, #tpu.memory_space<vmem_shared>>) dst(%dma_wait3A_61 : memref<80x16xf32, #tpu.memory_space<hbm>>)
        tpu.yield
      }) : () -> ()
    }
    return
  }
}

#map = affine_map<(d0, d1) -> (0, 0, 0)>
#map1 = affine_map<(d0, d1) -> (0, 0)>
module attributes {stable_mosaic.version = 14 : i64} {
  func.func @spmm(%arg0: i32, %arg1: i32, %arg2: memref<32x80x128xi32, #tpu.memory_space<hbm>>, %arg3: memref<32x80x128xi32, #tpu.memory_space<hbm>>, %arg4: memref<10000x128xf32, #tpu.memory_space<hbm>>, %arg5: memref<2x10000x128xf32, #tpu.memory_space<hbm>>, %arg6: memref<80x128xi32, #tpu.memory_space<vmem>>, %arg7: memref<80x128xi32, #tpu.memory_space<vmem>>, %arg8: memref<2x64x128xf32, #tpu.memory_space<vmem>>, %arg9: memref<10240x128xf32, #tpu.memory_space<vmem_shared>>, %arg10: memref<!tpu.dma_semaphore, #tpu.memory_space<semaphore_mem>>, %arg11: memref<!tpu.dma_semaphore, #tpu.memory_space<semaphore_mem>>) attributes {dimension_semantics = [#tpu.dimension_semantics<core_parallel>, #tpu.dimension_semantics<subcore_parallel>], iteration_bounds = array<i64: 2, 16>, scalar_prefetch = 0 : i64, scratch_operands = 6 : i64, tpu.core_type = #tpu.core_type<sc_vector_subcore>, window_params = [{transform_indices = #map}, {transform_indices = #map}, {transform_indices = #map1}, {transform_indices = #map}]} {
    %mul3A = arith.constant 2 : i32
    %mul3A_0 = arith.muli %arg1, %mul3A : i32
    %add3A = arith.addi %mul3A_0, %arg0 : i32
    "tpu.region"() ({
      %run_scoped3A = tpu.sem_alloc : memref<!tpu.dma_semaphore, #tpu.memory_space<semaphore_mem>>
      %dma_start3A_55 = arith.constant 0 : i32
      %dma_start3A_56 = arith.constant 0 : i32
      %dma_start3A_57 = tpu.memref_slice %arg2[%add3A, %dma_start3A_55, %dma_start3A_56] : memref<32x80x128xi32, #tpu.memory_space<hbm>> -> memref<1x80x128xi32, #tpu.memory_space<hbm>>
      %dma_start3A_58 = tpu.memref_squeeze %dma_start3A_57 : memref<1x80x128xi32, #tpu.memory_space<hbm>> -> memref<80x128xi32, #tpu.memory_space<hbm>>
      %dma_start3A_59 = arith.constant 0 : i32
      %dma_start3A_60 = arith.constant 0 : i32
      %dma_start3A_61 = tpu.memref_slice %arg2[%add3A, %dma_start3A_59, %dma_start3A_60] : memref<32x80x128xi32, #tpu.memory_space<hbm>> -> memref<1x80x128xi32, #tpu.memory_space<hbm>>
      %dma_start3A_62 = tpu.memref_squeeze %dma_start3A_61 : memref<1x80x128xi32, #tpu.memory_space<hbm>> -> memref<80x128xi32, #tpu.memory_space<hbm>>
      tpu.enqueue_dma source(%dma_start3A_62 : memref<80x128xi32, #tpu.memory_space<hbm>>) target(%arg6 : memref<80x128xi32, #tpu.memory_space<vmem>>) target_semaphore(%run_scoped3A : memref<!tpu.dma_semaphore, #tpu.memory_space<semaphore_mem>>)
      %dma_wait3A = arith.constant 0 : i32
      %dma_wait3A_63 = arith.constant 0 : i32
      %dma_wait3A_64 = tpu.memref_slice %arg2[%add3A, %dma_wait3A, %dma_wait3A_63] : memref<32x80x128xi32, #tpu.memory_space<hbm>> -> memref<1x80x128xi32, #tpu.memory_space<hbm>>
      %dma_wait3A_65 = tpu.memref_squeeze %dma_wait3A_64 : memref<1x80x128xi32, #tpu.memory_space<hbm>> -> memref<80x128xi32, #tpu.memory_space<hbm>>
      %dma_wait3A_66 = arith.constant 0 : i32
      %dma_wait3A_67 = arith.constant 0 : i32
      %dma_wait3A_68 = tpu.memref_slice %arg2[%add3A, %dma_wait3A_66, %dma_wait3A_67] : memref<32x80x128xi32, #tpu.memory_space<hbm>> -> memref<1x80x128xi32, #tpu.memory_space<hbm>>
      %dma_wait3A_69 = tpu.memref_squeeze %dma_wait3A_68 : memref<1x80x128xi32, #tpu.memory_space<hbm>> -> memref<80x128xi32, #tpu.memory_space<hbm>>
      tpu.wait_dma2 semaphore(%run_scoped3A : memref<!tpu.dma_semaphore, #tpu.memory_space<semaphore_mem>>) src(%dma_wait3A_69 : memref<80x128xi32, #tpu.memory_space<hbm>>) dst(%arg6 : memref<80x128xi32, #tpu.memory_space<vmem>>)
      tpu.yield
    }) : () -> ()
    "tpu.region"() ({
      %run_scoped3A = tpu.sem_alloc : memref<!tpu.dma_semaphore, #tpu.memory_space<semaphore_mem>>
      %dma_start3A_55 = arith.constant 0 : i32
      %dma_start3A_56 = arith.constant 0 : i32
      %dma_start3A_57 = tpu.memref_slice %arg3[%add3A, %dma_start3A_55, %dma_start3A_56] : memref<32x80x128xi32, #tpu.memory_space<hbm>> -> memref<1x80x128xi32, #tpu.memory_space<hbm>>
      %dma_start3A_58 = tpu.memref_squeeze %dma_start3A_57 : memref<1x80x128xi32, #tpu.memory_space<hbm>> -> memref<80x128xi32, #tpu.memory_space<hbm>>
      %dma_start3A_59 = arith.constant 0 : i32
      %dma_start3A_60 = arith.constant 0 : i32
      %dma_start3A_61 = tpu.memref_slice %arg3[%add3A, %dma_start3A_59, %dma_start3A_60] : memref<32x80x128xi32, #tpu.memory_space<hbm>> -> memref<1x80x128xi32, #tpu.memory_space<hbm>>
      %dma_start3A_62 = tpu.memref_squeeze %dma_start3A_61 : memref<1x80x128xi32, #tpu.memory_space<hbm>> -> memref<80x128xi32, #tpu.memory_space<hbm>>
      tpu.enqueue_dma source(%dma_start3A_62 : memref<80x128xi32, #tpu.memory_space<hbm>>) target(%arg7 : memref<80x128xi32, #tpu.memory_space<vmem>>) target_semaphore(%run_scoped3A : memref<!tpu.dma_semaphore, #tpu.memory_space<semaphore_mem>>)
      %dma_wait3A = arith.constant 0 : i32
      %dma_wait3A_63 = arith.constant 0 : i32
      %dma_wait3A_64 = tpu.memref_slice %arg3[%add3A, %dma_wait3A, %dma_wait3A_63] : memref<32x80x128xi32, #tpu.memory_space<hbm>> -> memref<1x80x128xi32, #tpu.memory_space<hbm>>
      %dma_wait3A_65 = tpu.memref_squeeze %dma_wait3A_64 : memref<1x80x128xi32, #tpu.memory_space<hbm>> -> memref<80x128xi32, #tpu.memory_space<hbm>>
      %dma_wait3A_66 = arith.constant 0 : i32
      %dma_wait3A_67 = arith.constant 0 : i32
      %dma_wait3A_68 = tpu.memref_slice %arg3[%add3A, %dma_wait3A_66, %dma_wait3A_67] : memref<32x80x128xi32, #tpu.memory_space<hbm>> -> memref<1x80x128xi32, #tpu.memory_space<hbm>>
      %dma_wait3A_69 = tpu.memref_squeeze %dma_wait3A_68 : memref<1x80x128xi32, #tpu.memory_space<hbm>> -> memref<80x128xi32, #tpu.memory_space<hbm>>
      tpu.wait_dma2 semaphore(%run_scoped3A : memref<!tpu.dma_semaphore, #tpu.memory_space<semaphore_mem>>) src(%dma_wait3A_69 : memref<80x128xi32, #tpu.memory_space<hbm>>) dst(%arg7 : memref<80x128xi32, #tpu.memory_space<vmem>>)
      tpu.yield
    }) : () -> ()
    %scan3A = arith.constant 0 : i32
    %scan3A_1 = arith.constant 64 : i32
    %scan3A_2 = arith.addi %scan3A, %scan3A_1 : i32
    %scan3A_3 = arith.constant 1 : i32
    scf.for %scan3A_55 = %scan3A to %scan3A_2 step %scan3A_3  : i32 {
      %mul3A_56 = arith.constant 1 : i32
      %mul3A_57 = arith.muli %scan3A_55, %mul3A_56 : i32
      %add3A_58 = arith.constant 0 : i32
      %add3A_59 = arith.addi %add3A_58, %mul3A_57 : i32
      %broadcast_in_dim3A = arith.constant 0.000000e+00 : f32
      %broadcast_in_dim3A_60 = vector.broadcast %broadcast_in_dim3A : f32 to vector<16xf32>
      %swap3A = arith.constant 0 : i32
      %swap3A_61 = arith.index_cast %swap3A : i32 to index
      %swap3A_62 = arith.index_cast %add3A_59 : i32 to index
      %swap3A_63 = arith.constant 0 : index
      %swap3A_64 = tpu.vector_load %arg8[%swap3A_61, %swap3A_62, %swap3A_63] {strides = array<i32>} : memref<2x64x128xf32, #tpu.memory_space<vmem>>, vector<1x1x16xf32>,
      %swap3A_65 = vector.shape_cast %swap3A_64 : vector<1x1x16xf32> to vector<16xf32>
      %swap3A_66 = vector.shape_cast %broadcast_in_dim3A_60 : vector<16xf32> to vector<1x1x16xf32>
      tpu.vector_store %arg8[%swap3A_61, %swap3A_62, %swap3A_63], %swap3A_66 {strides = array<i32>} : memref<2x64x128xf32, #tpu.memory_space<vmem>>, vector<1x1x16xf32>,
      %broadcast_in_dim3A_67 = arith.constant 0.000000e+00 : f32
      %broadcast_in_dim3A_68 = vector.broadcast %broadcast_in_dim3A_67 : f32 to vector<16xf32>
      %swap3A_69 = arith.constant 0 : i32
      %swap3A_70 = arith.index_cast %swap3A_69 : i32 to index
      %swap3A_71 = arith.index_cast %add3A_59 : i32 to index
      %swap3A_72 = arith.constant 16 : index
      %swap3A_73 = tpu.vector_load %arg8[%swap3A_70, %swap3A_71, %swap3A_72] {strides = array<i32>} : memref<2x64x128xf32, #tpu.memory_space<vmem>>, vector<1x1x16xf32>,
      %swap3A_74 = vector.shape_cast %swap3A_73 : vector<1x1x16xf32> to vector<16xf32>
      %swap3A_75 = vector.shape_cast %broadcast_in_dim3A_68 : vector<16xf32> to vector<1x1x16xf32>
      tpu.vector_store %arg8[%swap3A_70, %swap3A_71, %swap3A_72], %swap3A_75 {strides = array<i32>} : memref<2x64x128xf32, #tpu.memory_space<vmem>>, vector<1x1x16xf32>,
      %broadcast_in_dim3A_76 = arith.constant 0.000000e+00 : f32
      %broadcast_in_dim3A_77 = vector.broadcast %broadcast_in_dim3A_76 : f32 to vector<16xf32>
      %swap3A_78 = arith.constant 0 : i32
      %swap3A_79 = arith.index_cast %swap3A_78 : i32 to index
      %swap3A_80 = arith.index_cast %add3A_59 : i32 to index
      %swap3A_81 = arith.constant 32 : index
      %swap3A_82 = tpu.vector_load %arg8[%swap3A_79, %swap3A_80, %swap3A_81] {strides = array<i32>} : memref<2x64x128xf32, #tpu.memory_space<vmem>>, vector<1x1x16xf32>,
      %swap3A_83 = vector.shape_cast %swap3A_82 : vector<1x1x16xf32> to vector<16xf32>
      %swap3A_84 = vector.shape_cast %broadcast_in_dim3A_77 : vector<16xf32> to vector<1x1x16xf32>
      tpu.vector_store %arg8[%swap3A_79, %swap3A_80, %swap3A_81], %swap3A_84 {strides = array<i32>} : memref<2x64x128xf32, #tpu.memory_space<vmem>>, vector<1x1x16xf32>,
      %broadcast_in_dim3A_85 = arith.constant 0.000000e+00 : f32
      %broadcast_in_dim3A_86 = vector.broadcast %broadcast_in_dim3A_85 : f32 to vector<16xf32>
      %swap3A_87 = arith.constant 0 : i32
      %swap3A_88 = arith.index_cast %swap3A_87 : i32 to index
      %swap3A_89 = arith.index_cast %add3A_59 : i32 to index
      %swap3A_90 = arith.constant 48 : index
      %swap3A_91 = tpu.vector_load %arg8[%swap3A_88, %swap3A_89, %swap3A_90] {strides = array<i32>} : memref<2x64x128xf32, #tpu.memory_space<vmem>>, vector<1x1x16xf32>,
      %swap3A_92 = vector.shape_cast %swap3A_91 : vector<1x1x16xf32> to vector<16xf32>
      %swap3A_93 = vector.shape_cast %broadcast_in_dim3A_86 : vector<16xf32> to vector<1x1x16xf32>
      tpu.vector_store %arg8[%swap3A_88, %swap3A_89, %swap3A_90], %swap3A_93 {strides = array<i32>} : memref<2x64x128xf32, #tpu.memory_space<vmem>>, vector<1x1x16xf32>,
      %broadcast_in_dim3A_94 = arith.constant 0.000000e+00 : f32
      %broadcast_in_dim3A_95 = vector.broadcast %broadcast_in_dim3A_94 : f32 to vector<16xf32>
      %swap3A_96 = arith.constant 0 : i32
      %swap3A_97 = arith.index_cast %swap3A_96 : i32 to index
      %swap3A_98 = arith.index_cast %add3A_59 : i32 to index
      %swap3A_99 = arith.constant 64 : index
      %swap3A_100 = tpu.vector_load %arg8[%swap3A_97, %swap3A_98, %swap3A_99] {strides = array<i32>} : memref<2x64x128xf32, #tpu.memory_space<vmem>>, vector<1x1x16xf32>,
      %swap3A_101 = vector.shape_cast %swap3A_100 : vector<1x1x16xf32> to vector<16xf32>
      %swap3A_102 = vector.shape_cast %broadcast_in_dim3A_95 : vector<16xf32> to vector<1x1x16xf32>
      tpu.vector_store %arg8[%swap3A_97, %swap3A_98, %swap3A_99], %swap3A_102 {strides = array<i32>} : memref<2x64x128xf32, #tpu.memory_space<vmem>>, vector<1x1x16xf32>,
      %broadcast_in_dim3A_103 = arith.constant 0.000000e+00 : f32
      %broadcast_in_dim3A_104 = vector.broadcast %broadcast_in_dim3A_103 : f32 to vector<16xf32>
      %swap3A_105 = arith.constant 0 : i32
      %swap3A_106 = arith.index_cast %swap3A_105 : i32 to index
      %swap3A_107 = arith.index_cast %add3A_59 : i32 to index
      %swap3A_108 = arith.constant 80 : index
      %swap3A_109 = tpu.vector_load %arg8[%swap3A_106, %swap3A_107, %swap3A_108] {strides = array<i32>} : memref<2x64x128xf32, #tpu.memory_space<vmem>>, vector<1x1x16xf32>,
      %swap3A_110 = vector.shape_cast %swap3A_109 : vector<1x1x16xf32> to vector<16xf32>
      %swap3A_111 = vector.shape_cast %broadcast_in_dim3A_104 : vector<16xf32> to vector<1x1x16xf32>
      tpu.vector_store %arg8[%swap3A_106, %swap3A_107, %swap3A_108], %swap3A_111 {strides = array<i32>} : memref<2x64x128xf32, #tpu.memory_space<vmem>>, vector<1x1x16xf32>,
      %broadcast_in_dim3A_112 = arith.constant 0.000000e+00 : f32
      %broadcast_in_dim3A_113 = vector.broadcast %broadcast_in_dim3A_112 : f32 to vector<16xf32>
      %swap3A_114 = arith.constant 0 : i32
      %swap3A_115 = arith.index_cast %swap3A_114 : i32 to index
      %swap3A_116 = arith.index_cast %add3A_59 : i32 to index
      %swap3A_117 = arith.constant 96 : index
      %swap3A_118 = tpu.vector_load %arg8[%swap3A_115, %swap3A_116, %swap3A_117] {strides = array<i32>} : memref<2x64x128xf32, #tpu.memory_space<vmem>>, vector<1x1x16xf32>,
      %swap3A_119 = vector.shape_cast %swap3A_118 : vector<1x1x16xf32> to vector<16xf32>
      %swap3A_120 = vector.shape_cast %broadcast_in_dim3A_113 : vector<16xf32> to vector<1x1x16xf32>
      tpu.vector_store %arg8[%swap3A_115, %swap3A_116, %swap3A_117], %swap3A_120 {strides = array<i32>} : memref<2x64x128xf32, #tpu.memory_space<vmem>>, vector<1x1x16xf32>,
      %broadcast_in_dim3A_121 = arith.constant 0.000000e+00 : f32
      %broadcast_in_dim3A_122 = vector.broadcast %broadcast_in_dim3A_121 : f32 to vector<16xf32>
      %swap3A_123 = arith.constant 0 : i32
      %swap3A_124 = arith.index_cast %swap3A_123 : i32 to index
      %swap3A_125 = arith.index_cast %add3A_59 : i32 to index
      %swap3A_126 = arith.constant 112 : index
      %swap3A_127 = tpu.vector_load %arg8[%swap3A_124, %swap3A_125, %swap3A_126] {strides = array<i32>} : memref<2x64x128xf32, #tpu.memory_space<vmem>>, vector<1x1x16xf32>,
      %swap3A_128 = vector.shape_cast %swap3A_127 : vector<1x1x16xf32> to vector<16xf32>
      %swap3A_129 = vector.shape_cast %broadcast_in_dim3A_122 : vector<16xf32> to vector<1x1x16xf32>
      tpu.vector_store %arg8[%swap3A_124, %swap3A_125, %swap3A_126], %swap3A_129 {strides = array<i32>} : memref<2x64x128xf32, #tpu.memory_space<vmem>>, vector<1x1x16xf32>,
    }
    %scan3A_4 = arith.constant 64 : i32
    %sub3A = arith.constant 160 : i32
    %sub3A_5 = arith.subi %sub3A, %arg1 : i32
    %sub3A_6 = arith.constant 16 : i32
    %sub3A_7 = arith.constant 1 : i32
    %sub3A_8 = arith.subi %sub3A_6, %sub3A_7 : i32
    %add3A_9 = arith.addi %sub3A_5, %sub3A_8 : i32
    %div3A = arith.constant 16 : i32
    %div3A_10 = arith.divsi %add3A_9, %div3A : i32
    %while3A = arith.constant 16 : i32
    %while3A_11 = arith.constant 0 : i32
    %while3A_12 = arith.subi %div3A_10, %while3A_11 : i32
    %while3A_13 = arith.addi %while3A_11, %while3A_12 : i32
    %while3A_14 = arith.constant 1 : i32
    %while3A_15 = arith.divsi %while3A_12, %while3A_14 : i32
    %while3A_16 = arith.muli %while3A_15, %while3A_14 : i32
    %while3A_17 = arith.addi %while3A_11, %while3A_16 : i32
    %while3A_18 = arith.constant 1 : i32
    scf.for %while3A_55 = %while3A_11 to %while3A_17 step %while3A_18  : i32 {
      %mul3A_56 = arith.muli %while3A_55, %while3A : i32
      %add3A_57 = arith.addi %arg1, %mul3A_56 : i32
      %mul3A_58 = arith.constant 64 : i32
      %mul3A_59 = arith.muli %add3A_57, %mul3A_58 : i32
      %run_scoped3A = arith.constant 0 : i32
      "tpu.region"() ({
        %run_scoped3A_60 = tpu.sem_alloc : memref<!tpu.dma_semaphore, #tpu.memory_space<semaphore_mem>>
        %dma_start3A_61 = arith.constant 0 : i32
        %dma_start3A_62 = arith.constant 0 : i32
        %dma_start3A_63 = tpu.memref_slice %arg8[%run_scoped3A, %dma_start3A_61, %dma_start3A_62] : memref<2x64x128xf32, #tpu.memory_space<vmem>> -> memref<1x64x128xf32, #tpu.memory_space<vmem>>
        %dma_start3A_64 = tpu.memref_squeeze %dma_start3A_63 : memref<1x64x128xf32, #tpu.memory_space<vmem>> -> memref<64x128xf32, #tpu.memory_space<vmem>>
        %dma_start3A_65 = arith.constant 0 : i32
        %dma_start3A_66 = tpu.memref_slice %arg9[%mul3A_59, %dma_start3A_65] : memref<10240x128xf32, #tpu.memory_space<vmem_shared>> -> memref<64x128xf32, #tpu.memory_space<vmem_shared>>
        %dma_start3A_67 = arith.constant 0 : i32
        %dma_start3A_68 = tpu.memref_slice %arg9[%mul3A_59, %dma_start3A_67] : memref<10240x128xf32, #tpu.memory_space<vmem_shared>> -> memref<64x128xf32, #tpu.memory_space<vmem_shared>>
        %dma_start3A_69 = arith.constant 0 : i32
        %dma_start3A_70 = arith.constant 0 : i32
        %dma_start3A_71 = tpu.memref_slice %arg8[%run_scoped3A, %dma_start3A_69, %dma_start3A_70] : memref<2x64x128xf32, #tpu.memory_space<vmem>> -> memref<1x64x128xf32, #tpu.memory_space<vmem>>
        %dma_start3A_72 = tpu.memref_squeeze %dma_start3A_71 : memref<1x64x128xf32, #tpu.memory_space<vmem>> -> memref<64x128xf32, #tpu.memory_space<vmem>>
        tpu.enqueue_dma source(%dma_start3A_72 : memref<64x128xf32, #tpu.memory_space<vmem>>) target(%dma_start3A_68 : memref<64x128xf32, #tpu.memory_space<vmem_shared>>) target_semaphore(%run_scoped3A_60 : memref<!tpu.dma_semaphore, #tpu.memory_space<semaphore_mem>>)
        %dma_wait3A = arith.constant 0 : i32
        %dma_wait3A_73 = arith.constant 0 : i32
        %dma_wait3A_74 = tpu.memref_slice %arg8[%run_scoped3A, %dma_wait3A, %dma_wait3A_73] : memref<2x64x128xf32, #tpu.memory_space<vmem>> -> memref<1x64x128xf32, #tpu.memory_space<vmem>>
        %dma_wait3A_75 = tpu.memref_squeeze %dma_wait3A_74 : memref<1x64x128xf32, #tpu.memory_space<vmem>> -> memref<64x128xf32, #tpu.memory_space<vmem>>
        %dma_wait3A_76 = arith.constant 0 : i32
        %dma_wait3A_77 = tpu.memref_slice %arg9[%mul3A_59, %dma_wait3A_76] : memref<10240x128xf32, #tpu.memory_space<vmem_shared>> -> memref<64x128xf32, #tpu.memory_space<vmem_shared>>
        %dma_wait3A_78 = arith.constant 0 : i32
        %dma_wait3A_79 = tpu.memref_slice %arg9[%mul3A_59, %dma_wait3A_78] : memref<10240x128xf32, #tpu.memory_space<vmem_shared>> -> memref<64x128xf32, #tpu.memory_space<vmem_shared>>
        %dma_wait3A_80 = arith.constant 0 : i32
        %dma_wait3A_81 = arith.constant 0 : i32
        %dma_wait3A_82 = tpu.memref_slice %arg8[%run_scoped3A, %dma_wait3A_80, %dma_wait3A_81] : memref<2x64x128xf32, #tpu.memory_space<vmem>> -> memref<1x64x128xf32, #tpu.memory_space<vmem>>
        %dma_wait3A_83 = tpu.memref_squeeze %dma_wait3A_82 : memref<1x64x128xf32, #tpu.memory_space<vmem>> -> memref<64x128xf32, #tpu.memory_space<vmem>>
        tpu.wait_dma2 semaphore(%run_scoped3A_60 : memref<!tpu.dma_semaphore, #tpu.memory_space<semaphore_mem>>) src(%dma_wait3A_83 : memref<64x128xf32, #tpu.memory_space<vmem>>) dst(%dma_wait3A_79 : memref<64x128xf32, #tpu.memory_space<vmem_shared>>)
        tpu.yield
      }) : () -> ()
    }
    %while3A_19 = arith.constant 1 : i32
    scf.for %while3A_55 = %while3A_17 to %while3A_13 step %while3A_19  : i32 {
      %mul3A_56 = arith.muli %while3A_55, %while3A : i32
      %add3A_57 = arith.addi %arg1, %mul3A_56 : i32
      %mul3A_58 = arith.constant 64 : i32
      %mul3A_59 = arith.muli %add3A_57, %mul3A_58 : i32
      %run_scoped3A = arith.constant 0 : i32
      "tpu.region"() ({
        %run_scoped3A_60 = tpu.sem_alloc : memref<!tpu.dma_semaphore, #tpu.memory_space<semaphore_mem>>
        %dma_start3A_61 = arith.constant 0 : i32
        %dma_start3A_62 = arith.constant 0 : i32
        %dma_start3A_63 = tpu.memref_slice %arg8[%run_scoped3A, %dma_start3A_61, %dma_start3A_62] : memref<2x64x128xf32, #tpu.memory_space<vmem>> -> memref<1x64x128xf32, #tpu.memory_space<vmem>>
        %dma_start3A_64 = tpu.memref_squeeze %dma_start3A_63 : memref<1x64x128xf32, #tpu.memory_space<vmem>> -> memref<64x128xf32, #tpu.memory_space<vmem>>
        %dma_start3A_65 = arith.constant 0 : i32
        %dma_start3A_66 = tpu.memref_slice %arg9[%mul3A_59, %dma_start3A_65] : memref<10240x128xf32, #tpu.memory_space<vmem_shared>> -> memref<64x128xf32, #tpu.memory_space<vmem_shared>>
        %dma_start3A_67 = arith.constant 0 : i32
        %dma_start3A_68 = tpu.memref_slice %arg9[%mul3A_59, %dma_start3A_67] : memref<10240x128xf32, #tpu.memory_space<vmem_shared>> -> memref<64x128xf32, #tpu.memory_space<vmem_shared>>
        %dma_start3A_69 = arith.constant 0 : i32
        %dma_start3A_70 = arith.constant 0 : i32
        %dma_start3A_71 = tpu.memref_slice %arg8[%run_scoped3A, %dma_start3A_69, %dma_start3A_70] : memref<2x64x128xf32, #tpu.memory_space<vmem>> -> memref<1x64x128xf32, #tpu.memory_space<vmem>>
        %dma_start3A_72 = tpu.memref_squeeze %dma_start3A_71 : memref<1x64x128xf32, #tpu.memory_space<vmem>> -> memref<64x128xf32, #tpu.memory_space<vmem>>
        tpu.enqueue_dma source(%dma_start3A_72 : memref<64x128xf32, #tpu.memory_space<vmem>>) target(%dma_start3A_68 : memref<64x128xf32, #tpu.memory_space<vmem_shared>>) target_semaphore(%run_scoped3A_60 : memref<!tpu.dma_semaphore, #tpu.memory_space<semaphore_mem>>)
        %dma_wait3A = arith.constant 0 : i32
        %dma_wait3A_73 = arith.constant 0 : i32
        %dma_wait3A_74 = tpu.memref_slice %arg8[%run_scoped3A, %dma_wait3A, %dma_wait3A_73] : memref<2x64x128xf32, #tpu.memory_space<vmem>> -> memref<1x64x128xf32, #tpu.memory_space<vmem>>
        %dma_wait3A_75 = tpu.memref_squeeze %dma_wait3A_74 : memref<1x64x128xf32, #tpu.memory_space<vmem>> -> memref<64x128xf32, #tpu.memory_space<vmem>>
        %dma_wait3A_76 = arith.constant 0 : i32
        %dma_wait3A_77 = tpu.memref_slice %arg9[%mul3A_59, %dma_wait3A_76] : memref<10240x128xf32, #tpu.memory_space<vmem_shared>> -> memref<64x128xf32, #tpu.memory_space<vmem_shared>>
        %dma_wait3A_78 = arith.constant 0 : i32
        %dma_wait3A_79 = tpu.memref_slice %arg9[%mul3A_59, %dma_wait3A_78] : memref<10240x128xf32, #tpu.memory_space<vmem_shared>> -> memref<64x128xf32, #tpu.memory_space<vmem_shared>>
        %dma_wait3A_80 = arith.constant 0 : i32
        %dma_wait3A_81 = arith.constant 0 : i32
        %dma_wait3A_82 = tpu.memref_slice %arg8[%run_scoped3A, %dma_wait3A_80, %dma_wait3A_81] : memref<2x64x128xf32, #tpu.memory_space<vmem>> -> memref<1x64x128xf32, #tpu.memory_space<vmem>>
        %dma_wait3A_83 = tpu.memref_squeeze %dma_wait3A_82 : memref<1x64x128xf32, #tpu.memory_space<vmem>> -> memref<64x128xf32, #tpu.memory_space<vmem>>
        tpu.wait_dma2 semaphore(%run_scoped3A_60 : memref<!tpu.dma_semaphore, #tpu.memory_space<semaphore_mem>>) src(%dma_wait3A_83 : memref<64x128xf32, #tpu.memory_space<vmem>>) dst(%dma_wait3A_79 : memref<64x128xf32, #tpu.memory_space<vmem_shared>>)
        tpu.yield
      }) : () -> ()
    }
    %barrier3A = arith.constant 0 : index
    tpu.barrier barrier_id(%barrier3A)
    %dma_start3A = arith.constant 0 : i32
    %dma_start3A_20 = arith.constant 0 : i32
    %dma_start3A_21 = arith.constant 0 : i32
    %dma_start3A_22 = arith.constant 0 : i32
    %dma_start3A_23 = tpu.memref_slice %arg8[%dma_start3A_20, %dma_start3A_21, %dma_start3A_22] : memref<2x64x128xf32, #tpu.memory_space<vmem>> -> memref<1x64x128xf32, #tpu.memory_space<vmem>>
    %dma_start3A_24 = tpu.memref_squeeze %dma_start3A_23 : memref<1x64x128xf32, #tpu.memory_space<vmem>> -> memref<64x128xf32, #tpu.memory_space<vmem>>
    %dma_start3A_25 = arith.constant 0 : i32
    %dma_start3A_26 = tpu.memref_slice %arg6[%dma_start3A, %dma_start3A_25] : memref<80x128xi32, #tpu.memory_space<vmem>> -> memref<1x64xi32, #tpu.memory_space<vmem>>
    %dma_start3A_27 = tpu.memref_squeeze %dma_start3A_26 : memref<1x64xi32, #tpu.memory_space<vmem>> -> memref<64xi32, #tpu.memory_space<vmem>>
    %dma_start3A_28 = arith.constant 0 : i32
    %dma_start3A_29 = arith.constant 0 : i32
    %dma_start3A_30 = tpu.memref_slice %arg4[%dma_start3A_28, %dma_start3A_29] : memref<10000x128xf32, #tpu.memory_space<hbm>> -> memref<10000x128xf32, #tpu.memory_space<hbm>>
    tpu.enqueue_indirect_dma source(%dma_start3A_30 : memref<10000x128xf32, #tpu.memory_space<hbm>>) target(%dma_start3A_24 : memref<64x128xf32, #tpu.memory_space<vmem>>) offsets(%dma_start3A_27 : memref<64xi32, #tpu.memory_space<vmem>>) semaphore(%arg10 : memref<!tpu.dma_semaphore, #tpu.memory_space<semaphore_mem>>)
    %scan3A_31 = arith.constant 0 : i32
    %scan3A_32 = arith.constant 80 : i32
    %scan3A_33 = arith.addi %scan3A_31, %scan3A_32 : i32
    %scan3A_34 = arith.constant 1 : i32
    scf.for %scan3A_55 = %scan3A_31 to %scan3A_33 step %scan3A_34  : i32 {
      %mul3A_56 = arith.constant 1 : i32
      %mul3A_57 = arith.muli %scan3A_55, %mul3A_56 : i32
      %add3A_58 = arith.constant 0 : i32
      %add3A_59 = arith.addi %add3A_58, %mul3A_57 : i32
      %dma_start3A_60 = arith.constant 1 : i32
      %dma_start3A_61 = arith.constant 0 : i32
      %dma_start3A_62 = arith.constant 0 : i32
      %dma_start3A_63 = tpu.memref_slice %arg8[%dma_start3A_60, %dma_start3A_61, %dma_start3A_62] : memref<2x64x128xf32, #tpu.memory_space<vmem>> -> memref<1x64x128xf32, #tpu.memory_space<vmem>>
      %dma_start3A_64 = tpu.memref_squeeze %dma_start3A_63 : memref<1x64x128xf32, #tpu.memory_space<vmem>> -> memref<64x128xf32, #tpu.memory_space<vmem>>
      %dma_start3A_65 = arith.constant 64 : i32
      %dma_start3A_66 = tpu.memref_slice %arg6[%add3A_59, %dma_start3A_65] : memref<80x128xi32, #tpu.memory_space<vmem>> -> memref<1x64xi32, #tpu.memory_space<vmem>>
      %dma_start3A_67 = tpu.memref_squeeze %dma_start3A_66 : memref<1x64xi32, #tpu.memory_space<vmem>> -> memref<64xi32, #tpu.memory_space<vmem>>
      %dma_start3A_68 = arith.constant 0 : i32
      %dma_start3A_69 = arith.constant 0 : i32
      %dma_start3A_70 = tpu.memref_slice %arg4[%dma_start3A_68, %dma_start3A_69] : memref<10000x128xf32, #tpu.memory_space<hbm>> -> memref<10000x128xf32, #tpu.memory_space<hbm>>
      tpu.enqueue_indirect_dma source(%dma_start3A_70 : memref<10000x128xf32, #tpu.memory_space<hbm>>) target(%dma_start3A_64 : memref<64x128xf32, #tpu.memory_space<vmem>>) offsets(%dma_start3A_67 : memref<64xi32, #tpu.memory_space<vmem>>) semaphore(%arg11 : memref<!tpu.dma_semaphore, #tpu.memory_space<semaphore_mem>>)
      %dma_wait3A = arith.constant 0 : i32
      %dma_wait3A_71 = arith.constant 0 : i32
      %dma_wait3A_72 = arith.constant 0 : i32
      %dma_wait3A_73 = tpu.memref_slice %arg8[%dma_wait3A, %dma_wait3A_71, %dma_wait3A_72] : memref<2x64x128xf32, #tpu.memory_space<vmem>> -> memref<1x64x128xf32, #tpu.memory_space<vmem>>
      %dma_wait3A_74 = tpu.memref_squeeze %dma_wait3A_73 : memref<1x64x128xf32, #tpu.memory_space<vmem>> -> memref<64x128xf32, #tpu.memory_space<vmem>>
      %dma_wait3A_75 = arith.constant 0 : i32
      %dma_wait3A_76 = tpu.memref_slice %arg6[%add3A_59, %dma_wait3A_75] : memref<80x128xi32, #tpu.memory_space<vmem>> -> memref<1x64xi32, #tpu.memory_space<vmem>>
      %dma_wait3A_77 = tpu.memref_squeeze %dma_wait3A_76 : memref<1x64xi32, #tpu.memory_space<vmem>> -> memref<64xi32, #tpu.memory_space<vmem>>
      %dma_wait3A_78 = arith.constant 0 : i32
      %dma_wait3A_79 = arith.constant 0 : i32
      %dma_wait3A_80 = tpu.memref_slice %arg4[%dma_wait3A_78, %dma_wait3A_79] : memref<10000x128xf32, #tpu.memory_space<hbm>> -> memref<10000x128xf32, #tpu.memory_space<hbm>>
      tpu.wait_indirect_dma semaphore(%arg10 : memref<!tpu.dma_semaphore, #tpu.memory_space<semaphore_mem>>) src(%dma_wait3A_80 : memref<10000x128xf32, #tpu.memory_space<hbm>>) dst(%dma_wait3A_74 : memref<64x128xf32, #tpu.memory_space<vmem>>)
      %run_scoped3A = arith.constant 0 : i32
      "tpu.region"() ({
        %run_scoped3A_97 = tpu.sem_alloc : memref<!tpu.dma_semaphore, #tpu.memory_space<semaphore_mem>>
        %dma_start3A_98 = arith.constant 0 : i32
        %dma_start3A_99 = arith.constant 0 : i32
        %dma_start3A_100 = tpu.memref_slice %arg8[%run_scoped3A, %dma_start3A_98, %dma_start3A_99] : memref<2x64x128xf32, #tpu.memory_space<vmem>> -> memref<1x64x128xf32, #tpu.memory_space<vmem>>
        %dma_start3A_101 = tpu.memref_squeeze %dma_start3A_100 : memref<1x64x128xf32, #tpu.memory_space<vmem>> -> memref<64x128xf32, #tpu.memory_space<vmem>>
        %dma_start3A_102 = arith.constant 0 : i32
        %dma_start3A_103 = tpu.memref_slice %arg7[%add3A_59, %dma_start3A_102] : memref<80x128xi32, #tpu.memory_space<vmem>> -> memref<1x64xi32, #tpu.memory_space<vmem>>
        %dma_start3A_104 = tpu.memref_squeeze %dma_start3A_103 : memref<1x64xi32, #tpu.memory_space<vmem>> -> memref<64xi32, #tpu.memory_space<vmem>>
        %dma_start3A_105 = arith.constant 0 : i32
        %dma_start3A_106 = arith.constant 0 : i32
        %dma_start3A_107 = tpu.memref_slice %arg9[%dma_start3A_105, %dma_start3A_106] : memref<10240x128xf32, #tpu.memory_space<vmem_shared>> -> memref<10240x128xf32, #tpu.memory_space<vmem_shared>>
        tpu.enqueue_indirect_dma source(%dma_start3A_101 : memref<64x128xf32, #tpu.memory_space<vmem>>) target(%dma_start3A_107 : memref<10240x128xf32, #tpu.memory_space<vmem_shared>>) offsets(%dma_start3A_104 : memref<64xi32, #tpu.memory_space<vmem>>) semaphore(%run_scoped3A_97 : memref<!tpu.dma_semaphore, #tpu.memory_space<semaphore_mem>>) {add = true}
        %dma_wait3A_108 = arith.constant 0 : i32
        %dma_wait3A_109 = arith.constant 0 : i32
        %dma_wait3A_110 = tpu.memref_slice %arg8[%run_scoped3A, %dma_wait3A_108, %dma_wait3A_109] : memref<2x64x128xf32, #tpu.memory_space<vmem>> -> memref<1x64x128xf32, #tpu.memory_space<vmem>>
        %dma_wait3A_111 = tpu.memref_squeeze %dma_wait3A_110 : memref<1x64x128xf32, #tpu.memory_space<vmem>> -> memref<64x128xf32, #tpu.memory_space<vmem>>
        %dma_wait3A_112 = arith.constant 0 : i32
        %dma_wait3A_113 = tpu.memref_slice %arg7[%add3A_59, %dma_wait3A_112] : memref<80x128xi32, #tpu.memory_space<vmem>> -> memref<1x64xi32, #tpu.memory_space<vmem>>
        %dma_wait3A_114 = tpu.memref_squeeze %dma_wait3A_113 : memref<1x64xi32, #tpu.memory_space<vmem>> -> memref<64xi32, #tpu.memory_space<vmem>>
        %dma_wait3A_115 = arith.constant 0 : i32
        %dma_wait3A_116 = arith.constant 0 : i32
        %dma_wait3A_117 = tpu.memref_slice %arg9[%dma_wait3A_115, %dma_wait3A_116] : memref<10240x128xf32, #tpu.memory_space<vmem_shared>> -> memref<10240x128xf32, #tpu.memory_space<vmem_shared>>
        tpu.wait_indirect_dma semaphore(%run_scoped3A_97 : memref<!tpu.dma_semaphore, #tpu.memory_space<semaphore_mem>>) src(%dma_wait3A_111 : memref<64x128xf32, #tpu.memory_space<vmem>>) dst(%dma_wait3A_117 : memref<10240x128xf32, #tpu.memory_space<vmem_shared>>)
        tpu.yield
      }) : () -> ()
      %add3A_81 = arith.constant 1 : i32
      %add3A_82 = arith.addi %add3A_59, %add3A_81 : i32
      %lt3A = arith.constant 80 : i32
      %lt3A_83 = arith.cmpi slt, %add3A_82, %lt3A : i32
      %convert_element_type3A = arith.extui %lt3A_83 : i1 to i32
      %cond3A = arith.constant 0 : i32
      %cond3A_84 = arith.cmpi ne, %convert_element_type3A, %cond3A : i32
      scf.if %cond3A_84 {
        %add3A_97 = arith.constant 1 : i32
        %add3A_98 = arith.addi %add3A_59, %add3A_97 : i32
        %dma_start3A_99 = arith.constant 0 : i32
        %dma_start3A_100 = arith.constant 0 : i32
        %dma_start3A_101 = arith.constant 0 : i32
        %dma_start3A_102 = tpu.memref_slice %arg8[%dma_start3A_99, %dma_start3A_100, %dma_start3A_101] : memref<2x64x128xf32, #tpu.memory_space<vmem>> -> memref<1x64x128xf32, #tpu.memory_space<vmem>>
        %dma_start3A_103 = tpu.memref_squeeze %dma_start3A_102 : memref<1x64x128xf32, #tpu.memory_space<vmem>> -> memref<64x128xf32, #tpu.memory_space<vmem>>
        %dma_start3A_104 = arith.constant 0 : i32
        %dma_start3A_105 = tpu.memref_slice %arg6[%add3A_98, %dma_start3A_104] : memref<80x128xi32, #tpu.memory_space<vmem>> -> memref<1x64xi32, #tpu.memory_space<vmem>>
        %dma_start3A_106 = tpu.memref_squeeze %dma_start3A_105 : memref<1x64xi32, #tpu.memory_space<vmem>> -> memref<64xi32, #tpu.memory_space<vmem>>
        %dma_start3A_107 = arith.constant 0 : i32
        %dma_start3A_108 = arith.constant 0 : i32
        %dma_start3A_109 = tpu.memref_slice %arg4[%dma_start3A_107, %dma_start3A_108] : memref<10000x128xf32, #tpu.memory_space<hbm>> -> memref<10000x128xf32, #tpu.memory_space<hbm>>
        tpu.enqueue_indirect_dma source(%dma_start3A_109 : memref<10000x128xf32, #tpu.memory_space<hbm>>) target(%dma_start3A_103 : memref<64x128xf32, #tpu.memory_space<vmem>>) offsets(%dma_start3A_106 : memref<64xi32, #tpu.memory_space<vmem>>) semaphore(%arg10 : memref<!tpu.dma_semaphore, #tpu.memory_space<semaphore_mem>>)
      } else {
      }
      %dma_wait3A_85 = arith.constant 1 : i32
      %dma_wait3A_86 = arith.constant 0 : i32
      %dma_wait3A_87 = arith.constant 0 : i32
      %dma_wait3A_88 = tpu.memref_slice %arg8[%dma_wait3A_85, %dma_wait3A_86, %dma_wait3A_87] : memref<2x64x128xf32, #tpu.memory_space<vmem>> -> memref<1x64x128xf32, #tpu.memory_space<vmem>>
      %dma_wait3A_89 = tpu.memref_squeeze %dma_wait3A_88 : memref<1x64x128xf32, #tpu.memory_space<vmem>> -> memref<64x128xf32, #tpu.memory_space<vmem>>
      %dma_wait3A_90 = arith.constant 64 : i32
      %dma_wait3A_91 = tpu.memref_slice %arg6[%add3A_59, %dma_wait3A_90] : memref<80x128xi32, #tpu.memory_space<vmem>> -> memref<1x64xi32, #tpu.memory_space<vmem>>
      %dma_wait3A_92 = tpu.memref_squeeze %dma_wait3A_91 : memref<1x64xi32, #tpu.memory_space<vmem>> -> memref<64xi32, #tpu.memory_space<vmem>>
      %dma_wait3A_93 = arith.constant 0 : i32
      %dma_wait3A_94 = arith.constant 0 : i32
      %dma_wait3A_95 = tpu.memref_slice %arg4[%dma_wait3A_93, %dma_wait3A_94] : memref<10000x128xf32, #tpu.memory_space<hbm>> -> memref<10000x128xf32, #tpu.memory_space<hbm>>
      tpu.wait_indirect_dma semaphore(%arg11 : memref<!tpu.dma_semaphore, #tpu.memory_space<semaphore_mem>>) src(%dma_wait3A_95 : memref<10000x128xf32, #tpu.memory_space<hbm>>) dst(%dma_wait3A_89 : memref<64x128xf32, #tpu.memory_space<vmem>>)
      %run_scoped3A_96 = arith.constant 1 : i32
      "tpu.region"() ({
        %run_scoped3A_97 = tpu.sem_alloc : memref<!tpu.dma_semaphore, #tpu.memory_space<semaphore_mem>>
        %dma_start3A_98 = arith.constant 0 : i32
        %dma_start3A_99 = arith.constant 0 : i32
        %dma_start3A_100 = tpu.memref_slice %arg8[%run_scoped3A_96, %dma_start3A_98, %dma_start3A_99] : memref<2x64x128xf32, #tpu.memory_space<vmem>> -> memref<1x64x128xf32, #tpu.memory_space<vmem>>
        %dma_start3A_101 = tpu.memref_squeeze %dma_start3A_100 : memref<1x64x128xf32, #tpu.memory_space<vmem>> -> memref<64x128xf32, #tpu.memory_space<vmem>>
        %dma_start3A_102 = arith.constant 64 : i32
        %dma_start3A_103 = tpu.memref_slice %arg7[%add3A_59, %dma_start3A_102] : memref<80x128xi32, #tpu.memory_space<vmem>> -> memref<1x64xi32, #tpu.memory_space<vmem>>
        %dma_start3A_104 = tpu.memref_squeeze %dma_start3A_103 : memref<1x64xi32, #tpu.memory_space<vmem>> -> memref<64xi32, #tpu.memory_space<vmem>>
        %dma_start3A_105 = arith.constant 0 : i32
        %dma_start3A_106 = arith.constant 0 : i32
        %dma_start3A_107 = tpu.memref_slice %arg9[%dma_start3A_105, %dma_start3A_106] : memref<10240x128xf32, #tpu.memory_space<vmem_shared>> -> memref<10240x128xf32, #tpu.memory_space<vmem_shared>>
        tpu.enqueue_indirect_dma source(%dma_start3A_101 : memref<64x128xf32, #tpu.memory_space<vmem>>) target(%dma_start3A_107 : memref<10240x128xf32, #tpu.memory_space<vmem_shared>>) offsets(%dma_start3A_104 : memref<64xi32, #tpu.memory_space<vmem>>) semaphore(%run_scoped3A_97 : memref<!tpu.dma_semaphore, #tpu.memory_space<semaphore_mem>>) {add = true}
        %dma_wait3A_108 = arith.constant 0 : i32
        %dma_wait3A_109 = arith.constant 0 : i32
        %dma_wait3A_110 = tpu.memref_slice %arg8[%run_scoped3A_96, %dma_wait3A_108, %dma_wait3A_109] : memref<2x64x128xf32, #tpu.memory_space<vmem>> -> memref<1x64x128xf32, #tpu.memory_space<vmem>>
        %dma_wait3A_111 = tpu.memref_squeeze %dma_wait3A_110 : memref<1x64x128xf32, #tpu.memory_space<vmem>> -> memref<64x128xf32, #tpu.memory_space<vmem>>
        %dma_wait3A_112 = arith.constant 64 : i32
        %dma_wait3A_113 = tpu.memref_slice %arg7[%add3A_59, %dma_wait3A_112] : memref<80x128xi32, #tpu.memory_space<vmem>> -> memref<1x64xi32, #tpu.memory_space<vmem>>
        %dma_wait3A_114 = tpu.memref_squeeze %dma_wait3A_113 : memref<1x64xi32, #tpu.memory_space<vmem>> -> memref<64xi32, #tpu.memory_space<vmem>>
        %dma_wait3A_115 = arith.constant 0 : i32
        %dma_wait3A_116 = arith.constant 0 : i32
        %dma_wait3A_117 = tpu.memref_slice %arg9[%dma_wait3A_115, %dma_wait3A_116] : memref<10240x128xf32, #tpu.memory_space<vmem_shared>> -> memref<10240x128xf32, #tpu.memory_space<vmem_shared>>
        tpu.wait_indirect_dma semaphore(%run_scoped3A_97 : memref<!tpu.dma_semaphore, #tpu.memory_space<semaphore_mem>>) src(%dma_wait3A_111 : memref<64x128xf32, #tpu.memory_space<vmem>>) dst(%dma_wait3A_117 : memref<10240x128xf32, #tpu.memory_space<vmem_shared>>)
        tpu.yield
      }) : () -> ()
    }
    %scan3A_35 = arith.constant 80 : i32
    %barrier3A_36 = arith.constant 0 : index
    tpu.barrier barrier_id(%barrier3A_36)
    %sub3A_37 = arith.constant 50 : i32
    %sub3A_38 = arith.subi %sub3A_37, %arg1 : i32
    %sub3A_39 = arith.constant 16 : i32
    %sub3A_40 = arith.constant 1 : i32
    %sub3A_41 = arith.subi %sub3A_39, %sub3A_40 : i32
    %add3A_42 = arith.addi %sub3A_38, %sub3A_41 : i32
    %div3A_43 = arith.constant 16 : i32
    %div3A_44 = arith.divsi %add3A_42, %div3A_43 : i32
    %while3A_45 = arith.constant 16 : i32
    %while3A_46 = arith.constant 0 : i32
    %while3A_47 = arith.subi %div3A_44, %while3A_46 : i32
    %while3A_48 = arith.addi %while3A_46, %while3A_47 : i32
    %while3A_49 = arith.constant 1 : i32
    %while3A_50 = arith.divsi %while3A_47, %while3A_49 : i32
    %while3A_51 = arith.muli %while3A_50, %while3A_49 : i32
    %while3A_52 = arith.addi %while3A_46, %while3A_51 : i32
    %while3A_53 = arith.constant 1 : i32
    scf.for %while3A_55 = %while3A_46 to %while3A_52 step %while3A_53  : i32 {
      %mul3A_56 = arith.muli %while3A_55, %while3A_45 : i32
      %add3A_57 = arith.addi %arg1, %mul3A_56 : i32
      %mul3A_58 = arith.constant 200 : i32
      %mul3A_59 = arith.muli %add3A_57, %mul3A_58 : i32
      %mul3A_60 = arith.constant 200 : i32
      %mul3A_61 = arith.muli %add3A_57, %mul3A_60 : i32
      "tpu.region"() ({
        %run_scoped3A = tpu.sem_alloc : memref<!tpu.dma_semaphore, #tpu.memory_space<semaphore_mem>>
        %dma_start3A_62 = arith.constant 0 : i32
        %dma_start3A_63 = tpu.memref_slice %arg5[%arg0, %mul3A_61, %dma_start3A_62] : memref<2x10000x128xf32, #tpu.memory_space<hbm>> -> memref<1x200x128xf32, #tpu.memory_space<hbm>>
        %dma_start3A_64 = tpu.memref_squeeze %dma_start3A_63 : memref<1x200x128xf32, #tpu.memory_space<hbm>> -> memref<200x128xf32, #tpu.memory_space<hbm>>
        %dma_start3A_65 = arith.constant 0 : i32
        %dma_start3A_66 = tpu.memref_slice %arg9[%mul3A_59, %dma_start3A_65] : memref<10240x128xf32, #tpu.memory_space<vmem_shared>> -> memref<200x128xf32, #tpu.memory_space<vmem_shared>>
        tpu.enqueue_dma source(%dma_start3A_66 : memref<200x128xf32, #tpu.memory_space<vmem_shared>>) target(%dma_start3A_64 : memref<200x128xf32, #tpu.memory_space<hbm>>) target_semaphore(%run_scoped3A : memref<!tpu.dma_semaphore, #tpu.memory_space<semaphore_mem>>)
        %dma_wait3A = arith.constant 0 : i32
        %dma_wait3A_67 = tpu.memref_slice %arg5[%arg0, %mul3A_61, %dma_wait3A] : memref<2x10000x128xf32, #tpu.memory_space<hbm>> -> memref<1x200x128xf32, #tpu.memory_space<hbm>>
        %dma_wait3A_68 = tpu.memref_squeeze %dma_wait3A_67 : memref<1x200x128xf32, #tpu.memory_space<hbm>> -> memref<200x128xf32, #tpu.memory_space<hbm>>
        %dma_wait3A_69 = arith.constant 0 : i32
        %dma_wait3A_70 = tpu.memref_slice %arg9[%mul3A_59, %dma_wait3A_69] : memref<10240x128xf32, #tpu.memory_space<vmem_shared>> -> memref<200x128xf32, #tpu.memory_space<vmem_shared>>
        tpu.wait_dma2 semaphore(%run_scoped3A : memref<!tpu.dma_semaphore, #tpu.memory_space<semaphore_mem>>) src(%dma_wait3A_70 : memref<200x128xf32, #tpu.memory_space<vmem_shared>>) dst(%dma_wait3A_68 : memref<200x128xf32, #tpu.memory_space<hbm>>)
        tpu.yield
      }) : () -> ()
    }
    %while3A_54 = arith.constant 1 : i32
    scf.for %while3A_55 = %while3A_52 to %while3A_48 step %while3A_54  : i32 {
      %mul3A_56 = arith.muli %while3A_55, %while3A_45 : i32
      %add3A_57 = arith.addi %arg1, %mul3A_56 : i32
      %mul3A_58 = arith.constant 200 : i32
      %mul3A_59 = arith.muli %add3A_57, %mul3A_58 : i32
      %mul3A_60 = arith.constant 200 : i32
      %mul3A_61 = arith.muli %add3A_57, %mul3A_60 : i32
      "tpu.region"() ({
        %run_scoped3A = tpu.sem_alloc : memref<!tpu.dma_semaphore, #tpu.memory_space<semaphore_mem>>
        %dma_start3A_62 = arith.constant 0 : i32
        %dma_start3A_63 = tpu.memref_slice %arg5[%arg0, %mul3A_61, %dma_start3A_62] : memref<2x10000x128xf32, #tpu.memory_space<hbm>> -> memref<1x200x128xf32, #tpu.memory_space<hbm>>
        %dma_start3A_64 = tpu.memref_squeeze %dma_start3A_63 : memref<1x200x128xf32, #tpu.memory_space<hbm>> -> memref<200x128xf32, #tpu.memory_space<hbm>>
        %dma_start3A_65 = arith.constant 0 : i32
        %dma_start3A_66 = tpu.memref_slice %arg9[%mul3A_59, %dma_start3A_65] : memref<10240x128xf32, #tpu.memory_space<vmem_shared>> -> memref<200x128xf32, #tpu.memory_space<vmem_shared>>
        tpu.enqueue_dma source(%dma_start3A_66 : memref<200x128xf32, #tpu.memory_space<vmem_shared>>) target(%dma_start3A_64 : memref<200x128xf32, #tpu.memory_space<hbm>>) target_semaphore(%run_scoped3A : memref<!tpu.dma_semaphore, #tpu.memory_space<semaphore_mem>>)
        %dma_wait3A = arith.constant 0 : i32
        %dma_wait3A_67 = tpu.memref_slice %arg5[%arg0, %mul3A_61, %dma_wait3A] : memref<2x10000x128xf32, #tpu.memory_space<hbm>> -> memref<1x200x128xf32, #tpu.memory_space<hbm>>
        %dma_wait3A_68 = tpu.memref_squeeze %dma_wait3A_67 : memref<1x200x128xf32, #tpu.memory_space<hbm>> -> memref<200x128xf32, #tpu.memory_space<hbm>>
        %dma_wait3A_69 = arith.constant 0 : i32
        %dma_wait3A_70 = tpu.memref_slice %arg9[%mul3A_59, %dma_wait3A_69] : memref<10240x128xf32, #tpu.memory_space<vmem_shared>> -> memref<200x128xf32, #tpu.memory_space<vmem_shared>>
        tpu.wait_dma2 semaphore(%run_scoped3A : memref<!tpu.dma_semaphore, #tpu.memory_space<semaphore_mem>>) src(%dma_wait3A_70 : memref<200x128xf32, #tpu.memory_space<vmem_shared>>) dst(%dma_wait3A_68 : memref<200x128xf32, #tpu.memory_space<hbm>>)
        tpu.yield
      }) : () -> ()
    }
    return
  }
}

module attributes {stable_mosaic.version = 14 : i64} {
  func.func @_scale_body(%arg0: i32, %arg1: memref<2x1000x16xf32, #tpu.memory_space<vmem>>, %arg2: memref<1000x128xf32, #tpu.memory_space<vmem>>, %arg3: memref<1000x128xf32, #tpu.memory_space<vmem>>) attributes {dimension_semantics = [#tpu.dimension_semantics<arbitrary>], iteration_bounds = array<i64: 10>, scalar_prefetch = 0 : i64, scratch_operands = 0 : i64, tpu.core_type = #tpu.core_type<tc>, window_params = [{transform_indices = @transform_0, window_bounds = array<i64: 2, 1000, 16>}, {transform_indices = @transform_1, window_bounds = array<i64: 1000, 128>}, {transform_indices = @transform_2, window_bounds = array<i64: 1000, 128>}]} {
    %get3A = arith.constant 0 : index
    %get3A_0 = arith.constant 0 : index
    %get3A_1 = vector.load %arg2[%get3A, %get3A_0] : memref<1000x128xf32, #tpu.memory_space<vmem>>, vector<1000x128xf32>
    %get3A_2 = arith.constant 0 : index
    %get3A_3 = arith.constant 0 : index
    %get3A_4 = arith.constant 0 : index
    %get3A_5 = vector.load %arg1[%get3A_2, %get3A_3, %get3A_4] : memref<2x1000x16xf32, #tpu.memory_space<vmem>>, vector<1x1000x1xf32>
    %get3A_6 = vector.shape_cast %get3A_5 : vector<1x1000x1xf32> to vector<1000x1xf32>
    %get3A_7 = arith.constant 1 : index
    %get3A_8 = arith.constant 0 : index
    %get3A_9 = arith.constant 0 : index
    %get3A_10 = vector.load %arg1[%get3A_7, %get3A_8, %get3A_9] : memref<2x1000x16xf32, #tpu.memory_space<vmem>>, vector<1x1000x1xf32>
    %get3A_11 = vector.shape_cast %get3A_10 : vector<1x1000x1xf32> to vector<1000x1xf32>
    %add3A = arith.addf %get3A_6, %get3A_11 : vector<1000x1xf32>
    %add3A_12 = arith.constant 1.000000e+00 : f32
    %add3A_13 = vector.broadcast %add3A_12 : f32 to vector<1000x1xf32>
    %add3A_14 = arith.addf %add3A, %add3A_13 : vector<1000x1xf32>
    %rsqrt3A = math.rsqrt %add3A_14 : vector<1000x1xf32>
    %mul3A = vector.broadcast %rsqrt3A : vector<1000x1xf32> to vector<1000x128xf32>
    %mul3A_15 = arith.mulf %get3A_1, %mul3A : vector<1000x128xf32>
    %swap3A = arith.constant 0 : index
    %swap3A_16 = arith.constant 0 : index
    %swap3A_17 = vector.load %arg3[%swap3A, %swap3A_16] : memref<1000x128xf32, #tpu.memory_space<vmem>>, vector<1000x128xf32>
    tpu.vector_store %arg3[%swap3A, %swap3A_16], %mul3A_15 {strides = array<i32>} : memref<1000x128xf32, #tpu.memory_space<vmem>>, vector<1000x128xf32>,
    return
  }
  func.func @transform_0(%arg0: i32) -> (i32, i32, i32) {
    %c0_i32 = arith.constant 0 : i32
    %c0_i32_0 = arith.constant 0 : i32
    %c0_i32_1 = arith.constant 0 : i32
    return %c0_i32, %arg0, %c0_i32_0 : i32, i32, i32
  }
  func.func @transform_1(%arg0: i32) -> (i32, i32) {
    %c0_i32 = arith.constant 0 : i32
    %c0_i32_0 = arith.constant 0 : i32
    return %arg0, %c0_i32 : i32, i32
  }
  func.func @transform_2(%arg0: i32) -> (i32, i32) {
    %c0_i32 = arith.constant 0 : i32
    %c0_i32_0 = arith.constant 0 : i32
    return %arg0, %c0_i32 : i32, i32
  }
}

module attributes {stable_mosaic.version = 14 : i64} {
  func.func @_layer2_body(%arg0: i32, %arg1: memref<2x1000x16xf32, #tpu.memory_space<vmem>>, %arg2: memref<1000x128xf32, #tpu.memory_space<vmem>>, %arg3: memref<2x1000x128xf32, #tpu.memory_space<vmem>>, %arg4: memref<1x128xf32, #tpu.memory_space<vmem>>, %arg5: memref<128x128xf32, #tpu.memory_space<vmem>>, %arg6: memref<1000x128xf32, #tpu.memory_space<vmem>>) attributes {dimension_semantics = [#tpu.dimension_semantics<arbitrary>], iteration_bounds = array<i64: 10>, scalar_prefetch = 0 : i64, scratch_operands = 0 : i64, tpu.core_type = #tpu.core_type<tc>, window_params = [{transform_indices = @transform_0, window_bounds = array<i64: 2, 1000, 16>}, {transform_indices = @transform_1, window_bounds = array<i64: 1000, 128>}, {transform_indices = @transform_2, window_bounds = array<i64: 2, 1000, 128>}, {pipeline_mode = #tpu.pipeline_mode<synchronous>, transform_indices = @transform_3, window_bounds = array<i64: 1, 128>}, {pipeline_mode = #tpu.pipeline_mode<synchronous>, transform_indices = @transform_4, window_bounds = array<i64: 128, 128>}, {transform_indices = @transform_5, window_bounds = array<i64: 1000, 128>}]} {
    %get3A = arith.constant 0 : index
    %get3A_0 = arith.constant 0 : index
    %get3A_1 = arith.constant 0 : index
    %get3A_2 = vector.load %arg1[%get3A, %get3A_0, %get3A_1] : memref<2x1000x16xf32, #tpu.memory_space<vmem>>, vector<1x1000x1xf32>
    %get3A_3 = vector.shape_cast %get3A_2 : vector<1x1000x1xf32> to vector<1000x1xf32>
    %get3A_4 = arith.constant 1 : index
    %get3A_5 = arith.constant 0 : index
    %get3A_6 = arith.constant 0 : index
    %get3A_7 = vector.load %arg1[%get3A_4, %get3A_5, %get3A_6] : memref<2x1000x16xf32, #tpu.memory_space<vmem>>, vector<1x1000x1xf32>
    %get3A_8 = vector.shape_cast %get3A_7 : vector<1x1000x1xf32> to vector<1000x1xf32>
    %add3A = arith.addf %get3A_3, %get3A_8 : vector<1000x1xf32>
    %add3A_9 = arith.constant 1.000000e+00 : f32
    %add3A_10 = vector.broadcast %add3A_9 : f32 to vector<1000x1xf32>
    %add3A_11 = arith.addf %add3A, %add3A_10 : vector<1000x1xf32>
    %rsqrt3A = math.rsqrt %add3A_11 : vector<1000x1xf32>
    %get3A_12 = arith.constant 0 : index
    %get3A_13 = arith.constant 0 : index
    %get3A_14 = arith.constant 0 : index
    %get3A_15 = vector.load %arg3[%get3A_12, %get3A_13, %get3A_14] : memref<2x1000x128xf32, #tpu.memory_space<vmem>>, vector<1x1000x128xf32>
    %get3A_16 = vector.shape_cast %get3A_15 : vector<1x1000x128xf32> to vector<1000x128xf32>
    %get3A_17 = arith.constant 1 : index
    %get3A_18 = arith.constant 0 : index
    %get3A_19 = arith.constant 0 : index
    %get3A_20 = vector.load %arg3[%get3A_17, %get3A_18, %get3A_19] : memref<2x1000x128xf32, #tpu.memory_space<vmem>>, vector<1x1000x128xf32>
    %get3A_21 = vector.shape_cast %get3A_20 : vector<1x1000x128xf32> to vector<1000x128xf32>
    %add3A_22 = arith.addf %get3A_16, %get3A_21 : vector<1000x128xf32>
    %get3A_23 = arith.constant 0 : index
    %get3A_24 = arith.constant 0 : index
    %get3A_25 = vector.load %arg2[%get3A_23, %get3A_24] : memref<1000x128xf32, #tpu.memory_space<vmem>>, vector<1000x128xf32>
    %add3A_26 = arith.addf %add3A_22, %get3A_25 : vector<1000x128xf32>
    %mul3A = vector.broadcast %rsqrt3A : vector<1000x1xf32> to vector<1000x128xf32>
    %mul3A_27 = arith.mulf %mul3A, %add3A_26 : vector<1000x128xf32>
    %get3A_28 = arith.constant 0 : index
    %get3A_29 = arith.constant 0 : index
    %get3A_30 = vector.load %arg4[%get3A_28, %get3A_29] : memref<1x128xf32, #tpu.memory_space<vmem>>, vector<1x128xf32>
    %add3A_31 = vector.broadcast %get3A_30 : vector<1x128xf32> to vector<1000x128xf32>
    %add3A_32 = arith.addf %mul3A_27, %add3A_31 : vector<1000x128xf32>
    %max3A = arith.constant 0.000000e+00 : f32
    %max3A_33 = vector.broadcast %max3A : f32 to vector<1000x128xf32>
    %max3A_34 = arith.maximumf %add3A_32, %max3A_33 : vector<1000x128xf32>
    %get3A_35 = arith.constant 0 : index
    %get3A_36 = arith.constant 0 : index
    %get3A_37 = vector.load %arg5[%get3A_35, %get3A_36] : memref<128x128xf32, #tpu.memory_space<vmem>>, vector<128x128xf32>
    %dot_general3A = arith.constant dense<0.000000e+00> : vector<1000x128xf32>
    %dot_general3A_38 = tpu.matmul %max3A_34, %get3A_37, %dot_general3A {dimension_numbers = #tpu.dot_dimension_numbers<[1], [0], [0], [1], [0, 0, 1, 1], [], []>, transpose_lhs_hint = false} : vector<1000x128xf32>, vector<128x128xf32>, vector<1000x128xf32> -> vector<1000x128xf32>
    %mul3A_39 = vector.broadcast %rsqrt3A : vector<1000x1xf32> to vector<1000x128xf32>
    %mul3A_40 = arith.mulf %mul3A_39, %dot_general3A_38 : vector<1000x128xf32>
    %swap3A = arith.constant 0 : index
    %swap3A_41 = arith.constant 0 : index
    %swap3A_42 = vector.load %arg6[%swap3A, %swap3A_41] : memref<1000x128xf32, #tpu.memory_space<vmem>>, vector<1000x128xf32>
    tpu.vector_store %arg6[%swap3A, %swap3A_41], %mul3A_40 {strides = array<i32>} : memref<1000x128xf32, #tpu.memory_space<vmem>>, vector<1000x128xf32>,
    return
  }
  func.func @transform_0(%arg0: i32) -> (i32, i32, i32) {
    %c0_i32 = arith.constant 0 : i32
    %c0_i32_0 = arith.constant 0 : i32
    %c0_i32_1 = arith.constant 0 : i32
    return %c0_i32, %arg0, %c0_i32_0 : i32, i32, i32
  }
  func.func @transform_1(%arg0: i32) -> (i32, i32) {
    %c0_i32 = arith.constant 0 : i32
    %c0_i32_0 = arith.constant 0 : i32
    return %arg0, %c0_i32 : i32, i32
  }
  func.func @transform_2(%arg0: i32) -> (i32, i32, i32) {
    %c0_i32 = arith.constant 0 : i32
    %c0_i32_0 = arith.constant 0 : i32
    %c0_i32_1 = arith.constant 0 : i32
    return %c0_i32, %arg0, %c0_i32_0 : i32, i32, i32
  }
  func.func @transform_3(%arg0: i32) -> (i32, i32) {
    %c0_i32 = arith.constant 0 : i32
    %c0_i32_0 = arith.constant 0 : i32
    %c0_i32_1 = arith.constant 0 : i32
    return %c0_i32, %c0_i32_0 : i32, i32
  }
  func.func @transform_4(%arg0: i32) -> (i32, i32) {
    %c0_i32 = arith.constant 0 : i32
    %c0_i32_0 = arith.constant 0 : i32
    %c0_i32_1 = arith.constant 0 : i32
    return %c0_i32, %c0_i32_0 : i32, i32
  }
  func.func @transform_5(%arg0: i32) -> (i32, i32) {
    %c0_i32 = arith.constant 0 : i32
    %c0_i32_0 = arith.constant 0 : i32
    return %arg0, %c0_i32 : i32, i32
  }
}

module attributes {stable_mosaic.version = 14 : i64} {
  func.func @_layer1_body(%arg0: i32, %arg1: memref<2x1000x16xf32, #tpu.memory_space<vmem>>, %arg2: memref<1000x128xf32, #tpu.memory_space<vmem>>, %arg3: memref<2x1000x128xf32, #tpu.memory_space<vmem>>, %arg4: memref<128x300xf32, #tpu.memory_space<vmem>>, %arg5: memref<1x300xf32, #tpu.memory_space<vmem>>, %arg6: memref<300x128xf32, #tpu.memory_space<vmem>>, %arg7: memref<1000x128xf32, #tpu.memory_space<vmem>>) attributes {dimension_semantics = [#tpu.dimension_semantics<arbitrary>], iteration_bounds = array<i64: 10>, scalar_prefetch = 0 : i64, scratch_operands = 0 : i64, tpu.core_type = #tpu.core_type<tc>, window_params = [{transform_indices = @transform_0, window_bounds = array<i64: 2, 1000, 16>}, {transform_indices = @transform_1, window_bounds = array<i64: 1000, 128>}, {transform_indices = @transform_2, window_bounds = array<i64: 2, 1000, 128>}, {pipeline_mode = #tpu.pipeline_mode<synchronous>, transform_indices = @transform_3, window_bounds = array<i64: 128, 300>}, {pipeline_mode = #tpu.pipeline_mode<synchronous>, transform_indices = @transform_4, window_bounds = array<i64: 1, 300>}, {pipeline_mode = #tpu.pipeline_mode<synchronous>, transform_indices = @transform_5, window_bounds = array<i64: 300, 128>}, {transform_indices = @transform_6, window_bounds = array<i64: 1000, 128>}]} {
    %get3A = arith.constant 0 : index
    %get3A_0 = arith.constant 0 : index
    %get3A_1 = arith.constant 0 : index
    %get3A_2 = vector.load %arg1[%get3A, %get3A_0, %get3A_1] : memref<2x1000x16xf32, #tpu.memory_space<vmem>>, vector<1x1000x1xf32>
    %get3A_3 = vector.shape_cast %get3A_2 : vector<1x1000x1xf32> to vector<1000x1xf32>
    %get3A_4 = arith.constant 1 : index
    %get3A_5 = arith.constant 0 : index
    %get3A_6 = arith.constant 0 : index
    %get3A_7 = vector.load %arg1[%get3A_4, %get3A_5, %get3A_6] : memref<2x1000x16xf32, #tpu.memory_space<vmem>>, vector<1x1000x1xf32>
    %get3A_8 = vector.shape_cast %get3A_7 : vector<1x1000x1xf32> to vector<1000x1xf32>
    %add3A = arith.addf %get3A_3, %get3A_8 : vector<1000x1xf32>
    %add3A_9 = arith.constant 1.000000e+00 : f32
    %add3A_10 = vector.broadcast %add3A_9 : f32 to vector<1000x1xf32>
    %add3A_11 = arith.addf %add3A, %add3A_10 : vector<1000x1xf32>
    %rsqrt3A = math.rsqrt %add3A_11 : vector<1000x1xf32>
    %get3A_12 = arith.constant 0 : index
    %get3A_13 = arith.constant 0 : index
    %get3A_14 = arith.constant 0 : index
    %get3A_15 = vector.load %arg3[%get3A_12, %get3A_13, %get3A_14] : memref<2x1000x128xf32, #tpu.memory_space<vmem>>, vector<1x1000x128xf32>
    %get3A_16 = vector.shape_cast %get3A_15 : vector<1x1000x128xf32> to vector<1000x128xf32>
    %get3A_17 = arith.constant 1 : index
    %get3A_18 = arith.constant 0 : index
    %get3A_19 = arith.constant 0 : index
    %get3A_20 = vector.load %arg3[%get3A_17, %get3A_18, %get3A_19] : memref<2x1000x128xf32, #tpu.memory_space<vmem>>, vector<1x1000x128xf32>
    %get3A_21 = vector.shape_cast %get3A_20 : vector<1x1000x128xf32> to vector<1000x128xf32>
    %add3A_22 = arith.addf %get3A_16, %get3A_21 : vector<1000x128xf32>
    %get3A_23 = arith.constant 0 : index
    %get3A_24 = arith.constant 0 : index
    %get3A_25 = vector.load %arg2[%get3A_23, %get3A_24] : memref<1000x128xf32, #tpu.memory_space<vmem>>, vector<1000x128xf32>
    %mul3A = vector.broadcast %rsqrt3A : vector<1000x1xf32> to vector<1000x128xf32>
    %mul3A_26 = arith.mulf %mul3A, %get3A_25 : vector<1000x128xf32>
    %add3A_27 = arith.addf %add3A_22, %mul3A_26 : vector<1000x128xf32>
    %mul3A_28 = vector.broadcast %rsqrt3A : vector<1000x1xf32> to vector<1000x128xf32>
    %mul3A_29 = arith.mulf %mul3A_28, %add3A_27 : vector<1000x128xf32>
    %get3A_30 = arith.constant 0 : index
    %get3A_31 = arith.constant 0 : index
    %get3A_32 = vector.load %arg4[%get3A_30, %get3A_31] : memref<128x300xf32, #tpu.memory_space<vmem>>, vector<128x300xf32>
    %dot_general3A = arith.constant dense<0.000000e+00> : vector<1000x300xf32>
    %dot_general3A_33 = tpu.matmul %mul3A_29, %get3A_32, %dot_general3A {dimension_numbers = #tpu.dot_dimension_numbers<[1], [0], [0], [1], [0, 0, 1, 1], [], []>, transpose_lhs_hint = false} : vector<1000x128xf32>, vector<128x300xf32>, vector<1000x300xf32> -> vector<1000x300xf32>
    %get3A_34 = arith.constant 0 : index
    %get3A_35 = arith.constant 0 : index
    %get3A_36 = vector.load %arg5[%get3A_34, %get3A_35] : memref<1x300xf32, #tpu.memory_space<vmem>>, vector<1x300xf32>
    %add3A_37 = vector.broadcast %get3A_36 : vector<1x300xf32> to vector<1000x300xf32>
    %add3A_38 = arith.addf %dot_general3A_33, %add3A_37 : vector<1000x300xf32>
    %max3A = arith.constant 0.000000e+00 : f32
    %max3A_39 = vector.broadcast %max3A : f32 to vector<1000x300xf32>
    %max3A_40 = arith.maximumf %add3A_38, %max3A_39 : vector<1000x300xf32>
    %get3A_41 = arith.constant 0 : index
    %get3A_42 = arith.constant 0 : index
    %get3A_43 = vector.load %arg6[%get3A_41, %get3A_42] : memref<300x128xf32, #tpu.memory_space<vmem>>, vector<300x128xf32>
    %dot_general3A_44 = arith.constant dense<0.000000e+00> : vector<1000x128xf32>
    %dot_general3A_45 = tpu.matmul %max3A_40, %get3A_43, %dot_general3A_44 {dimension_numbers = #tpu.dot_dimension_numbers<[1], [0], [0], [1], [0, 0, 1, 1], [], []>, transpose_lhs_hint = false} : vector<1000x300xf32>, vector<300x128xf32>, vector<1000x128xf32> -> vector<1000x128xf32>
    %mul3A_46 = vector.broadcast %rsqrt3A : vector<1000x1xf32> to vector<1000x128xf32>
    %mul3A_47 = arith.mulf %mul3A_46, %dot_general3A_45 : vector<1000x128xf32>
    %swap3A = arith.constant 0 : index
    %swap3A_48 = arith.constant 0 : index
    %swap3A_49 = vector.load %arg7[%swap3A, %swap3A_48] : memref<1000x128xf32, #tpu.memory_space<vmem>>, vector<1000x128xf32>
    tpu.vector_store %arg7[%swap3A, %swap3A_48], %mul3A_47 {strides = array<i32>} : memref<1000x128xf32, #tpu.memory_space<vmem>>, vector<1000x128xf32>,
    return
  }
  func.func @transform_0(%arg0: i32) -> (i32, i32, i32) {
    %c0_i32 = arith.constant 0 : i32
    %c0_i32_0 = arith.constant 0 : i32
    %c0_i32_1 = arith.constant 0 : i32
    return %c0_i32, %arg0, %c0_i32_0 : i32, i32, i32
  }
  func.func @transform_1(%arg0: i32) -> (i32, i32) {
    %c0_i32 = arith.constant 0 : i32
    %c0_i32_0 = arith.constant 0 : i32
    return %arg0, %c0_i32 : i32, i32
  }
  func.func @transform_2(%arg0: i32) -> (i32, i32, i32) {
    %c0_i32 = arith.constant 0 : i32
    %c0_i32_0 = arith.constant 0 : i32
    %c0_i32_1 = arith.constant 0 : i32
    return %c0_i32, %arg0, %c0_i32_0 : i32, i32, i32
  }
  func.func @transform_3(%arg0: i32) -> (i32, i32) {
    %c0_i32 = arith.constant 0 : i32
    %c0_i32_0 = arith.constant 0 : i32
    %c0_i32_1 = arith.constant 0 : i32
    return %c0_i32, %c0_i32_0 : i32, i32
  }
  func.func @transform_4(%arg0: i32) -> (i32, i32) {
    %c0_i32 = arith.constant 0 : i32
    %c0_i32_0 = arith.constant 0 : i32
    %c0_i32_1 = arith.constant 0 : i32
    return %c0_i32, %c0_i32_0 : i32, i32
  }
  func.func @transform_5(%arg0: i32) -> (i32, i32) {
    %c0_i32 = arith.constant 0 : i32
    %c0_i32_0 = arith.constant 0 : i32
    %c0_i32_1 = arith.constant 0 : i32
    return %c0_i32, %c0_i32_0 : i32, i32
  }
  func.func @transform_6(%arg0: i32) -> (i32, i32) {
    %c0_i32 = arith.constant 0 : i32
    %c0_i32_0 = arith.constant 0 : i32
    return %arg0, %c0_i32 : i32, i32
  }
}

module attributes {stable_mosaic.version = 14 : i64} {
  func.func @_layer3_body(%arg0: i32, %arg1: memref<2x1000x16xf32, #tpu.memory_space<vmem>>, %arg2: memref<1000x128xf32, #tpu.memory_space<vmem>>, %arg3: memref<2x1000x128xf32, #tpu.memory_space<vmem>>, %arg4: memref<1x40xf32, #tpu.memory_space<vmem>>, %arg5: memref<1000x40xf32, #tpu.memory_space<vmem>>) attributes {dimension_semantics = [#tpu.dimension_semantics<arbitrary>], iteration_bounds = array<i64: 10>, scalar_prefetch = 0 : i64, scratch_operands = 0 : i64, tpu.core_type = #tpu.core_type<tc>, window_params = [{transform_indices = @transform_0, window_bounds = array<i64: 2, 1000, 16>}, {transform_indices = @transform_1, window_bounds = array<i64: 1000, 128>}, {transform_indices = @transform_2, window_bounds = array<i64: 2, 1000, 128>}, {pipeline_mode = #tpu.pipeline_mode<synchronous>, transform_indices = @transform_3, window_bounds = array<i64: 1, 40>}, {transform_indices = @transform_4, window_bounds = array<i64: 1000, 40>}]} {
    %get3A = arith.constant 0 : index
    %get3A_0 = arith.constant 0 : index
    %get3A_1 = arith.constant 0 : index
    %get3A_2 = vector.load %arg1[%get3A, %get3A_0, %get3A_1] : memref<2x1000x16xf32, #tpu.memory_space<vmem>>, vector<1x1000x1xf32>
    %get3A_3 = vector.shape_cast %get3A_2 : vector<1x1000x1xf32> to vector<1000x1xf32>
    %get3A_4 = arith.constant 1 : index
    %get3A_5 = arith.constant 0 : index
    %get3A_6 = arith.constant 0 : index
    %get3A_7 = vector.load %arg1[%get3A_4, %get3A_5, %get3A_6] : memref<2x1000x16xf32, #tpu.memory_space<vmem>>, vector<1x1000x1xf32>
    %get3A_8 = vector.shape_cast %get3A_7 : vector<1x1000x1xf32> to vector<1000x1xf32>
    %add3A = arith.addf %get3A_3, %get3A_8 : vector<1000x1xf32>
    %add3A_9 = arith.constant 1.000000e+00 : f32
    %add3A_10 = vector.broadcast %add3A_9 : f32 to vector<1000x1xf32>
    %add3A_11 = arith.addf %add3A, %add3A_10 : vector<1000x1xf32>
    %rsqrt3A = math.rsqrt %add3A_11 : vector<1000x1xf32>
    %get3A_12 = arith.constant 0 : index
    %get3A_13 = arith.constant 0 : index
    %get3A_14 = arith.constant 0 : index
    %get3A_15 = vector.load %arg3[%get3A_12, %get3A_13, %get3A_14] : memref<2x1000x128xf32, #tpu.memory_space<vmem>>, vector<1x1000x128xf32>
    %get3A_16 = vector.shape_cast %get3A_15 : vector<1x1000x128xf32> to vector<1000x128xf32>
    %get3A_17 = arith.constant 1 : index
    %get3A_18 = arith.constant 0 : index
    %get3A_19 = arith.constant 0 : index
    %get3A_20 = vector.load %arg3[%get3A_17, %get3A_18, %get3A_19] : memref<2x1000x128xf32, #tpu.memory_space<vmem>>, vector<1x1000x128xf32>
    %get3A_21 = vector.shape_cast %get3A_20 : vector<1x1000x128xf32> to vector<1000x128xf32>
    %add3A_22 = arith.addf %get3A_16, %get3A_21 : vector<1000x128xf32>
    %get3A_23 = arith.constant 0 : index
    %get3A_24 = arith.constant 0 : index
    %get3A_25 = vector.load %arg2[%get3A_23, %get3A_24] : memref<1000x128xf32, #tpu.memory_space<vmem>>, vector<1000x128xf32>
    %add3A_26 = arith.addf %add3A_22, %get3A_25 : vector<1000x128xf32>
    %mul3A = vector.broadcast %rsqrt3A : vector<1000x1xf32> to vector<1000x128xf32>
    %mul3A_27 = arith.mulf %mul3A, %add3A_26 : vector<1000x128xf32>
    %slice3A = vector.extract_strided_slice %mul3A_27 {offsets = [0, 0], sizes = [1000, 40], strides = [1, 1]} : vector<1000x128xf32> to vector<1000x40xf32>
    %get3A_28 = arith.constant 0 : index
    %get3A_29 = arith.constant 0 : index
    %get3A_30 = vector.load %arg4[%get3A_28, %get3A_29] : memref<1x40xf32, #tpu.memory_space<vmem>>, vector<1x40xf32>
    %add3A_31 = vector.broadcast %get3A_30 : vector<1x40xf32> to vector<1000x40xf32>
    %add3A_32 = arith.addf %slice3A, %add3A_31 : vector<1000x40xf32>
    %swap3A = arith.constant 0 : index
    %swap3A_33 = arith.constant 0 : index
    %swap3A_34 = vector.load %arg5[%swap3A, %swap3A_33] : memref<1000x40xf32, #tpu.memory_space<vmem>>, vector<1000x40xf32>
    tpu.vector_store %arg5[%swap3A, %swap3A_33], %add3A_32 {strides = array<i32>} : memref<1000x40xf32, #tpu.memory_space<vmem>>, vector<1000x40xf32>,
    return
  }
  func.func @transform_0(%arg0: i32) -> (i32, i32, i32) {
    %c0_i32 = arith.constant 0 : i32
    %c0_i32_0 = arith.constant 0 : i32
    %c0_i32_1 = arith.constant 0 : i32
    return %c0_i32, %arg0, %c0_i32_0 : i32, i32, i32
  }
  func.func @transform_1(%arg0: i32) -> (i32, i32) {
    %c0_i32 = arith.constant 0 : i32
    %c0_i32_0 = arith.constant 0 : i32
    return %arg0, %c0_i32 : i32, i32
  }
  func.func @transform_2(%arg0: i32) -> (i32, i32, i32) {
    %c0_i32 = arith.constant 0 : i32
    %c0_i32_0 = arith.constant 0 : i32
    %c0_i32_1 = arith.constant 0 : i32
    return %c0_i32, %arg0, %c0_i32_0 : i32, i32, i32
  }
  func.func @transform_3(%arg0: i32) -> (i32, i32) {
    %c0_i32 = arith.constant 0 : i32
    %c0_i32_0 = arith.constant 0 : i32
    %c0_i32_1 = arith.constant 0 : i32
    return %c0_i32, %c0_i32_0 : i32, i32
  }
  func.func @transform_4(%arg0: i32) -> (i32, i32) {
    %c0_i32 = arith.constant 0 : i32
    %c0_i32_0 = arith.constant 0 : i32
    return %arg0, %c0_i32 : i32, i32
  }
}

</mosaic_0001>

<sc_bundles>
// kernel: kernel.10.cloned.1.call-start
scs
__scs_entry_jumppad:
0x0: {  	(pc) =	sbr.rel $0x88, $3  }
0x1: {  	(tag) =	ssettag $0x0;
	lr =	simm.s32 $0x1  }
0x2: {  	[smem:$0x3F99] =	sst lr;
	_ =	strace $0xD0000000  }
0x3: {  	_ = 	snop  }
0x4: {  	_ = 	snop  }
0x5: {  	_ = 	snop  }
0x6: {  	_ = 	snop  }
0x7: {  	_ = 	snop  }
__scs_overlays_trampoline_lowered:
0x8: {  	[smem:$0x3FA8] =	sst s0  }
0x9: {  	[smem:$0x3FA9] =	sst s1  }
0xa: {  	[smem:$0x3FAA] =	sst s2  }
0xb: {  	[smem:$0x3FAB] =	sst s3  }
0xc: {  	[smem:$0x3FAC] =	sst s4  }
0xd: {  	[smem:$0x3FAD] =	sst s5  }
0xe: {  	[smem:$0x3FAE] =	sst s6  }
0xf: {  	[smem:$0x3FAF] =	sst s7  }
0x10: {  	[smem:$0x3FB0] =	sst s8  }
0x11: {  	[smem:$0x3FB1] =	sst s9;
	s0 =	simm.s32 @!p0 $0x0  }
0x12: {  	s1 =	sld [smem:$0x3F97];
	s0 =	simm.s32 @p0 $0x1  }
0x13: {  	[smem:$0x3FB2] =	sst s0;
	s0 =	simm.s32 @!p1 $0x0  }
0x14: {  	s2 =	sld [smem:$0x3F96];
	s0 =	simm.s32 @p1 $0x1  }
0x15: {  	[smem:$0x3FB3] =	sst s0;
	s0 =	simm.s32 @!p2 $0x0  }
0x16: {  	s3 =	sld [smem:$0x3FDB];
	s0 =	simm.s32 @p2 $0x1  }
0x17: {  	s4 =	simm.s32 $0x1BF5;
	[smem:$0x3FB5] =	sst s0  }
0x18: {  	s0 =	sld [smem:$0x3F98];
	_ =	swait.ge [sflag:s4], $0x0  }
0x19: {  	s7 =	sld [smem:$0x3F99]  }
0x1a: {  	s8 =	sadd.s32 $0xFFFFE003, lr  }
0x1b: {  	s9 =	sadd.s32 $0xFFFFFEF7, lr;
	s5 =	simm.s32 $0xFFFFFFFF;
	p2 =	slt.u32 s8, $0xFFFFF086  }
0x1c: {  	p1 =	slt.u32 s9, $0xF7A;
	s5 =	simm.s32 @!p2 $0x0  }
0x1d: {  	s5 =	simm.s32 @p1 $0x1;
	p0 =	seq.s32 s7, s2  }
0x1e: {  	s7 =	smul.u32 @!p0 $0xF7A, s2;
	p2 =	seq.s32 @!p0 s5, $0x0  }
0x1f: {  	s9 =	smul.u32 $0xF7A, s1;
	s8 =	simm.s32 @!p0 $0x1BF5;
	p2 =	por !p2, p0  }
0x20: {  	[sflag:s8] =	ssyncset.s32 @!p0 $0xFFFFF086;
	s6 =	sadd.s32 @!p0 s3, s7;
	s7 =	simm.s32 @!p0 $0x108  }
0x21: {  	s3 =	sadd.s32 s3, s9;
	s6 =	sadd.s32 @!p0 $0x88, s6;
	s7 =	simm.s32 @p2 $0x1082  }
0x22: {  	[simem:s7], [sflag:s8] =	dma.local @!p0 [hbm:s6], $0xF7A  }
0x23: {  	s9 =	sor.u32 $0xD0000000, s2;
	s6 =	simm.s32 $0x108;
	_ =	swait.ge @!p0 [sflag:s8], $0x0  }
0x24: {  	s3 =	sadd.s32 $0x88, s3;
	s6 =	simm.s32 @!p1 $0x1082;
	[sflag:s4] =	ssyncset.s32 $0xFFFFF086  }
0x25: {  	[simem:s6], [sflag:s4] =	dma.local [hbm:s3], $0xF7A  }
0x26: {  	[smem:$0x3F99] =	sst s1;
	(tag) =	ssettag s2;
	_ =	strace s9  }
0x27: {  	s1 =	sld [smem:$0x3FA9]  }
0x28: {  	s2 =	sld [smem:$0x3FAA]  }
0x29: {  	s4 =	sld [smem:$0x3FAC]  }
0x2a: {  	p0 =	seq.s32 s5, $0x0;
	s5 =	sld [smem:$0x3FAD]  }
0x2b: {  	s6 =	sld [smem:$0x3FAE]  }
0x2c: {  	s7 =	sld [smem:$0x3FAF]  }
0x2d: {  	s3 =	simm.s32 $0x108;
	s8 =	sld [smem:$0x3FB0]  }
0x2e: {  	s3 =	simm.s32 @!p0 $0x1082;
	s9 =	sld [smem:$0x3FB1]  }
0x2f: {  	lr =	sadd.s32 s0, s3;
	s0 =	sld [smem:$0x3FA8]  }
0x30: {  	s3 =	sld [smem:$0x3FAB]  }
0x31: {  	[smem:$0x3FB4] =	sst s10  }
0x32: {  	s10 =	sld [smem:$0x3FB2];
	_ =	sdelay $0x3  }
0x33: {  	p0 =	seq.s32 s10, $0x1;
	s10 =	sld [smem:$0x3FB4];
	_ =	sdelay $0x3  }
0x34: {  	[smem:$0x3FB4] =	sst s10  }
0x35: {  	s10 =	sld [smem:$0x3FB3];
	_ =	sdelay $0x3  }
0x36: {  	p1 =	seq.s32 s10, $0x1;
	s10 =	sld [smem:$0x3FB4];
	_ =	sdelay $0x3  }
0x37: {  	[smem:$0x3FB4] =	sst s10  }
0x38: {  	s10 =	sld [smem:$0x3FB5]  }
0x39: {  	_ = 	snop;
	(pc) =	sbr.ind lr, $3  }
0x3a: {  	_ = 	snop  }
0x3b: {  	_ = 	snop  }
0x3c: {  	p2 =	seq.s32 s10, $0x1;
	s10 =	sld [smem:$0x3FB4]  }
0x3d: {  	_ =	shalt  }
0x3e: {  	_ =	shalt  }
0x3f: {  	_ =	shalt  }
0x40: {  	_ =	shalt  }
0x41: {  	_ =	shalt  }
0x42: {  	_ =	shalt  }
0x43: {  	_ =	shalt  }
0x44: {  	_ =	shalt  }
0x45: {  	_ =	shalt  }
0x46: {  	_ =	shalt  }
0x47: {  	_ =	shalt  }
0x48: {  	_ =	shalt  }
0x49: {  	_ =	shalt  }
0x4a: {  	_ =	shalt  }
0x4b: {  	_ =	shalt  }
0x4c: {  	_ =	shalt  }
0x4d: {  	_ =	shalt  }
0x4e: {  	_ =	shalt  }
0x4f: {  	_ =	shalt  }
0x50: {  	_ =	shalt  }
0x51: {  	_ =	shalt  }
0x52: {  	_ =	shalt  }
0x53: {  	_ =	shalt  }
0x54: {  	_ =	shalt  }
0x55: {  	_ =	shalt  }
0x56: {  	_ =	shalt  }
0x57: {  	_ =	shalt  }
0x58: {  	_ =	shalt  }
0x59: {  	_ =	shalt  }
0x5a: {  	_ =	shalt  }
0x5b: {  	_ =	shalt  }
0x5c: {  	_ =	shalt  }
0x5d: {  	_ =	shalt  }
0x5e: {  	_ =	shalt  }
0x5f: {  	_ =	shalt  }
0x60: {  	_ =	shalt  }
0x61: {  	_ =	shalt  }
0x62: {  	_ =	shalt  }
0x63: {  	_ =	shalt  }
0x64: {  	_ =	shalt  }
0x65: {  	_ =	shalt  }
0x66: {  	_ =	shalt  }
0x67: {  	_ =	shalt  }
0x68: {  	_ =	shalt  }
0x69: {  	_ =	shalt  }
0x6a: {  	_ =	shalt  }
0x6b: {  	_ =	shalt  }
0x6c: {  	_ =	shalt  }
0x6d: {  	_ =	shalt  }
0x6e: {  	_ =	shalt  }
0x6f: {  	_ =	shalt  }
0x70: {  	_ =	shalt  }
0x71: {  	_ =	shalt  }
0x72: {  	_ =	shalt  }
0x73: {  	_ =	shalt  }
0x74: {  	_ =	shalt  }
0x75: {  	_ =	shalt  }
0x76: {  	_ =	shalt  }
0x77: {  	_ =	shalt  }
0x78: {  	_ =	shalt  }
0x79: {  	_ =	shalt  }
0x7a: {  	_ =	shalt  }
0x7b: {  	_ =	shalt  }
0x7c: {  	_ =	shalt  }
0x7d: {  	_ =	shalt  }
0x7e: {  	_ =	shalt  }
0x7f: {  	_ =	shalt  }
0x80: {  	_ =	shalt  }
0x81: {  	_ =	shalt  }
0x82: {  	_ =	shalt  }
0x83: {  	_ =	shalt  }
0x84: {  	_ =	shalt  }
0x85: {  	_ =	shalt  }
0x86: {  	_ =	shalt  }
0x87: {  	_ =	shalt  }
.Lfunc_end0:
.L_simem_size_0:
called_computation_lowered:
.L_overlay_start_0:
0x88: {  	s2 =	sld [smem:$0x3FD9]  }
0x89: {  	s3 =	sld [smem:$0x3FFE];
	_ =	sdelay $0x1  }
0x8a: {  	s1 =	srdreg.scid  }
0x8b: {  	s0 =	sand.u32 $0x1, s1  }
0x8c: {  	s17 =	sshll.u32 s0, $0xA;
	s2 =	sadd.s32 s3, s2  }
0x8d: {  	s2 =	sadd.s32 s2, s17  }
0x8e: {  	[smem:$0x3FC0] =	sst s2  }
0x8f: {  	_ = 	snop  }
0x90: {  	s2 =	sld [smem:$0x3FD0];
	(tm) =	ssettm $0x1  }
0x91: {  	s18 =	sld [smem:$0x3FFB];
	_ =	sdelay $0x3  }
0x92: {  	_ =	strace s18  }
0x93: {  	s3 =	sld [smem:$0x3FFC];
	_ =	sdelay $0x3  }
0x94: {  	_ =	strace s3  }
0x95: {  	s3 =	sld [smem:$0x3FFD];
	_ =	sdelay $0x3  }
0x96: {  	_ =	strace s3  }
0x97: {  	_ =	strace $0x8FFFFFFF  }
0x98: {  	s19 =	sld [smem:$0x3FDB];
	_ =	sdelay $0x1  }
0x99: {  	s4 =	simm.s32 $_scs_section_size  }
0x9a: {  	s5 =	simm.s32 $_size__tile_overlayer_lowered;
	s6 =	simm.s32 $_tile_overlayer_lowered  }
0x9b: {  	s22 =	simm.s32 $0x1BFF;
	s21 =	sshll.u32 s6, $0x1;
	s3 =	sadd.s32 s4, s19  }
0x9c: {  	s7 =	simm.s32 $0x0;
	s20 =	sshll.u32 s5, $0x1;
	s5 =	sadd.s32 s21, s3  }
0x9d: {  	[timem:s7], [sflag:s22] =	dma.local [hbm:s5], s20  }
0x9e: {  	_ =	swait.ge [sflag:s22], s20  }
0x9f: {  	s4 =	ssub.s32 $0x0, s20;
	[sflag:s22] =	ssyncset.done $0x0  }
0xa0: {  	[sflag:s22] =	ssyncadd.s32 s4;
	_ =	sdelay $0x1  }
0xa1: {  	s23 =	simm.s32 $0x1B8B  }
0xa2: {  	_ =	swait.ge [sflag:s23], $0x1  }
0xa3: {  	[sflag:s23] =	ssyncset.done $0x0  }
0xa4: {  	s25 =	simm.s32 $0x1B8E;
	s24 =	sld [smem:$0x3FFE];
	[sflag:s23] =	ssyncadd.s32 $0xFFFFFFFF  }
0xa5: {  	s26 =	simm.s32 $execute0_lowered;
	[smem:$0x3FD2] =	sst s25  }
0xa6: {  	s5 =	sshll.u32 s26, $0x1;
	_ =	strace $0x80000046;
	[dreg:$0x1] =	wrdreg $0xFFFFFFFF  }
0xa7: {  	s28 =	simm.s32 $_size_execute0_lowered;
	s3 =	sadd.s32 s3, s5;
	[dreg:$0x0] =	wrdreg $0x0  }
0xa8: {  	s5 =	sshll.u32 s28, $0x1;
	[dreg:$0x2] =	wrdreg s3  }
0xa9: {  	[dreg:$0x3] =	wrdreg s5  }
0xaa: {  	[dreg:$0x4] =	wrdreg $0xC0  }
0xab: {  	_ =	task [dreg:s7], $0x5FFFF  }
0xac: {  	[dreg:$0x1] =	wrdreg $0xFFFFFFFF  }
0xad: {  	[dreg:$0x0] =	wrdreg $0x60  }
0xae: {  	[dreg:$0x2] =	wrdreg s2  }
0xaf: {  	[dreg:$0x3] =	wrdreg s24  }
0xb0: {  	[dreg:$0x4] =	wrdreg $0x68000  }
0xb1: {  	[dreg:$0x5] =	wrdreg $0x9  }
0xb2: {  	_ =	task.clear_ibuf [dreg:s7], $0x6FFFF;
	_ =	strace $0x90000046  }
0xb3: {  	s29 =	simm.s32 $0x9;
	_ =	strace $0x80000048  }
0xb4: {  	_ =	swait.ge [sflag:s29], $0x1  }
0xb5: {  	[sflag:s29] =	ssyncadd.s32 $0xFFFFFFFF  }
0xb6: {  	_ =	strace $0x90000048  }
0xb7: {  	_ =	sfence  }
0xb8: {  	s30 =	sld [smem:$0x0];
	_ =	sdelay $0x2  }
0xb9: {  	s31 =	sshll.u32 s1, $0xD;
	s1 =	sshrl.u32 s1, $0x2  }
0xba: {  	s3 =	sand.u32 $0x4000, s31;
	s1 =	sadd.s32 s1, s30  }
0xbb: {  	s0 =	sor.u32 s3, s0;
	s1 =	sshll.u32 s1, $0x11  }
0xbc: {  	s0 =	sor.u32 s1, s0  }
0xbd: {  	s0 =	sadd.s32 $0x8F2B, s0  }
0xbe: {  	[sflag:s0] =	ssyncadd.remote.s32 $0x1  }
0xbf: {  	_ =	sfence.sel $0xFFFF  }
0xc0: {  	[dreg:$0x0] =	wrdreg $0xFFFFFFFF;
	(pc) =	sbr.abs _section_cstart, $3  }
0xc1: {  	[dreg:$0x1] =	wrdreg $0xFFFFFFFF  }
0xc2: {  	_ =	task.clear_ibuf [dreg:s7], $0x2FFFF;
	_ =	strace $0x9FFFFFFF  }
0xc3: {  	(tm) =	ssettm $0x7FFFFFFF  }
tec
execute0_lowered:
.L_overlay_start_1:
0x0: {  	(tag) =	ssettag $0x1  }
0x1: {  	s5 =	rddreg [dreg:$0x0]  }
0x2: {  	s7 =	rddreg [dreg:$0x1]  }
0x3: {  	s2 =	rddreg [dreg:$0x2]  }
0x4: {  	s0 =	srdreg.scid;
	s1 =	rddreg [dreg:$0x3]  }
0x5: {  	s3 =	simm.s32 $0x0;
	s4 =	sand.u32 $0x1, s0;
	s0 =	stileid.u32  }
0x6: {  	[smem:$0x7FF] =	sst s3;
	s6 =	smul.u32 $0x138800, s4  }
0x7: {  	s8 =	smul.u32 $0x2800, s0;
	_ =	strace $0x80000047;
	s28 =	sshll.u32 s0, $0x1  }
0x8: {  	s29 =	ssub.s32 $0x2, s4;
	s30 =	smul.u32 $0xA000, s0;
	s10 =	ssub.s32 $0x8C, s0  }
0x9: {  	s12 =	sshll.u32 s0, $0x6;
	s4 =	sor.u32 s4, s28;
	s9 =	sshrl.u32 s29, $0x1  }
0xa: {  	s12 =	sor.u32 $0x1C01, s12;
	s6 =	sadd.s32 s8, s6;
	s11 =	smul.u32 $0x500, s4  }
0xb: {  	s4 =	sshrl.u32 s10, $0x4;
	s31 =	sshrl.u32 s30, $0x2;
	s6 =	sshrl.u32 s6, $0x3  }
0xc: {  	s10 =	simm.s32 $0x1;
	s26 =	sadd.s32 s6, s7;
	s7 =	ssub.s32 s29, s9  }
0xd: {  	s5 =	sadd.s32 s5, s11;
	s9 =	simm.s32 $0x2800;
	s11 =	simm.s32 $0x7D  }
0xe: {  	v0 =	vimm.f32 $0.0e+00;
	v1 =	vimm.f32 $1.000000000e+00;
	s6 =	smax.u32 s7, $0x1;
	s7 =	sadd.s32 s31, s2;
	s8 =	sadd.s32 $0x2800, s26  }
.LBB2_1:
0xf: {  	s13 =	simm.s32 $0x200;
	s14 =	simm.s32 $0x0  }
.LBB2_2:
0x10: {  	p0 =	sne.s32 s13, $0xF800;
	[tilespmem:s14+$0x2800] =	vst v0;
	s14 =	smov.u32 s13;
	s13 =	sadd.s32 $0x200, s13  }
.Ltmp0:
0x11: {  	(pc) =	sbr.rel @p0 .LBB2_2-.Ltmp0, $2  }
0x12: {  	_ =	sdelay $0x2  }
0x13: {  	s14 =	sshra.s32 s14, $0x2  }
0x14: {  	[tilespmem:s14+$0x2800] =	vst v0;
	s13 =	smov.u32 s7;
	s14 =	smov.u32 s4  }
.LBB2_4:
0x15: {  	p0 =	sne.s32 s14, $0x1  }
.Ltmp1:
0x16: {  	_ = 	snop;
	(pc) =	sbr.rel @p0 .LBB2_4-.Ltmp1, $4  }
0x17: {  	[spmem:s13] =	stream.linear.scatter [tilespmem:s9], [sflag:$0x1], $0x2800, $0x38;
	[tilespmem:$0x8F10] =	vst v63  }
0x18: {  	_ =	swait.ge [sflag:s10], $0x2800  }
0x19: {  	[sflag:s10] =	ssyncset.done $0x0  }
0x1a: {  	s13 =	sadd.s32 $0x28000, s13;
	s14 =	sadd.s32 $0xFFFFFFFF, s14;
	[sflag:s10] =	ssyncadd.s32 $0xFFFFD800  }
0x1b: {  	s13 =	simm.s32 $0x200;
	s14 =	simm.s32 $0x0  }
.LBB2_6:
0x1c: {  	p0 =	sne.s32 s13, $0xF800;
	[tilespmem:s14+$0x2800] =	vst v1;
	s14 =	smov.u32 s13;
	s13 =	sadd.s32 $0x200, s13  }
.Ltmp2:
0x1d: {  	(pc) =	sbr.rel @p0 .LBB2_6-.Ltmp2, $2  }
0x1e: {  	_ =	sdelay $0x2  }
0x1f: {  	s14 =	sshra.s32 s14, $0x2  }
0x20: {  	[tilespmem:s14+$0x2800] =	vst v1;
	s13 =	simm.s32 $0x0  }
0x21: {  	[tilespmem:s13], [sflag:$0x1] =	stream.linear.gather [hbm4b:s5+s13], $0x2800, $0x38;
	[tilespmem:$0x8F10] =	vst v63  }
0x22: {  	_ =	swait.ge [sflag:s10], $0x2800  }
0x23: {  	[sflag:s10] =	ssyncset.done $0x0  }
0x24: {  	[sflag:s10] =	ssyncadd.s32 $0xFFFFD800  }
0x25: {  	s31 =	simm.s32 $0x0;
	[bflag:$0x0] =	sbarrier.arrive $0xFFFF  }
0x26: {  	[spmem:s2] =	stream.indirect.scatter.add.f32 [tilespmem:s9], [sflag:$0x1], $0x10, s31, s11, $0xb8;
	[tilespmem:$0x8F10] =	vst v63  }
0x27: {  	_ =	swait.ge [sflag:s10], $0x7D0  }
0x28: {  	s13 =	simm.s32 $0x200;
	[sflag:s10] =	ssyncset.done $0x0  }
.LBB2_8:
0x29: {  	s14 =	sshra.s32 s13, $0x2;
	[sflag:s10] =	ssyncadd.s32 $0xFFFFF830;
	p0 =	sne.s32 s13, $0x9E00  }
0x2a: {  	[spmem:s2] =	stream.indirect.scatter.add.f32 [tilespmem:s9], [sflag:$0x1], $0x10, s14, s11, $0xb8;
	[tilespmem:$0x8F10] =	vst v63  }
.Ltmp3:
0x2b: {  	_ = 	snop;
	(pc) =	sbr.rel @p0 .LBB2_8-.Ltmp3, $4  }
0x2c: {  	_ = 	snop  }
0x2d: {  	s13 =	sadd.s32 $0x200, s13  }
0x2e: {  	_ =	swait.ge [sflag:s10], $0x7D0  }
0x2f: {  	[sflag:s10] =	ssyncset.done $0x0  }
0x30: {  	p0 =	sne.s32 s4, $0x1  }
.Ltmp4:
0x31: {  	[sflag:s10] =	ssyncadd.s32 $0xFFFFF830;
	(pc) =	sbr.rel @!p0 .LBB2_11-.Ltmp4, $4  }
0x32: {  	s13 =	sshrl.u32 s7, $0x3;
	[bflag:$0x0] =	sbarrier.arrive $0xFFFF  }
0x33: {  	[hbm:s8], [sflag:s12] =	dma.local [spmem:s13], $0x500  }
0x34: {  	s14 =	sadd.s32 $0x28000, s7;
	_ =	swait.ge [sflag:s10], $0x500  }
0x35: {  	s15 =	smov.u32 s8;
	s13 =	sadd.s32 $0xFFFFFFFF, s4;
	[sflag:s10] =	ssyncset.done $0x0  }
.LBB2_10:
0x36: {  	s16 =	sshrl.u32 s14, $0x3  }
0x37: {  	[sflag:s10] =	ssyncadd.s32 $0xFFFFFB00;
	s15 =	sadd.s32 $0x5000, s15;
	p0 =	sne.s32 s13, $0x1  }
0x38: {  	[hbm:s15], [sflag:s12] =	dma.local [spmem:s16], $0x500  }
.Ltmp5:
0x39: {  	_ = 	snop;
	(pc) =	sbr.rel @p0 .LBB2_10-.Ltmp5, $4  }
0x3a: {  	_ = 	snop  }
0x3b: {  	s13 =	sadd.s32 $0xFFFFFFFF, s13  }
0x3c: {  	_ =	swait.ge [sflag:s10], $0x500  }
0x3d: {  	s14 =	sadd.s32 $0x28000, s14;
	[sflag:s10] =	ssyncset.done $0x0  }
.LBB2_11:
0x3e: {  	s3 =	sadd.s32 $0x1, s3  }
0x3f: {  	p0 =	sne.s32 s3, s6  }
.Ltmp6:
0x40: {  	_ = 	snop;
	(pc) =	sbr.rel @p0 .LBB2_1-.Ltmp6, $2  }
0x41: {  	_ =	sdelay $0x2  }
0x42: {  	[sflag:s10] =	ssyncadd.s32 $0xFFFFFB00  }
0x43: {  	_ =	sfence.sel $0x180000  }
0x44: {  	[bflag:$0x0] =	sbarrier.arrive $0xFFFF  }
0x45: {  	p0 =	sne.s32 s0, $0x0;
	_ =	strace $0x90000047  }
0x46: {  	s0 =	sadd.s32 @!p0 $0x100000, s1;
	[bflag:$0x2] =	sbarrier.arrive $0xFFFF  }
0x47: {  	[sflag:s0] =	ssyncadd.tile.s32 @!p0 $0x1;
	_ =	shalt  }
.Lfunc_end2:
_tile_overlayer_lowered:
.L_overlay_start_2:
0x48: {  	(tag) =	ssettag $0x2  }
0x49: {  	s0 =	rddreg [dreg:$0x0];
	s2 =	stileid.u32  }
0x4a: {  	s1 =	rddreg [dreg:$0x1];
	p0 =	sne.s32 s2, $0x0  }
0x4b: {  	s3 =	rddreg [dreg:$0x2];
	[bflag:$0x3] =	sbarrier.arrive $0xFFFF;
	s2 =	simm.s32 @!p0 $0x1C01  }
0x4c: {  	[timem:s3], [sflag:s2] =	dma.local @!p0 [hbm:s0], s1  }
0x4d: {  	s0 =	simm.s32 @!p0 $0x1  }
0x4e: {  	_ =	swait.ge @!p0 [sflag:s0], s1  }
0x4f: {  	s1 =	ssub.s32 @!p0 $0x0, s1;
	[sflag:s0] =	ssyncset.done @!p0 $0x0  }
0x50: {  	[sflag:s0] =	ssyncadd.s32 @!p0 s1  }
0x51: {  	[bflag:$0x3] =	sbarrier.arrive $0xFFFF  }
0x52: {  	_ =	shalt  }

// kernel: kernel.13.cloned.1.call-start
scs
__scs_entry_jumppad:
0x0: {  	(pc) =	sbr.rel $0x88, $3  }
0x1: {  	(tag) =	ssettag $0x0;
	lr =	simm.s32 $0x1  }
0x2: {  	[smem:$0x3F99] =	sst lr;
	_ =	strace $0xD0000000  }
0x3: {  	_ = 	snop  }
0x4: {  	_ = 	snop  }
0x5: {  	_ = 	snop  }
0x6: {  	_ = 	snop  }
0x7: {  	_ = 	snop  }
__scs_overlays_trampoline_lowered:
0x8: {  	[smem:$0x3FA8] =	sst s0  }
0x9: {  	[smem:$0x3FA9] =	sst s1  }
0xa: {  	[smem:$0x3FAA] =	sst s2  }
0xb: {  	[smem:$0x3FAB] =	sst s3  }
0xc: {  	[smem:$0x3FAC] =	sst s4  }
0xd: {  	[smem:$0x3FAD] =	sst s5  }
0xe: {  	[smem:$0x3FAE] =	sst s6  }
0xf: {  	[smem:$0x3FAF] =	sst s7  }
0x10: {  	[smem:$0x3FB0] =	sst s8  }
0x11: {  	[smem:$0x3FB1] =	sst s9;
	s0 =	simm.s32 @!p0 $0x0  }
0x12: {  	s1 =	sld [smem:$0x3F97];
	s0 =	simm.s32 @p0 $0x1  }
0x13: {  	[smem:$0x3FB2] =	sst s0;
	s0 =	simm.s32 @!p1 $0x0  }
0x14: {  	s2 =	sld [smem:$0x3F96];
	s0 =	simm.s32 @p1 $0x1  }
0x15: {  	[smem:$0x3FB3] =	sst s0;
	s0 =	simm.s32 @!p2 $0x0  }
0x16: {  	s3 =	sld [smem:$0x3FDB];
	s0 =	simm.s32 @p2 $0x1  }
0x17: {  	s4 =	simm.s32 $0x1BF5;
	[smem:$0x3FB5] =	sst s0  }
0x18: {  	s0 =	sld [smem:$0x3F98];
	_ =	swait.ge [sflag:s4], $0x0  }
0x19: {  	s7 =	sld [smem:$0x3F99]  }
0x1a: {  	s8 =	sadd.s32 $0xFFFFE003, lr  }
0x1b: {  	s9 =	sadd.s32 $0xFFFFFEF7, lr;
	s5 =	simm.s32 $0xFFFFFFFF;
	p2 =	slt.u32 s8, $0xFFFFF086  }
0x1c: {  	p1 =	slt.u32 s9, $0xF7A;
	s5 =	simm.s32 @!p2 $0x0  }
0x1d: {  	s5 =	simm.s32 @p1 $0x1;
	p0 =	seq.s32 s7, s2  }
0x1e: {  	s7 =	smul.u32 @!p0 $0xF7A, s2;
	p2 =	seq.s32 @!p0 s5, $0x0  }
0x1f: {  	s9 =	smul.u32 $0xF7A, s1;
	s8 =	simm.s32 @!p0 $0x1BF5;
	p2 =	por !p2, p0  }
0x20: {  	[sflag:s8] =	ssyncset.s32 @!p0 $0xFFFFF086;
	s6 =	sadd.s32 @!p0 s3, s7;
	s7 =	simm.s32 @!p0 $0x108  }
0x21: {  	s3 =	sadd.s32 s3, s9;
	s6 =	sadd.s32 @!p0 $0x88, s6;
	s7 =	simm.s32 @p2 $0x1082  }
0x22: {  	[simem:s7], [sflag:s8] =	dma.local @!p0 [hbm:s6], $0xF7A  }
0x23: {  	s9 =	sor.u32 $0xD0000000, s2;
	s6 =	simm.s32 $0x108;
	_ =	swait.ge @!p0 [sflag:s8], $0x0  }
0x24: {  	s3 =	sadd.s32 $0x88, s3;
	s6 =	simm.s32 @!p1 $0x1082;
	[sflag:s4] =	ssyncset.s32 $0xFFFFF086  }
0x25: {  	[simem:s6], [sflag:s4] =	dma.local [hbm:s3], $0xF7A  }
0x26: {  	[smem:$0x3F99] =	sst s1;
	(tag) =	ssettag s2;
	_ =	strace s9  }
0x27: {  	s1 =	sld [smem:$0x3FA9]  }
0x28: {  	s2 =	sld [smem:$0x3FAA]  }
0x29: {  	s4 =	sld [smem:$0x3FAC]  }
0x2a: {  	p0 =	seq.s32 s5, $0x0;
	s5 =	sld [smem:$0x3FAD]  }
0x2b: {  	s6 =	sld [smem:$0x3FAE]  }
0x2c: {  	s7 =	sld [smem:$0x3FAF]  }
0x2d: {  	s3 =	simm.s32 $0x108;
	s8 =	sld [smem:$0x3FB0]  }
0x2e: {  	s3 =	simm.s32 @!p0 $0x1082;
	s9 =	sld [smem:$0x3FB1]  }
0x2f: {  	lr =	sadd.s32 s0, s3;
	s0 =	sld [smem:$0x3FA8]  }
0x30: {  	s3 =	sld [smem:$0x3FAB]  }
0x31: {  	[smem:$0x3FB4] =	sst s10  }
0x32: {  	s10 =	sld [smem:$0x3FB2];
	_ =	sdelay $0x3  }
0x33: {  	p0 =	seq.s32 s10, $0x1;
	s10 =	sld [smem:$0x3FB4];
	_ =	sdelay $0x3  }
0x34: {  	[smem:$0x3FB4] =	sst s10  }
0x35: {  	s10 =	sld [smem:$0x3FB3];
	_ =	sdelay $0x3  }
0x36: {  	p1 =	seq.s32 s10, $0x1;
	s10 =	sld [smem:$0x3FB4];
	_ =	sdelay $0x3  }
0x37: {  	[smem:$0x3FB4] =	sst s10  }
0x38: {  	s10 =	sld [smem:$0x3FB5]  }
0x39: {  	_ = 	snop;
	(pc) =	sbr.ind lr, $3  }
0x3a: {  	_ = 	snop  }
0x3b: {  	_ = 	snop  }
0x3c: {  	p2 =	seq.s32 s10, $0x1;
	s10 =	sld [smem:$0x3FB4]  }
0x3d: {  	_ =	shalt  }
0x3e: {  	_ =	shalt  }
0x3f: {  	_ =	shalt  }
0x40: {  	_ =	shalt  }
0x41: {  	_ =	shalt  }
0x42: {  	_ =	shalt  }
0x43: {  	_ =	shalt  }
0x44: {  	_ =	shalt  }
0x45: {  	_ =	shalt  }
0x46: {  	_ =	shalt  }
0x47: {  	_ =	shalt  }
0x48: {  	_ =	shalt  }
0x49: {  	_ =	shalt  }
0x4a: {  	_ =	shalt  }
0x4b: {  	_ =	shalt  }
0x4c: {  	_ =	shalt  }
0x4d: {  	_ =	shalt  }
0x4e: {  	_ =	shalt  }
0x4f: {  	_ =	shalt  }
0x50: {  	_ =	shalt  }
0x51: {  	_ =	shalt  }
0x52: {  	_ =	shalt  }
0x53: {  	_ =	shalt  }
0x54: {  	_ =	shalt  }
0x55: {  	_ =	shalt  }
0x56: {  	_ =	shalt  }
0x57: {  	_ =	shalt  }
0x58: {  	_ =	shalt  }
0x59: {  	_ =	shalt  }
0x5a: {  	_ =	shalt  }
0x5b: {  	_ =	shalt  }
0x5c: {  	_ =	shalt  }
0x5d: {  	_ =	shalt  }
0x5e: {  	_ =	shalt  }
0x5f: {  	_ =	shalt  }
0x60: {  	_ =	shalt  }
0x61: {  	_ =	shalt  }
0x62: {  	_ =	shalt  }
0x63: {  	_ =	shalt  }
0x64: {  	_ =	shalt  }
0x65: {  	_ =	shalt  }
0x66: {  	_ =	shalt  }
0x67: {  	_ =	shalt  }
0x68: {  	_ =	shalt  }
0x69: {  	_ =	shalt  }
0x6a: {  	_ =	shalt  }
0x6b: {  	_ =	shalt  }
0x6c: {  	_ =	shalt  }
0x6d: {  	_ =	shalt  }
0x6e: {  	_ =	shalt  }
0x6f: {  	_ =	shalt  }
0x70: {  	_ =	shalt  }
0x71: {  	_ =	shalt  }
0x72: {  	_ =	shalt  }
0x73: {  	_ =	shalt  }
0x74: {  	_ =	shalt  }
0x75: {  	_ =	shalt  }
0x76: {  	_ =	shalt  }
0x77: {  	_ =	shalt  }
0x78: {  	_ =	shalt  }
0x79: {  	_ =	shalt  }
0x7a: {  	_ =	shalt  }
0x7b: {  	_ =	shalt  }
0x7c: {  	_ =	shalt  }
0x7d: {  	_ =	shalt  }
0x7e: {  	_ =	shalt  }
0x7f: {  	_ =	shalt  }
0x80: {  	_ =	shalt  }
0x81: {  	_ =	shalt  }
0x82: {  	_ =	shalt  }
0x83: {  	_ =	shalt  }
0x84: {  	_ =	shalt  }
0x85: {  	_ =	shalt  }
0x86: {  	_ =	shalt  }
0x87: {  	_ =	shalt  }
.Lfunc_end0:
.L_simem_size_0:
called_computation.1_lowered:
.L_overlay_start_0:
0x88: {  	s2 =	sld [smem:$0x3FD9]  }
0x89: {  	s3 =	sld [smem:$0x3FFE];
	_ =	sdelay $0x1  }
0x8a: {  	s1 =	srdreg.scid  }
0x8b: {  	s0 =	sand.u32 $0x1, s1  }
0x8c: {  	s16 =	sshll.u32 s0, $0xA;
	s2 =	sadd.s32 s3, s2  }
0x8d: {  	s2 =	sadd.s32 s2, s16  }
0x8e: {  	[smem:$0x3FC0] =	sst s2  }
0x8f: {  	_ = 	snop  }
0x90: {  	(tm) =	ssettm $0x1  }
0x91: {  	s17 =	sld [smem:$0x3FFB];
	_ =	sdelay $0x3  }
0x92: {  	_ =	strace s17  }
0x93: {  	s2 =	sld [smem:$0x3FFC];
	_ =	sdelay $0x3  }
0x94: {  	_ =	strace s2  }
0x95: {  	s2 =	sld [smem:$0x3FFD];
	_ =	sdelay $0x3  }
0x96: {  	_ =	strace s2  }
0x97: {  	_ =	strace $0x8FFFFFFF  }
0x98: {  	s18 =	sld [smem:$0x3FDB];
	_ =	sdelay $0x1  }
0x99: {  	s19 =	simm.s32 $_scs_section_size  }
0x9a: {  	s4 =	simm.s32 $_size__tile_overlayer_lowered;
	s5 =	simm.s32 $_tile_overlayer_lowered  }
0x9b: {  	s22 =	simm.s32 $0x1BFF;
	s21 =	sshll.u32 s5, $0x1;
	s2 =	sadd.s32 s19, s18  }
0x9c: {  	s6 =	simm.s32 $0x0;
	s20 =	sshll.u32 s4, $0x1;
	s4 =	sadd.s32 s21, s2  }
0x9d: {  	[timem:s6], [sflag:s22] =	dma.local [hbm:s4], s20  }
0x9e: {  	_ =	swait.ge [sflag:s22], s20  }
0x9f: {  	s3 =	ssub.s32 $0x0, s20;
	[sflag:s22] =	ssyncset.done $0x0  }
0xa0: {  	[sflag:s22] =	ssyncadd.s32 s3;
	_ =	sdelay $0x1  }
0xa1: {  	s23 =	simm.s32 $0x1B8B  }
0xa2: {  	_ =	swait.ge [sflag:s23], $0x1  }
0xa3: {  	[sflag:s23] =	ssyncset.done $0x0  }
0xa4: {  	s25 =	simm.s32 $0x1B8E;
	s24 =	sld [smem:$0x3FFE];
	[sflag:s23] =	ssyncadd.s32 $0xFFFFFFFF  }
0xa5: {  	s26 =	simm.s32 $execute0_lowered;
	[smem:$0x3FD2] =	sst s25  }
0xa6: {  	s4 =	sshll.u32 s26, $0x1;
	_ =	strace $0x80000049;
	[dreg:$0x1] =	wrdreg $0xFFFFFFFF  }
0xa7: {  	s28 =	simm.s32 $_size_execute0_lowered;
	s2 =	sadd.s32 s2, s4;
	[dreg:$0x0] =	wrdreg $0x0  }
0xa8: {  	s4 =	sshll.u32 s28, $0x1;
	[dreg:$0x2] =	wrdreg s2  }
0xa9: {  	[dreg:$0x3] =	wrdreg s4  }
0xaa: {  	[dreg:$0x4] =	wrdreg $0xC0  }
0xab: {  	_ =	task [dreg:s6], $0x5FFFF  }
0xac: {  	[dreg:$0x1] =	wrdreg $0xFFFFFFFF  }
0xad: {  	[dreg:$0x0] =	wrdreg $0x60  }
0xae: {  	[dreg:$0x2] =	wrdreg s24  }
0xaf: {  	[dreg:$0x3] =	wrdreg $0x90000  }
0xb0: {  	[dreg:$0x4] =	wrdreg $0x9  }
0xb1: {  	_ =	task.clear_ibuf [dreg:s6], $0x5FFFF;
	_ =	strace $0x90000049  }
0xb2: {  	s29 =	simm.s32 $0x9;
	_ =	strace $0x8000004B  }
0xb3: {  	_ =	swait.ge [sflag:s29], $0x1  }
0xb4: {  	[sflag:s29] =	ssyncadd.s32 $0xFFFFFFFF  }
0xb5: {  	_ =	strace $0x9000004B  }
0xb6: {  	_ =	sfence  }
0xb7: {  	s30 =	sld [smem:$0x0];
	_ =	sdelay $0x2  }
0xb8: {  	s31 =	sshll.u32 s1, $0xD;
	s1 =	sshrl.u32 s1, $0x2  }
0xb9: {  	s3 =	sand.u32 $0x4000, s31;
	s1 =	sadd.s32 s1, s30  }
0xba: {  	s0 =	sor.u32 s3, s0;
	s1 =	sshll.u32 s1, $0x11  }
0xbb: {  	s0 =	sor.u32 s1, s0  }
0xbc: {  	s0 =	sadd.s32 $0x8F2B, s0  }
0xbd: {  	[sflag:s0] =	ssyncadd.remote.s32 $0x1  }
0xbe: {  	_ =	sfence.sel $0xFFFF  }
0xbf: {  	[dreg:$0x0] =	wrdreg $0xFFFFFFFF;
	(pc) =	sbr.abs _section_cstart, $3  }
0xc0: {  	[dreg:$0x1] =	wrdreg $0xFFFFFFFF  }
0xc1: {  	_ =	task.clear_ibuf [dreg:s6], $0x2FFFF;
	_ =	strace $0x9FFFFFFF  }
0xc2: {  	(tm) =	ssettm $0x7FFFFFFF  }
0xc3: {  	_ =	shalt  }
tec
execute0_lowered:
.L_overlay_start_1:
0x0: {  	(tag) =	ssettag $0x1  }
0x1: {  	s0 =	srdreg.scid  }
0x2: {  	s15 =	stileid.u32;
	s5 =	rddreg [dreg:$0x0]  }
0x3: {  	s2 =	rddreg [dreg:$0x1];
	s3 =	simm.s32 $0x0;
	s21 =	simm.s32 $0x3  }
0x4: {  	s23 =	simm.s32 $0x5000;
	s24 =	simm.s32 $0x40;
	s25 =	simm.s32 $0x7000  }
0x5: {  	s26 =	simm.s32 $0x1;
	s28 =	simm.s32 $0x2;
	s0 =	sand.u32 $0x1, s0  }
0x6: {  	s1 =	sshll.u32 s15, $0x1;
	[smem:$0x7FF] =	sst s3;
	s6 =	smul.u32 $0x6400, s15  }
0x7: {  	s29 =	sshll.u32 s15, $0xD;
	s8 =	ssub.s32 $0x41, s15;
	s31 =	smul.u32 $0x19000, s15  }
0x8: {  	s1 =	sor.u32 s0, s1;
	s4 =	smul.u32 $0x138800, s0;
	_ =	strace $0x8000004A  }
0x9: {  	s0 =	ssub.s32 $0x2, s0;
	s8 =	sshrl.u32 s8, $0x4;
	s1 =	smul.u32 $0x500, s1  }
0xa: {  	s7 =	sshrl.u32 s0, $0x1;
	s6 =	sadd.s32 s6, s4;
	s4 =	sadd.s32 $0x2800, s5  }
0xb: {  	s0 =	ssub.s32 s0, s7;
	s7 =	sadd.s32 s29, s2;
	s1 =	sadd.s32 s1, s5  }
0xc: {  	s6 =	sshrl.u32 s6, $0x3;
	s9 =	smax.u32 s0, $0x1;
	s10 =	sadd.s32 $0x20000, s7  }
0xd: {  	s11 =	sadd.s32 $0x40000, s7;
	s12 =	sadd.s32 $0x60000, s7;
	s13 =	sadd.s32 $0x80000, s7  }
0xe: {  	s14 =	sadd.s32 $0xA0000, s7;
	s15 =	sadd.s32 $0xC0000, s7;
	s16 =	sadd.s32 $0xE0000, s7  }
0xf: {  	s17 =	sadd.s32 $0x100000, s7;
	s18 =	sadd.s32 $0x120000, s7;
	s0 =	sshrl.u32 s31, $0x2  }
0x10: {  	s19 =	sadd.s32 s6, s5;
	s5 =	sadd.s32 $0x50A00, s1;
	s6 =	sadd.s32 $0x5AA00, s1  }
0x11: {  	v0 =	vimm.f32 $0.0e+00;
	s30 =	sadd.s32 s0, s2;
	s1 =	simm.s32 $0x0;
	s19 =	sadd.s32 $0x64A00, s19  }
.LBB2_1:
0x12: {  	[tilespmem:s3], [sflag:$0x3] =	stream.linear.gather [hbm4b:s5+s3], $0x2800, $0x38;
	[tilespmem:$0x1D000] =	vst v63  }
0x13: {  	_ =	swait.ge [sflag:s21], $0x2800  }
0x14: {  	[sflag:s21] =	ssyncset.done $0x0  }
0x15: {  	s0 =	simm.s32 $0x2800;
	[sflag:s21] =	ssyncadd.s32 $0xFFFFD800  }
0x16: {  	[tilespmem:s0], [sflag:$0x3] =	stream.linear.gather [hbm4b:s6+s3], $0x2800, $0x38;
	[tilespmem:$0x1D000] =	vst v63  }
0x17: {  	_ =	swait.ge [sflag:s21], $0x2800  }
0x18: {  	[sflag:s21] =	ssyncset.done $0x0  }
0x19: {  	s22 =	simm.s32 $0x0;
	s0 =	simm.s32 $0x200;
	[sflag:s21] =	ssyncadd.s32 $0xFFFFD800  }
.LBB2_2:
0x1a: {  	p0 =	sne.s32 s0, $0x7E00;
	[tilespmem:s22+$0x5070] =	vst v0  }
0x1b: {  	[tilespmem:s22+$0x5000] =	vst v0  }
0x1c: {  	[tilespmem:s22+$0x5010] =	vst v0  }
.Ltmp0:
0x1d: {  	[tilespmem:s22+$0x5020] =	vst v0;
	(pc) =	sbr.rel @p0 .LBB2_2-.Ltmp0, $4  }
0x1e: {  	[tilespmem:s22+$0x5030] =	vst v0  }
0x1f: {  	[tilespmem:s22+$0x5040] =	vst v0  }
0x20: {  	[tilespmem:s22+$0x5050] =	vst v0  }
0x21: {  	[tilespmem:s22+$0x5060] =	vst v0;
	s22 =	sshra.s32 s0, $0x2;
	s0 =	sadd.s32 $0x200, s0  }
0x22: {  	[tilespmem:s22+$0x5070] =	vst v0  }
0x23: {  	[tilespmem:s22+$0x5000] =	vst v0  }
0x24: {  	[tilespmem:s22+$0x5010] =	vst v0  }
0x25: {  	[tilespmem:s22+$0x5020] =	vst v0  }
0x26: {  	[tilespmem:s22+$0x5030] =	vst v0  }
0x27: {  	[tilespmem:s22+$0x5040] =	vst v0  }
0x28: {  	[tilespmem:s22+$0x5050] =	vst v0  }
0x29: {  	[tilespmem:s22+$0x5060] =	vst v0  }
0x2a: {  	[spmem:s7] =	stream.linear.scatter [tilespmem:s23], [sflag:$0x3], $0x2000, $0x38;
	[tilespmem:$0x1D000] =	vst v63  }
0x2b: {  	_ =	swait.ge [sflag:s21], $0x2000  }
0x2c: {  	[sflag:s21] =	ssyncset.done $0x0  }
0x2d: {  	[sflag:s21] =	ssyncadd.s32 $0xFFFFE000  }
0x2e: {  	[spmem:s10] =	stream.linear.scatter [tilespmem:s23], [sflag:$0x3], $0x2000, $0x38;
	[tilespmem:$0x1D000] =	vst v63  }
0x2f: {  	_ =	swait.ge [sflag:s21], $0x2000  }
0x30: {  	[sflag:s21] =	ssyncset.done $0x0  }
0x31: {  	[sflag:s21] =	ssyncadd.s32 $0xFFFFE000  }
0x32: {  	[spmem:s11] =	stream.linear.scatter [tilespmem:s23], [sflag:$0x3], $0x2000, $0x38;
	[tilespmem:$0x1D000] =	vst v63  }
0x33: {  	_ =	swait.ge [sflag:s21], $0x2000  }
0x34: {  	[sflag:s21] =	ssyncset.done $0x0  }
0x35: {  	[sflag:s21] =	ssyncadd.s32 $0xFFFFE000  }
0x36: {  	[spmem:s12] =	stream.linear.scatter [tilespmem:s23], [sflag:$0x3], $0x2000, $0x38;
	[tilespmem:$0x1D000] =	vst v63  }
0x37: {  	_ =	swait.ge [sflag:s21], $0x2000  }
0x38: {  	[sflag:s21] =	ssyncset.done $0x0  }
0x39: {  	[sflag:s21] =	ssyncadd.s32 $0xFFFFE000  }
0x3a: {  	[spmem:s13] =	stream.linear.scatter [tilespmem:s23], [sflag:$0x3], $0x2000, $0x38;
	[tilespmem:$0x1D000] =	vst v63  }
0x3b: {  	_ =	swait.ge [sflag:s21], $0x2000  }
0x3c: {  	[sflag:s21] =	ssyncset.done $0x0  }
0x3d: {  	[sflag:s21] =	ssyncadd.s32 $0xFFFFE000  }
0x3e: {  	[spmem:s14] =	stream.linear.scatter [tilespmem:s23], [sflag:$0x3], $0x2000, $0x38;
	[tilespmem:$0x1D000] =	vst v63  }
0x3f: {  	_ =	swait.ge [sflag:s21], $0x2000  }
0x40: {  	[sflag:s21] =	ssyncset.done $0x0  }
0x41: {  	[sflag:s21] =	ssyncadd.s32 $0xFFFFE000  }
0x42: {  	[spmem:s15] =	stream.linear.scatter [tilespmem:s23], [sflag:$0x3], $0x2000, $0x38;
	[tilespmem:$0x1D000] =	vst v63  }
0x43: {  	_ =	swait.ge [sflag:s21], $0x2000  }
0x44: {  	[sflag:s21] =	ssyncset.done $0x0  }
0x45: {  	[sflag:s21] =	ssyncadd.s32 $0xFFFFE000  }
0x46: {  	[spmem:s16] =	stream.linear.scatter [tilespmem:s23], [sflag:$0x3], $0x2000, $0x38;
	[tilespmem:$0x1D000] =	vst v63  }
0x47: {  	_ =	swait.ge [sflag:s21], $0x2000  }
0x48: {  	[sflag:s21] =	ssyncset.done $0x0  }
0x49: {  	[sflag:s21] =	ssyncadd.s32 $0xFFFFE000  }
0x4a: {  	[spmem:s17] =	stream.linear.scatter [tilespmem:s23], [sflag:$0x3], $0x2000, $0x38;
	[tilespmem:$0x1D000] =	vst v63  }
0x4b: {  	_ =	swait.ge [sflag:s21], $0x2000  }
0x4c: {  	[sflag:s21] =	ssyncset.done $0x0  }
0x4d: {  	[sflag:s21] =	ssyncadd.s32 $0xFFFFE000  }
0x4e: {  	[spmem:s18] =	stream.linear.scatter [tilespmem:s23], [sflag:$0x3], $0x2000, $0x38;
	[tilespmem:$0x1D000] =	vst v63  }
0x4f: {  	_ =	swait.ge [sflag:s21], $0x2000  }
0x50: {  	[sflag:s21] =	ssyncset.done $0x0  }
0x51: {  	[sflag:s21] =	ssyncadd.s32 $0xFFFFE000  }
0x52: {  	s0 =	simm.s32 $0x0;
	[bflag:$0x0] =	sbarrier.arrive $0xFFFF  }
0x53: {  	[tilespmem:s23], [sflag:$0x1] =	stream.indirect.gather [hbm4b:s4+s24], $0x80, s0, s24, $0xb8;
	[tilespmem:$0x1D000] =	vst v63  }
0x54: {  	s20 =	simm.s32 $0x40  }
0x55: {  	[tilespmem:s25], [sflag:$0x2] =	stream.indirect.gather [hbm4b:s4+s24], $0x80, s20, s24, $0xb8;
	[tilespmem:$0x1D000] =	vst v63  }
0x56: {  	_ =	swait.ge [sflag:s26], $0x2000  }
0x57: {  	[sflag:s26] =	ssyncset.done $0x0  }
0x58: {  	s22 =	simm.s32 $0x2800;
	[sflag:s26] =	ssyncadd.s32 $0xFFFFE000  }
0x59: {  	[spmem:s2] =	stream.indirect.scatter.add.f32 [tilespmem:s23], [sflag:$0x3], $0x80, s22, s24, $0xb8;
	[tilespmem:$0x1D000] =	vst v63  }
0x5a: {  	_ =	swait.ge [sflag:s21], $0x2000  }
0x5b: {  	[sflag:s21] =	ssyncset.done $0x0  }
0x5c: {  	s29 =	simm.s32 $0x80;
	[sflag:s21] =	ssyncadd.s32 $0xFFFFE000  }
0x5d: {  	[tilespmem:s23], [sflag:$0x1] =	stream.indirect.gather [hbm4b:s4+s24], $0x80, s29, s24, $0xb8;
	[tilespmem:$0x1D000] =	vst v63  }
0x5e: {  	_ =	swait.ge [sflag:s28], $0x2000  }
0x5f: {  	[sflag:s28] =	ssyncset.done $0x0  }
0x60: {  	s31 =	simm.s32 $0x2840;
	[sflag:s28] =	ssyncadd.s32 $0xFFFFE000  }
0x61: {  	[spmem:s2] =	stream.indirect.scatter.add.f32 [tilespmem:s25], [sflag:$0x3], $0x80, s31, s24, $0xb8;
	[tilespmem:$0x1D000] =	vst v63  }
0x62: {  	_ =	swait.ge [sflag:s21], $0x2000  }
0x63: {  	s0 =	simm.s32 $0x400;
	s22 =	simm.s32 $0x80;
	[sflag:s21] =	ssyncset.done $0x0  }
.LBB2_4:
0x64: {  	s20 =	sadd.s32 $0x40, s22  }
0x65: {  	[sflag:s21] =	ssyncadd.s32 $0xFFFFE000;
	s29 =	smov.u32 s0;
	s31 =	sadd.s32 $0x200, s0  }
0x66: {  	[tilespmem:s25], [sflag:$0x2] =	stream.indirect.gather [hbm4b:s4+s24], $0x80, s20, s24, $0xb8;
	[tilespmem:$0x1D000] =	vst v63  }
0x67: {  	p0 =	sne.s32 s0, $0x9C00;
	_ =	swait.ge [sflag:s26], $0x2000  }
0x68: {  	[sflag:s26] =	ssyncset.done $0x0  }
0x69: {  	s0 =	sadd.s32 $0x2800, s22;
	[sflag:s26] =	ssyncadd.s32 $0xFFFFE000  }
0x6a: {  	[spmem:s2] =	stream.indirect.scatter.add.f32 [tilespmem:s23], [sflag:$0x3], $0x80, s0, s24, $0xb8;
	[tilespmem:$0x1D000] =	vst v63  }
0x6b: {  	_ =	swait.ge [sflag:s21], $0x2000  }
0x6c: {  	[sflag:s21] =	ssyncset.done $0x0  }
0x6d: {  	s0 =	sadd.s32 $0x80, s22;
	[sflag:s21] =	ssyncadd.s32 $0xFFFFE000  }
0x6e: {  	[tilespmem:s23], [sflag:$0x1] =	stream.indirect.gather [hbm4b:s4+s24], $0x80, s0, s24, $0xb8;
	[tilespmem:$0x1D000] =	vst v63  }
0x6f: {  	_ =	swait.ge [sflag:s28], $0x2000  }
.Ltmp1:
0x70: {  	[sflag:s28] =	ssyncset.done $0x0;
	(pc) =	sbr.rel @p0 .LBB2_4-.Ltmp1, $4  }
0x71: {  	s0 =	sadd.s32 $0x2840, s22;
	[sflag:s28] =	ssyncadd.s32 $0xFFFFE000  }
0x72: {  	[spmem:s2] =	stream.indirect.scatter.add.f32 [tilespmem:s25], [sflag:$0x3], $0x80, s0, s24, $0xb8;
	[tilespmem:$0x1D000] =	vst v63  }
0x73: {  	_ =	swait.ge [sflag:s21], $0x2000  }
0x74: {  	s22 =	sshra.s32 s29, $0x2;
	s0 =	smov.u32 s31;
	[sflag:s21] =	ssyncset.done $0x0  }
0x75: {  	s0 =	sadd.s32 $0x40, s22;
	[sflag:s21] =	ssyncadd.s32 $0xFFFFE000  }
0x76: {  	[tilespmem:s25], [sflag:$0x2] =	stream.indirect.gather [hbm4b:s4+s24], $0x80, s0, s24, $0xb8;
	[tilespmem:$0x1D000] =	vst v63  }
0x77: {  	_ =	swait.ge [sflag:s26], $0x2000  }
0x78: {  	[sflag:s26] =	ssyncset.done $0x0  }
0x79: {  	s20 =	sadd.s32 $0x2800, s22;
	[sflag:s26] =	ssyncadd.s32 $0xFFFFE000  }
0x7a: {  	[spmem:s2] =	stream.indirect.scatter.add.f32 [tilespmem:s23], [sflag:$0x3], $0x80, s20, s24, $0xb8;
	[tilespmem:$0x1D000] =	vst v63  }
0x7b: {  	_ =	swait.ge [sflag:s21], $0x2000  }
0x7c: {  	[sflag:s21] =	ssyncset.done $0x0  }
0x7d: {  	s31 =	sadd.s32 $0x80, s22;
	[sflag:s21] =	ssyncadd.s32 $0xFFFFE000  }
0x7e: {  	[tilespmem:s23], [sflag:$0x1] =	stream.indirect.gather [hbm4b:s4+s24], $0x80, s31, s24, $0xb8;
	[tilespmem:$0x1D000] =	vst v63  }
0x7f: {  	_ =	swait.ge [sflag:s28], $0x2000  }
0x80: {  	[sflag:s28] =	ssyncset.done $0x0  }
0x81: {  	s20 =	sadd.s32 $0x2840, s22;
	[sflag:s28] =	ssyncadd.s32 $0xFFFFE000  }
0x82: {  	[spmem:s2] =	stream.indirect.scatter.add.f32 [tilespmem:s25], [sflag:$0x3], $0x80, s20, s24, $0xb8;
	[tilespmem:$0x1D000] =	vst v63  }
0x83: {  	_ =	swait.ge [sflag:s21], $0x2000  }
0x84: {  	[sflag:s21] =	ssyncset.done $0x0  }
0x85: {  	s22 =	simm.s32 $0x27C0;
	[sflag:s21] =	ssyncadd.s32 $0xFFFFE000  }
0x86: {  	[tilespmem:s25], [sflag:$0x2] =	stream.indirect.gather [hbm4b:s4+s24], $0x80, s22, s24, $0xb8;
	[tilespmem:$0x1D000] =	vst v63  }
0x87: {  	_ =	swait.ge [sflag:s26], $0x2000  }
0x88: {  	[sflag:s26] =	ssyncset.done $0x0  }
0x89: {  	s31 =	simm.s32 $0x4F80;
	[sflag:s26] =	ssyncadd.s32 $0xFFFFE000  }
0x8a: {  	[spmem:s2] =	stream.indirect.scatter.add.f32 [tilespmem:s23], [sflag:$0x3], $0x80, s31, s24, $0xb8;
	[tilespmem:$0x1D000] =	vst v63  }
0x8b: {  	_ =	swait.ge [sflag:s21], $0x2000  }
0x8c: {  	[sflag:s21] =	ssyncset.done $0x0  }
0x8d: {  	[sflag:s21] =	ssyncadd.s32 $0xFFFFE000  }
0x8e: {  	_ =	swait.ge [sflag:s28], $0x2000  }
0x8f: {  	[sflag:s28] =	ssyncset.done $0x0  }
0x90: {  	s20 =	simm.s32 $0x4FC0;
	[sflag:s28] =	ssyncadd.s32 $0xFFFFE000  }
0x91: {  	[spmem:s2] =	stream.indirect.scatter.add.f32 [tilespmem:s25], [sflag:$0x3], $0x80, s20, s24, $0xb8;
	[tilespmem:$0x1D000] =	vst v63  }
0x92: {  	p0 =	sne.s32 s8, $0x1;
	_ =	swait.ge [sflag:s21], $0x2000  }
.Ltmp2:
0x93: {  	s22 =	stileid.u32;
	[sflag:s21] =	ssyncset.done $0x0;
	(pc) =	sbr.rel @!p0 .LBB2_7-.Ltmp2, $4  }
0x94: {  	s29 =	sadd.s32 $0xC800, s19;
	s0 =	sshll.u32 s22, $0x6;
	[sflag:s21] =	ssyncadd.s32 $0xFFFFE000  }
0x95: {  	s22 =	sor.u32 $0x1C03, s0;
	s31 =	sshrl.u32 s30, $0x3;
	[bflag:$0x0] =	sbarrier.arrive $0xFFFF  }
0x96: {  	[hbm:s19], [sflag:s22] =	dma.local [spmem:s31], $0xC80  }
0x97: {  	s0 =	sadd.s32 $0xFFFFFFFF, s8;
	s20 =	smov.u32 s30;
	_ =	swait.ge [sflag:s21], $0xC80  }
.LBB2_6:
0x98: {  	[sflag:s21] =	ssyncset.done $0x0;
	s20 =	sadd.s32 $0x64000, s20;
	p0 =	sne.s32 s0, $0x1  }
.Ltmp3:
0x99: {  	s31 =	sshrl.u32 s20, $0x3;
	[sflag:s21] =	ssyncadd.s32 $0xFFFFF380;
	(pc) =	sbr.rel @p0 .LBB2_6-.Ltmp3, $3  }
0x9a: {  	[hbm:s29], [sflag:s22] =	dma.local [spmem:s31], $0xC80  }
0x9b: {  	s0 =	sadd.s32 $0xFFFFFFFF, s0;
	_ =	sdelay $0x1  }
0x9c: {  	s29 =	sadd.s32 $0xC800, s29;
	_ =	swait.ge [sflag:s21], $0xC80  }
.LBB2_7:
0x9d: {  	s1 =	sadd.s32 $0x1, s1  }
0x9e: {  	p0 =	sne.s32 s1, s9  }
.Ltmp4:
0x9f: {  	_ = 	snop;
	(pc) =	sbr.rel @p0 .LBB2_1-.Ltmp4, $3  }
0xa0: {  	_ =	sdelay $0x1  }
0xa1: {  	[sflag:s21] =	ssyncset.done $0x0  }
0xa2: {  	[sflag:s21] =	ssyncadd.s32 $0xFFFFF380  }
0xa3: {  	_ =	sfence.sel $0x180000  }
0xa4: {  	[bflag:$0x0] =	sbarrier.arrive $0xFFFF  }
0xa5: {  	_ =	strace $0x9000004A  }
0xa6: {  	s0 =	stileid.u32;
	[bflag:$0x2] =	sbarrier.arrive $0xFFFF  }
0xa7: {  	p0 =	sne.s32 s0, $0x0;
	s0 =	rddreg [dreg:$0x2]  }
0xa8: {  	s0 =	sadd.s32 @!p0 $0x100000, s0  }
0xa9: {  	[sflag:s0] =	ssyncadd.tile.s32 @!p0 $0x1;
	_ =	shalt  }
.Lfunc_end2:
_tile_overlayer_lowered:
.L_overlay_start_2:
0xaa: {  	(tag) =	ssettag $0x2  }
0xab: {  	s0 =	rddreg [dreg:$0x0];
	s2 =	stileid.u32  }
0xac: {  	s1 =	rddreg [dreg:$0x1];
	p0 =	sne.s32 s2, $0x0  }
0xad: {  	s3 =	rddreg [dreg:$0x2];
	[bflag:$0x3] =	sbarrier.arrive $0xFFFF;
	s2 =	simm.s32 @!p0 $0x1C03  }
0xae: {  	[timem:s3], [sflag:s2] =	dma.local @!p0 [hbm:s0], s1  }
0xaf: {  	s0 =	simm.s32 @!p0 $0x3  }
0xb0: {  	_ =	swait.ge @!p0 [sflag:s0], s1  }
0xb1: {  	s1 =	ssub.s32 @!p0 $0x0, s1;
	[sflag:s0] =	ssyncset.done @!p0 $0x0  }
0xb2: {  	[sflag:s0] =	ssyncadd.s32 @!p0 s1  }
0xb3: {  	[bflag:$0x3] =	sbarrier.arrive $0xFFFF  }
0xb4: {  	_ =	shalt  }

// kernel: kernel.16.cloned.1.call-start
scs
__scs_entry_jumppad:
0x0: {  	(pc) =	sbr.rel $0x88, $3  }
0x1: {  	(tag) =	ssettag $0x0;
	lr =	simm.s32 $0x1  }
0x2: {  	[smem:$0x3F99] =	sst lr;
	_ =	strace $0xD0000000  }
0x3: {  	_ = 	snop  }
0x4: {  	_ = 	snop  }
0x5: {  	_ = 	snop  }
0x6: {  	_ = 	snop  }
0x7: {  	_ = 	snop  }
__scs_overlays_trampoline_lowered:
0x8: {  	[smem:$0x3FA8] =	sst s0  }
0x9: {  	[smem:$0x3FA9] =	sst s1  }
0xa: {  	[smem:$0x3FAA] =	sst s2  }
0xb: {  	[smem:$0x3FAB] =	sst s3  }
0xc: {  	[smem:$0x3FAC] =	sst s4  }
0xd: {  	[smem:$0x3FAD] =	sst s5  }
0xe: {  	[smem:$0x3FAE] =	sst s6  }
0xf: {  	[smem:$0x3FAF] =	sst s7  }
0x10: {  	[smem:$0x3FB0] =	sst s8  }
0x11: {  	[smem:$0x3FB1] =	sst s9;
	s0 =	simm.s32 @!p0 $0x0  }
0x12: {  	s1 =	sld [smem:$0x3F97];
	s0 =	simm.s32 @p0 $0x1  }
0x13: {  	[smem:$0x3FB2] =	sst s0;
	s0 =	simm.s32 @!p1 $0x0  }
0x14: {  	s2 =	sld [smem:$0x3F96];
	s0 =	simm.s32 @p1 $0x1  }
0x15: {  	[smem:$0x3FB3] =	sst s0;
	s0 =	simm.s32 @!p2 $0x0  }
0x16: {  	s3 =	sld [smem:$0x3FDB];
	s0 =	simm.s32 @p2 $0x1  }
0x17: {  	s4 =	simm.s32 $0x1BF5;
	[smem:$0x3FB5] =	sst s0  }
0x18: {  	s0 =	sld [smem:$0x3F98];
	_ =	swait.ge [sflag:s4], $0x0  }
0x19: {  	s7 =	sld [smem:$0x3F99]  }
0x1a: {  	s8 =	sadd.s32 $0xFFFFE003, lr  }
0x1b: {  	s9 =	sadd.s32 $0xFFFFFEF7, lr;
	s5 =	simm.s32 $0xFFFFFFFF;
	p2 =	slt.u32 s8, $0xFFFFF086  }
0x1c: {  	p1 =	slt.u32 s9, $0xF7A;
	s5 =	simm.s32 @!p2 $0x0  }
0x1d: {  	s5 =	simm.s32 @p1 $0x1;
	p0 =	seq.s32 s7, s2  }
0x1e: {  	s7 =	smul.u32 @!p0 $0xF7A, s2;
	p2 =	seq.s32 @!p0 s5, $0x0  }
0x1f: {  	s9 =	smul.u32 $0xF7A, s1;
	s8 =	simm.s32 @!p0 $0x1BF5;
	p2 =	por !p2, p0  }
0x20: {  	[sflag:s8] =	ssyncset.s32 @!p0 $0xFFFFF086;
	s6 =	sadd.s32 @!p0 s3, s7;
	s7 =	simm.s32 @!p0 $0x108  }
0x21: {  	s3 =	sadd.s32 s3, s9;
	s6 =	sadd.s32 @!p0 $0x88, s6;
	s7 =	simm.s32 @p2 $0x1082  }
0x22: {  	[simem:s7], [sflag:s8] =	dma.local @!p0 [hbm:s6], $0xF7A  }
0x23: {  	s9 =	sor.u32 $0xD0000000, s2;
	s6 =	simm.s32 $0x108;
	_ =	swait.ge @!p0 [sflag:s8], $0x0  }
0x24: {  	s3 =	sadd.s32 $0x88, s3;
	s6 =	simm.s32 @!p1 $0x1082;
	[sflag:s4] =	ssyncset.s32 $0xFFFFF086  }
0x25: {  	[simem:s6], [sflag:s4] =	dma.local [hbm:s3], $0xF7A  }
0x26: {  	[smem:$0x3F99] =	sst s1;
	(tag) =	ssettag s2;
	_ =	strace s9  }
0x27: {  	s1 =	sld [smem:$0x3FA9]  }
0x28: {  	s2 =	sld [smem:$0x3FAA]  }
0x29: {  	s4 =	sld [smem:$0x3FAC]  }
0x2a: {  	p0 =	seq.s32 s5, $0x0;
	s5 =	sld [smem:$0x3FAD]  }
0x2b: {  	s6 =	sld [smem:$0x3FAE]  }
0x2c: {  	s7 =	sld [smem:$0x3FAF]  }
0x2d: {  	s3 =	simm.s32 $0x108;
	s8 =	sld [smem:$0x3FB0]  }
0x2e: {  	s3 =	simm.s32 @!p0 $0x1082;
	s9 =	sld [smem:$0x3FB1]  }
0x2f: {  	lr =	sadd.s32 s0, s3;
	s0 =	sld [smem:$0x3FA8]  }
0x30: {  	s3 =	sld [smem:$0x3FAB]  }
0x31: {  	[smem:$0x3FB4] =	sst s10  }
0x32: {  	s10 =	sld [smem:$0x3FB2];
	_ =	sdelay $0x3  }
0x33: {  	p0 =	seq.s32 s10, $0x1;
	s10 =	sld [smem:$0x3FB4];
	_ =	sdelay $0x3  }
0x34: {  	[smem:$0x3FB4] =	sst s10  }
0x35: {  	s10 =	sld [smem:$0x3FB3];
	_ =	sdelay $0x3  }
0x36: {  	p1 =	seq.s32 s10, $0x1;
	s10 =	sld [smem:$0x3FB4];
	_ =	sdelay $0x3  }
0x37: {  	[smem:$0x3FB4] =	sst s10  }
0x38: {  	s10 =	sld [smem:$0x3FB5]  }
0x39: {  	_ = 	snop;
	(pc) =	sbr.ind lr, $3  }
0x3a: {  	_ = 	snop  }
0x3b: {  	_ = 	snop  }
0x3c: {  	p2 =	seq.s32 s10, $0x1;
	s10 =	sld [smem:$0x3FB4]  }
0x3d: {  	_ =	shalt  }
0x3e: {  	_ =	shalt  }
0x3f: {  	_ =	shalt  }
0x40: {  	_ =	shalt  }
0x41: {  	_ =	shalt  }
0x42: {  	_ =	shalt  }
0x43: {  	_ =	shalt  }
0x44: {  	_ =	shalt  }
0x45: {  	_ =	shalt  }
0x46: {  	_ =	shalt  }
0x47: {  	_ =	shalt  }
0x48: {  	_ =	shalt  }
0x49: {  	_ =	shalt  }
0x4a: {  	_ =	shalt  }
0x4b: {  	_ =	shalt  }
0x4c: {  	_ =	shalt  }
0x4d: {  	_ =	shalt  }
0x4e: {  	_ =	shalt  }
0x4f: {  	_ =	shalt  }
0x50: {  	_ =	shalt  }
0x51: {  	_ =	shalt  }
0x52: {  	_ =	shalt  }
0x53: {  	_ =	shalt  }
0x54: {  	_ =	shalt  }
0x55: {  	_ =	shalt  }
0x56: {  	_ =	shalt  }
0x57: {  	_ =	shalt  }
0x58: {  	_ =	shalt  }
0x59: {  	_ =	shalt  }
0x5a: {  	_ =	shalt  }
0x5b: {  	_ =	shalt  }
0x5c: {  	_ =	shalt  }
0x5d: {  	_ =	shalt  }
0x5e: {  	_ =	shalt  }
0x5f: {  	_ =	shalt  }
0x60: {  	_ =	shalt  }
0x61: {  	_ =	shalt  }
0x62: {  	_ =	shalt  }
0x63: {  	_ =	shalt  }
0x64: {  	_ =	shalt  }
0x65: {  	_ =	shalt  }
0x66: {  	_ =	shalt  }
0x67: {  	_ =	shalt  }
0x68: {  	_ =	shalt  }
0x69: {  	_ =	shalt  }
0x6a: {  	_ =	shalt  }
0x6b: {  	_ =	shalt  }
0x6c: {  	_ =	shalt  }
0x6d: {  	_ =	shalt  }
0x6e: {  	_ =	shalt  }
0x6f: {  	_ =	shalt  }
0x70: {  	_ =	shalt  }
0x71: {  	_ =	shalt  }
0x72: {  	_ =	shalt  }
0x73: {  	_ =	shalt  }
0x74: {  	_ =	shalt  }
0x75: {  	_ =	shalt  }
0x76: {  	_ =	shalt  }
0x77: {  	_ =	shalt  }
0x78: {  	_ =	shalt  }
0x79: {  	_ =	shalt  }
0x7a: {  	_ =	shalt  }
0x7b: {  	_ =	shalt  }
0x7c: {  	_ =	shalt  }
0x7d: {  	_ =	shalt  }
0x7e: {  	_ =	shalt  }
0x7f: {  	_ =	shalt  }
0x80: {  	_ =	shalt  }
0x81: {  	_ =	shalt  }
0x82: {  	_ =	shalt  }
0x83: {  	_ =	shalt  }
0x84: {  	_ =	shalt  }
0x85: {  	_ =	shalt  }
0x86: {  	_ =	shalt  }
0x87: {  	_ =	shalt  }
.Lfunc_end0:
.L_simem_size_0:
called_computation.2_lowered:
.L_overlay_start_0:
0x88: {  	s2 =	sld [smem:$0x3FD9]  }
0x89: {  	s3 =	sld [smem:$0x3FFE];
	_ =	sdelay $0x1  }
0x8a: {  	s1 =	srdreg.scid  }
0x8b: {  	s0 =	sand.u32 $0x1, s1  }
0x8c: {  	s16 =	sshll.u32 s0, $0xA;
	s2 =	sadd.s32 s3, s2  }
0x8d: {  	s2 =	sadd.s32 s2, s16  }
0x8e: {  	[smem:$0x3FC0] =	sst s2  }
0x8f: {  	_ = 	snop  }
0x90: {  	(tm) =	ssettm $0x1  }
0x91: {  	s17 =	sld [smem:$0x3FFB];
	_ =	sdelay $0x3  }
0x92: {  	_ =	strace s17  }
0x93: {  	s2 =	sld [smem:$0x3FFC];
	_ =	sdelay $0x3  }
0x94: {  	_ =	strace s2  }
0x95: {  	s2 =	sld [smem:$0x3FFD];
	_ =	sdelay $0x3  }
0x96: {  	_ =	strace s2  }
0x97: {  	_ =	strace $0x8FFFFFFF  }
0x98: {  	s18 =	sld [smem:$0x3FDB];
	_ =	sdelay $0x1  }
0x99: {  	s19 =	simm.s32 $_scs_section_size  }
0x9a: {  	s4 =	simm.s32 $_size__tile_overlayer_lowered;
	s5 =	simm.s32 $_tile_overlayer_lowered  }
0x9b: {  	s22 =	simm.s32 $0x1BFF;
	s21 =	sshll.u32 s5, $0x1;
	s2 =	sadd.s32 s19, s18  }
0x9c: {  	s6 =	simm.s32 $0x0;
	s20 =	sshll.u32 s4, $0x1;
	s4 =	sadd.s32 s21, s2  }
0x9d: {  	[timem:s6], [sflag:s22] =	dma.local [hbm:s4], s20  }
0x9e: {  	_ =	swait.ge [sflag:s22], s20  }
0x9f: {  	s3 =	ssub.s32 $0x0, s20;
	[sflag:s22] =	ssyncset.done $0x0  }
0xa0: {  	[sflag:s22] =	ssyncadd.s32 s3;
	_ =	sdelay $0x1  }
0xa1: {  	s23 =	simm.s32 $0x1B8B  }
0xa2: {  	_ =	swait.ge [sflag:s23], $0x1  }
0xa3: {  	[sflag:s23] =	ssyncset.done $0x0  }
0xa4: {  	s25 =	simm.s32 $0x1B8E;
	s24 =	sld [smem:$0x3FFE];
	[sflag:s23] =	ssyncadd.s32 $0xFFFFFFFF  }
0xa5: {  	s26 =	simm.s32 $execute0_lowered;
	[smem:$0x3FD2] =	sst s25  }
0xa6: {  	s4 =	sshll.u32 s26, $0x1;
	_ =	strace $0x8000004C;
	[dreg:$0x1] =	wrdreg $0xFFFFFFFF  }
0xa7: {  	s28 =	simm.s32 $_size_execute0_lowered;
	s2 =	sadd.s32 s2, s4;
	[dreg:$0x0] =	wrdreg $0x0  }
0xa8: {  	s4 =	sshll.u32 s28, $0x1;
	[dreg:$0x2] =	wrdreg s2  }
0xa9: {  	[dreg:$0x3] =	wrdreg s4  }
0xaa: {  	[dreg:$0x4] =	wrdreg $0xC0  }
0xab: {  	_ =	task [dreg:s6], $0x5FFFF  }
0xac: {  	[dreg:$0x1] =	wrdreg $0xFFFFFFFF  }
0xad: {  	[dreg:$0x0] =	wrdreg $0x60  }
0xae: {  	[dreg:$0x2] =	wrdreg s24  }
0xaf: {  	[dreg:$0x3] =	wrdreg $0x90000  }
0xb0: {  	[dreg:$0x4] =	wrdreg $0x9  }
0xb1: {  	_ =	task.clear_ibuf [dreg:s6], $0x5FFFF;
	_ =	strace $0x9000004C  }
0xb2: {  	s29 =	simm.s32 $0x9;
	_ =	strace $0x8000004E  }
0xb3: {  	_ =	swait.ge [sflag:s29], $0x1  }
0xb4: {  	[sflag:s29] =	ssyncadd.s32 $0xFFFFFFFF  }
0xb5: {  	_ =	strace $0x9000004E  }
0xb6: {  	_ =	sfence  }
0xb7: {  	s30 =	sld [smem:$0x0];
	_ =	sdelay $0x2  }
0xb8: {  	s31 =	sshll.u32 s1, $0xD;
	s1 =	sshrl.u32 s1, $0x2  }
0xb9: {  	s3 =	sand.u32 $0x4000, s31;
	s1 =	sadd.s32 s1, s30  }
0xba: {  	s0 =	sor.u32 s3, s0;
	s1 =	sshll.u32 s1, $0x11  }
0xbb: {  	s0 =	sor.u32 s1, s0  }
0xbc: {  	s0 =	sadd.s32 $0x8F2B, s0  }
0xbd: {  	[sflag:s0] =	ssyncadd.remote.s32 $0x1  }
0xbe: {  	_ =	sfence.sel $0xFFFF  }
0xbf: {  	[dreg:$0x0] =	wrdreg $0xFFFFFFFF;
	(pc) =	sbr.abs _section_cstart, $3  }
0xc0: {  	[dreg:$0x1] =	wrdreg $0xFFFFFFFF  }
0xc1: {  	_ =	task.clear_ibuf [dreg:s6], $0x2FFFF;
	_ =	strace $0x9FFFFFFF  }
0xc2: {  	(tm) =	ssettm $0x7FFFFFFF  }
0xc3: {  	_ =	shalt  }
tec
execute0_lowered:
.L_overlay_start_1:
0x0: {  	(tag) =	ssettag $0x1  }
0x1: {  	s0 =	srdreg.scid  }
0x2: {  	s15 =	stileid.u32;
	s5 =	rddreg [dreg:$0x0]  }
0x3: {  	s2 =	rddreg [dreg:$0x1];
	s3 =	simm.s32 $0x0;
	s21 =	simm.s32 $0x3  }
0x4: {  	s23 =	simm.s32 $0x5000;
	s24 =	simm.s32 $0x40;
	s25 =	simm.s32 $0x7000  }
0x5: {  	s26 =	simm.s32 $0x1;
	s28 =	simm.s32 $0x2;
	s0 =	sand.u32 $0x1, s0  }
0x6: {  	s1 =	sshll.u32 s15, $0x1;
	[smem:$0x7FF] =	sst s3;
	s6 =	smul.u32 $0x6400, s15  }
0x7: {  	s29 =	sshll.u32 s15, $0xD;
	s8 =	ssub.s32 $0x41, s15;
	s31 =	smul.u32 $0x19000, s15  }
0x8: {  	s1 =	sor.u32 s0, s1;
	s4 =	smul.u32 $0x138800, s0;
	_ =	strace $0x8000004D  }
0x9: {  	s0 =	ssub.s32 $0x2, s0;
	s8 =	sshrl.u32 s8, $0x4;
	s1 =	smul.u32 $0x500, s1  }
0xa: {  	s7 =	sshrl.u32 s0, $0x1;
	s6 =	sadd.s32 s6, s4;
	s4 =	sadd.s32 $0x2800, s5  }
0xb: {  	s0 =	ssub.s32 s0, s7;
	s7 =	sadd.s32 s29, s2;
	s1 =	sadd.s32 s1, s5  }
0xc: {  	s6 =	sshrl.u32 s6, $0x3;
	s9 =	smax.u32 s0, $0x1;
	s10 =	sadd.s32 $0x20000, s7  }
0xd: {  	s11 =	sadd.s32 $0x40000, s7;
	s12 =	sadd.s32 $0x60000, s7;
	s13 =	sadd.s32 $0x80000, s7  }
0xe: {  	s14 =	sadd.s32 $0xA0000, s7;
	s15 =	sadd.s32 $0xC0000, s7;
	s16 =	sadd.s32 $0xE0000, s7  }
0xf: {  	s17 =	sadd.s32 $0x100000, s7;
	s18 =	sadd.s32 $0x120000, s7;
	s0 =	sshrl.u32 s31, $0x2  }
0x10: {  	s19 =	sadd.s32 s6, s5;
	s5 =	sadd.s32 $0x50A00, s1;
	s6 =	sadd.s32 $0x5AA00, s1  }
0x11: {  	v0 =	vimm.f32 $0.0e+00;
	s30 =	sadd.s32 s0, s2;
	s1 =	simm.s32 $0x0;
	s19 =	sadd.s32 $0x64A00, s19  }
.LBB2_1:
0x12: {  	[tilespmem:s3], [sflag:$0x3] =	stream.linear.gather [hbm4b:s5+s3], $0x2800, $0x38;
	[tilespmem:$0x1D000] =	vst v63  }
0x13: {  	_ =	swait.ge [sflag:s21], $0x2800  }
0x14: {  	[sflag:s21] =	ssyncset.done $0x0  }
0x15: {  	s0 =	simm.s32 $0x2800;
	[sflag:s21] =	ssyncadd.s32 $0xFFFFD800  }
0x16: {  	[tilespmem:s0], [sflag:$0x3] =	stream.linear.gather [hbm4b:s6+s3], $0x2800, $0x38;
	[tilespmem:$0x1D000] =	vst v63  }
0x17: {  	_ =	swait.ge [sflag:s21], $0x2800  }
0x18: {  	[sflag:s21] =	ssyncset.done $0x0  }
0x19: {  	s22 =	simm.s32 $0x0;
	s0 =	simm.s32 $0x200;
	[sflag:s21] =	ssyncadd.s32 $0xFFFFD800  }
.LBB2_2:
0x1a: {  	p0 =	sne.s32 s0, $0x7E00;
	[tilespmem:s22+$0x5070] =	vst v0  }
0x1b: {  	[tilespmem:s22+$0x5000] =	vst v0  }
0x1c: {  	[tilespmem:s22+$0x5010] =	vst v0  }
.Ltmp0:
0x1d: {  	[tilespmem:s22+$0x5020] =	vst v0;
	(pc) =	sbr.rel @p0 .LBB2_2-.Ltmp0, $4  }
0x1e: {  	[tilespmem:s22+$0x5030] =	vst v0  }
0x1f: {  	[tilespmem:s22+$0x5040] =	vst v0  }
0x20: {  	[tilespmem:s22+$0x5050] =	vst v0  }
0x21: {  	[tilespmem:s22+$0x5060] =	vst v0;
	s22 =	sshra.s32 s0, $0x2;
	s0 =	sadd.s32 $0x200, s0  }
0x22: {  	[tilespmem:s22+$0x5070] =	vst v0  }
0x23: {  	[tilespmem:s22+$0x5000] =	vst v0  }
0x24: {  	[tilespmem:s22+$0x5010] =	vst v0  }
0x25: {  	[tilespmem:s22+$0x5020] =	vst v0  }
0x26: {  	[tilespmem:s22+$0x5030] =	vst v0  }
0x27: {  	[tilespmem:s22+$0x5040] =	vst v0  }
0x28: {  	[tilespmem:s22+$0x5050] =	vst v0  }
0x29: {  	[tilespmem:s22+$0x5060] =	vst v0  }
0x2a: {  	[spmem:s7] =	stream.linear.scatter [tilespmem:s23], [sflag:$0x3], $0x2000, $0x38;
	[tilespmem:$0x1D000] =	vst v63  }
0x2b: {  	_ =	swait.ge [sflag:s21], $0x2000  }
0x2c: {  	[sflag:s21] =	ssyncset.done $0x0  }
0x2d: {  	[sflag:s21] =	ssyncadd.s32 $0xFFFFE000  }
0x2e: {  	[spmem:s10] =	stream.linear.scatter [tilespmem:s23], [sflag:$0x3], $0x2000, $0x38;
	[tilespmem:$0x1D000] =	vst v63  }
0x2f: {  	_ =	swait.ge [sflag:s21], $0x2000  }
0x30: {  	[sflag:s21] =	ssyncset.done $0x0  }
0x31: {  	[sflag:s21] =	ssyncadd.s32 $0xFFFFE000  }
0x32: {  	[spmem:s11] =	stream.linear.scatter [tilespmem:s23], [sflag:$0x3], $0x2000, $0x38;
	[tilespmem:$0x1D000] =	vst v63  }
0x33: {  	_ =	swait.ge [sflag:s21], $0x2000  }
0x34: {  	[sflag:s21] =	ssyncset.done $0x0  }
0x35: {  	[sflag:s21] =	ssyncadd.s32 $0xFFFFE000  }
0x36: {  	[spmem:s12] =	stream.linear.scatter [tilespmem:s23], [sflag:$0x3], $0x2000, $0x38;
	[tilespmem:$0x1D000] =	vst v63  }
0x37: {  	_ =	swait.ge [sflag:s21], $0x2000  }
0x38: {  	[sflag:s21] =	ssyncset.done $0x0  }
0x39: {  	[sflag:s21] =	ssyncadd.s32 $0xFFFFE000  }
0x3a: {  	[spmem:s13] =	stream.linear.scatter [tilespmem:s23], [sflag:$0x3], $0x2000, $0x38;
	[tilespmem:$0x1D000] =	vst v63  }
0x3b: {  	_ =	swait.ge [sflag:s21], $0x2000  }
0x3c: {  	[sflag:s21] =	ssyncset.done $0x0  }
0x3d: {  	[sflag:s21] =	ssyncadd.s32 $0xFFFFE000  }
0x3e: {  	[spmem:s14] =	stream.linear.scatter [tilespmem:s23], [sflag:$0x3], $0x2000, $0x38;
	[tilespmem:$0x1D000] =	vst v63  }
0x3f: {  	_ =	swait.ge [sflag:s21], $0x2000  }
0x40: {  	[sflag:s21] =	ssyncset.done $0x0  }
0x41: {  	[sflag:s21] =	ssyncadd.s32 $0xFFFFE000  }
0x42: {  	[spmem:s15] =	stream.linear.scatter [tilespmem:s23], [sflag:$0x3], $0x2000, $0x38;
	[tilespmem:$0x1D000] =	vst v63  }
0x43: {  	_ =	swait.ge [sflag:s21], $0x2000  }
0x44: {  	[sflag:s21] =	ssyncset.done $0x0  }
0x45: {  	[sflag:s21] =	ssyncadd.s32 $0xFFFFE000  }
0x46: {  	[spmem:s16] =	stream.linear.scatter [tilespmem:s23], [sflag:$0x3], $0x2000, $0x38;
	[tilespmem:$0x1D000] =	vst v63  }
0x47: {  	_ =	swait.ge [sflag:s21], $0x2000  }
0x48: {  	[sflag:s21] =	ssyncset.done $0x0  }
0x49: {  	[sflag:s21] =	ssyncadd.s32 $0xFFFFE000  }
0x4a: {  	[spmem:s17] =	stream.linear.scatter [tilespmem:s23], [sflag:$0x3], $0x2000, $0x38;
	[tilespmem:$0x1D000] =	vst v63  }
0x4b: {  	_ =	swait.ge [sflag:s21], $0x2000  }
0x4c: {  	[sflag:s21] =	ssyncset.done $0x0  }
0x4d: {  	[sflag:s21] =	ssyncadd.s32 $0xFFFFE000  }
0x4e: {  	[spmem:s18] =	stream.linear.scatter [tilespmem:s23], [sflag:$0x3], $0x2000, $0x38;
	[tilespmem:$0x1D000] =	vst v63  }
0x4f: {  	_ =	swait.ge [sflag:s21], $0x2000  }
0x50: {  	[sflag:s21] =	ssyncset.done $0x0  }
0x51: {  	[sflag:s21] =	ssyncadd.s32 $0xFFFFE000  }
0x52: {  	s0 =	simm.s32 $0x0;
	[bflag:$0x0] =	sbarrier.arrive $0xFFFF  }
0x53: {  	[tilespmem:s23], [sflag:$0x1] =	stream.indirect.gather [hbm4b:s4+s24], $0x80, s0, s24, $0xb8;
	[tilespmem:$0x1D000] =	vst v63  }
0x54: {  	s20 =	simm.s32 $0x40  }
0x55: {  	[tilespmem:s25], [sflag:$0x2] =	stream.indirect.gather [hbm4b:s4+s24], $0x80, s20, s24, $0xb8;
	[tilespmem:$0x1D000] =	vst v63  }
0x56: {  	_ =	swait.ge [sflag:s26], $0x2000  }
0x57: {  	[sflag:s26] =	ssyncset.done $0x0  }
0x58: {  	s22 =	simm.s32 $0x2800;
	[sflag:s26] =	ssyncadd.s32 $0xFFFFE000  }
0x59: {  	[spmem:s2] =	stream.indirect.scatter.add.f32 [tilespmem:s23], [sflag:$0x3], $0x80, s22, s24, $0xb8;
	[tilespmem:$0x1D000] =	vst v63  }
0x5a: {  	_ =	swait.ge [sflag:s21], $0x2000  }
0x5b: {  	[sflag:s21] =	ssyncset.done $0x0  }
0x5c: {  	s29 =	simm.s32 $0x80;
	[sflag:s21] =	ssyncadd.s32 $0xFFFFE000  }
0x5d: {  	[tilespmem:s23], [sflag:$0x1] =	stream.indirect.gather [hbm4b:s4+s24], $0x80, s29, s24, $0xb8;
	[tilespmem:$0x1D000] =	vst v63  }
0x5e: {  	_ =	swait.ge [sflag:s28], $0x2000  }
0x5f: {  	[sflag:s28] =	ssyncset.done $0x0  }
0x60: {  	s31 =	simm.s32 $0x2840;
	[sflag:s28] =	ssyncadd.s32 $0xFFFFE000  }
0x61: {  	[spmem:s2] =	stream.indirect.scatter.add.f32 [tilespmem:s25], [sflag:$0x3], $0x80, s31, s24, $0xb8;
	[tilespmem:$0x1D000] =	vst v63  }
0x62: {  	_ =	swait.ge [sflag:s21], $0x2000  }
0x63: {  	s0 =	simm.s32 $0x400;
	s22 =	simm.s32 $0x80;
	[sflag:s21] =	ssyncset.done $0x0  }
.LBB2_4:
0x64: {  	s20 =	sadd.s32 $0x40, s22  }
0x65: {  	[sflag:s21] =	ssyncadd.s32 $0xFFFFE000;
	s29 =	smov.u32 s0;
	s31 =	sadd.s32 $0x200, s0  }
0x66: {  	[tilespmem:s25], [sflag:$0x2] =	stream.indirect.gather [hbm4b:s4+s24], $0x80, s20, s24, $0xb8;
	[tilespmem:$0x1D000] =	vst v63  }
0x67: {  	p0 =	sne.s32 s0, $0x9C00;
	_ =	swait.ge [sflag:s26], $0x2000  }
0x68: {  	[sflag:s26] =	ssyncset.done $0x0  }
0x69: {  	s0 =	sadd.s32 $0x2800, s22;
	[sflag:s26] =	ssyncadd.s32 $0xFFFFE000  }
0x6a: {  	[spmem:s2] =	stream.indirect.scatter.add.f32 [tilespmem:s23], [sflag:$0x3], $0x80, s0, s24, $0xb8;
	[tilespmem:$0x1D000] =	vst v63  }
0x6b: {  	_ =	swait.ge [sflag:s21], $0x2000  }
0x6c: {  	[sflag:s21] =	ssyncset.done $0x0  }
0x6d: {  	s0 =	sadd.s32 $0x80, s22;
	[sflag:s21] =	ssyncadd.s32 $0xFFFFE000  }
0x6e: {  	[tilespmem:s23], [sflag:$0x1] =	stream.indirect.gather [hbm4b:s4+s24], $0x80, s0, s24, $0xb8;
	[tilespmem:$0x1D000] =	vst v63  }
0x6f: {  	_ =	swait.ge [sflag:s28], $0x2000  }
.Ltmp1:
0x70: {  	[sflag:s28] =	ssyncset.done $0x0;
	(pc) =	sbr.rel @p0 .LBB2_4-.Ltmp1, $4  }
0x71: {  	s0 =	sadd.s32 $0x2840, s22;
	[sflag:s28] =	ssyncadd.s32 $0xFFFFE000  }
0x72: {  	[spmem:s2] =	stream.indirect.scatter.add.f32 [tilespmem:s25], [sflag:$0x3], $0x80, s0, s24, $0xb8;
	[tilespmem:$0x1D000] =	vst v63  }
0x73: {  	_ =	swait.ge [sflag:s21], $0x2000  }
0x74: {  	s22 =	sshra.s32 s29, $0x2;
	s0 =	smov.u32 s31;
	[sflag:s21] =	ssyncset.done $0x0  }
0x75: {  	s0 =	sadd.s32 $0x40, s22;
	[sflag:s21] =	ssyncadd.s32 $0xFFFFE000  }
0x76: {  	[tilespmem:s25], [sflag:$0x2] =	stream.indirect.gather [hbm4b:s4+s24], $0x80, s0, s24, $0xb8;
	[tilespmem:$0x1D000] =	vst v63  }
0x77: {  	_ =	swait.ge [sflag:s26], $0x2000  }
0x78: {  	[sflag:s26] =	ssyncset.done $0x0  }
0x79: {  	s20 =	sadd.s32 $0x2800, s22;
	[sflag:s26] =	ssyncadd.s32 $0xFFFFE000  }
0x7a: {  	[spmem:s2] =	stream.indirect.scatter.add.f32 [tilespmem:s23], [sflag:$0x3], $0x80, s20, s24, $0xb8;
	[tilespmem:$0x1D000] =	vst v63  }
0x7b: {  	_ =	swait.ge [sflag:s21], $0x2000  }
0x7c: {  	[sflag:s21] =	ssyncset.done $0x0  }
0x7d: {  	s31 =	sadd.s32 $0x80, s22;
	[sflag:s21] =	ssyncadd.s32 $0xFFFFE000  }
0x7e: {  	[tilespmem:s23], [sflag:$0x1] =	stream.indirect.gather [hbm4b:s4+s24], $0x80, s31, s24, $0xb8;
	[tilespmem:$0x1D000] =	vst v63  }
0x7f: {  	_ =	swait.ge [sflag:s28], $0x2000  }
0x80: {  	[sflag:s28] =	ssyncset.done $0x0  }
0x81: {  	s20 =	sadd.s32 $0x2840, s22;
	[sflag:s28] =	ssyncadd.s32 $0xFFFFE000  }
0x82: {  	[spmem:s2] =	stream.indirect.scatter.add.f32 [tilespmem:s25], [sflag:$0x3], $0x80, s20, s24, $0xb8;
	[tilespmem:$0x1D000] =	vst v63  }
0x83: {  	_ =	swait.ge [sflag:s21], $0x2000  }
0x84: {  	[sflag:s21] =	ssyncset.done $0x0  }
0x85: {  	s22 =	simm.s32 $0x27C0;
	[sflag:s21] =	ssyncadd.s32 $0xFFFFE000  }
0x86: {  	[tilespmem:s25], [sflag:$0x2] =	stream.indirect.gather [hbm4b:s4+s24], $0x80, s22, s24, $0xb8;
	[tilespmem:$0x1D000] =	vst v63  }
0x87: {  	_ =	swait.ge [sflag:s26], $0x2000  }
0x88: {  	[sflag:s26] =	ssyncset.done $0x0  }
0x89: {  	s31 =	simm.s32 $0x4F80;
	[sflag:s26] =	ssyncadd.s32 $0xFFFFE000  }
0x8a: {  	[spmem:s2] =	stream.indirect.scatter.add.f32 [tilespmem:s23], [sflag:$0x3], $0x80, s31, s24, $0xb8;
	[tilespmem:$0x1D000] =	vst v63  }
0x8b: {  	_ =	swait.ge [sflag:s21], $0x2000  }
0x8c: {  	[sflag:s21] =	ssyncset.done $0x0  }
0x8d: {  	[sflag:s21] =	ssyncadd.s32 $0xFFFFE000  }
0x8e: {  	_ =	swait.ge [sflag:s28], $0x2000  }
0x8f: {  	[sflag:s28] =	ssyncset.done $0x0  }
0x90: {  	s20 =	simm.s32 $0x4FC0;
	[sflag:s28] =	ssyncadd.s32 $0xFFFFE000  }
0x91: {  	[spmem:s2] =	stream.indirect.scatter.add.f32 [tilespmem:s25], [sflag:$0x3], $0x80, s20, s24, $0xb8;
	[tilespmem:$0x1D000] =	vst v63  }
0x92: {  	p0 =	sne.s32 s8, $0x1;
	_ =	swait.ge [sflag:s21], $0x2000  }
.Ltmp2:
0x93: {  	s22 =	stileid.u32;
	[sflag:s21] =	ssyncset.done $0x0;
	(pc) =	sbr.rel @!p0 .LBB2_7-.Ltmp2, $4  }
0x94: {  	s29 =	sadd.s32 $0xC800, s19;
	s0 =	sshll.u32 s22, $0x6;
	[sflag:s21] =	ssyncadd.s32 $0xFFFFE000  }
0x95: {  	s22 =	sor.u32 $0x1C03, s0;
	s31 =	sshrl.u32 s30, $0x3;
	[bflag:$0x0] =	sbarrier.arrive $0xFFFF  }
0x96: {  	[hbm:s19], [sflag:s22] =	dma.local [spmem:s31], $0xC80  }
0x97: {  	s0 =	sadd.s32 $0xFFFFFFFF, s8;
	s20 =	smov.u32 s30;
	_ =	swait.ge [sflag:s21], $0xC80  }
.LBB2_6:
0x98: {  	[sflag:s21] =	ssyncset.done $0x0;
	s20 =	sadd.s32 $0x64000, s20;
	p0 =	sne.s32 s0, $0x1  }
.Ltmp3:
0x99: {  	s31 =	sshrl.u32 s20, $0x3;
	[sflag:s21] =	ssyncadd.s32 $0xFFFFF380;
	(pc) =	sbr.rel @p0 .LBB2_6-.Ltmp3, $3  }
0x9a: {  	[hbm:s29], [sflag:s22] =	dma.local [spmem:s31], $0xC80  }
0x9b: {  	s0 =	sadd.s32 $0xFFFFFFFF, s0;
	_ =	sdelay $0x1  }
0x9c: {  	s29 =	sadd.s32 $0xC800, s29;
	_ =	swait.ge [sflag:s21], $0xC80  }
.LBB2_7:
0x9d: {  	s1 =	sadd.s32 $0x1, s1  }
0x9e: {  	p0 =	sne.s32 s1, s9  }
.Ltmp4:
0x9f: {  	_ = 	snop;
	(pc) =	sbr.rel @p0 .LBB2_1-.Ltmp4, $3  }
0xa0: {  	_ =	sdelay $0x1  }
0xa1: {  	[sflag:s21] =	ssyncset.done $0x0  }
0xa2: {  	[sflag:s21] =	ssyncadd.s32 $0xFFFFF380  }
0xa3: {  	_ =	sfence.sel $0x180000  }
0xa4: {  	[bflag:$0x0] =	sbarrier.arrive $0xFFFF  }
0xa5: {  	_ =	strace $0x9000004D  }
0xa6: {  	s0 =	stileid.u32;
	[bflag:$0x2] =	sbarrier.arrive $0xFFFF  }
0xa7: {  	p0 =	sne.s32 s0, $0x0;
	s0 =	rddreg [dreg:$0x2]  }
0xa8: {  	s0 =	sadd.s32 @!p0 $0x100000, s0  }
0xa9: {  	[sflag:s0] =	ssyncadd.tile.s32 @!p0 $0x1;
	_ =	shalt  }
.Lfunc_end2:
_tile_overlayer_lowered:
.L_overlay_start_2:
0xaa: {  	(tag) =	ssettag $0x2  }
0xab: {  	s0 =	rddreg [dreg:$0x0];
	s2 =	stileid.u32  }
0xac: {  	s1 =	rddreg [dreg:$0x1];
	p0 =	sne.s32 s2, $0x0  }
0xad: {  	s3 =	rddreg [dreg:$0x2];
	[bflag:$0x3] =	sbarrier.arrive $0xFFFF;
	s2 =	simm.s32 @!p0 $0x1C03  }
0xae: {  	[timem:s3], [sflag:s2] =	dma.local @!p0 [hbm:s0], s1  }
0xaf: {  	s0 =	simm.s32 @!p0 $0x3  }
0xb0: {  	_ =	swait.ge @!p0 [sflag:s0], s1  }
0xb1: {  	s1 =	ssub.s32 @!p0 $0x0, s1;
	[sflag:s0] =	ssyncset.done @!p0 $0x0  }
0xb2: {  	[sflag:s0] =	ssyncadd.s32 @!p0 s1  }
0xb3: {  	[bflag:$0x3] =	sbarrier.arrive $0xFFFF  }
0xb4: {  	_ =	shalt  }

// kernel: kernel.19.cloned.1.call-start
scs
__scs_entry_jumppad:
0x0: {  	(pc) =	sbr.rel $0x88, $3  }
0x1: {  	(tag) =	ssettag $0x0;
	lr =	simm.s32 $0x1  }
0x2: {  	[smem:$0x3F99] =	sst lr;
	_ =	strace $0xD0000000  }
0x3: {  	_ = 	snop  }
0x4: {  	_ = 	snop  }
0x5: {  	_ = 	snop  }
0x6: {  	_ = 	snop  }
0x7: {  	_ = 	snop  }
__scs_overlays_trampoline_lowered:
0x8: {  	[smem:$0x3FA8] =	sst s0  }
0x9: {  	[smem:$0x3FA9] =	sst s1  }
0xa: {  	[smem:$0x3FAA] =	sst s2  }
0xb: {  	[smem:$0x3FAB] =	sst s3  }
0xc: {  	[smem:$0x3FAC] =	sst s4  }
0xd: {  	[smem:$0x3FAD] =	sst s5  }
0xe: {  	[smem:$0x3FAE] =	sst s6  }
0xf: {  	[smem:$0x3FAF] =	sst s7  }
0x10: {  	[smem:$0x3FB0] =	sst s8  }
0x11: {  	[smem:$0x3FB1] =	sst s9;
	s0 =	simm.s32 @!p0 $0x0  }
0x12: {  	s1 =	sld [smem:$0x3F97];
	s0 =	simm.s32 @p0 $0x1  }
0x13: {  	[smem:$0x3FB2] =	sst s0;
	s0 =	simm.s32 @!p1 $0x0  }
0x14: {  	s2 =	sld [smem:$0x3F96];
	s0 =	simm.s32 @p1 $0x1  }
0x15: {  	[smem:$0x3FB3] =	sst s0;
	s0 =	simm.s32 @!p2 $0x0  }
0x16: {  	s3 =	sld [smem:$0x3FDB];
	s0 =	simm.s32 @p2 $0x1  }
0x17: {  	s4 =	simm.s32 $0x1BF5;
	[smem:$0x3FB5] =	sst s0  }
0x18: {  	s0 =	sld [smem:$0x3F98];
	_ =	swait.ge [sflag:s4], $0x0  }
0x19: {  	s7 =	sld [smem:$0x3F99]  }
0x1a: {  	s8 =	sadd.s32 $0xFFFFE003, lr  }
0x1b: {  	s9 =	sadd.s32 $0xFFFFFEF7, lr;
	s5 =	simm.s32 $0xFFFFFFFF;
	p2 =	slt.u32 s8, $0xFFFFF086  }
0x1c: {  	p1 =	slt.u32 s9, $0xF7A;
	s5 =	simm.s32 @!p2 $0x0  }
0x1d: {  	s5 =	simm.s32 @p1 $0x1;
	p0 =	seq.s32 s7, s2  }
0x1e: {  	s7 =	smul.u32 @!p0 $0xF7A, s2;
	p2 =	seq.s32 @!p0 s5, $0x0  }
0x1f: {  	s9 =	smul.u32 $0xF7A, s1;
	s8 =	simm.s32 @!p0 $0x1BF5;
	p2 =	por !p2, p0  }
0x20: {  	[sflag:s8] =	ssyncset.s32 @!p0 $0xFFFFF086;
	s6 =	sadd.s32 @!p0 s3, s7;
	s7 =	simm.s32 @!p0 $0x108  }
0x21: {  	s3 =	sadd.s32 s3, s9;
	s6 =	sadd.s32 @!p0 $0x88, s6;
	s7 =	simm.s32 @p2 $0x1082  }
0x22: {  	[simem:s7], [sflag:s8] =	dma.local @!p0 [hbm:s6], $0xF7A  }
0x23: {  	s9 =	sor.u32 $0xD0000000, s2;
	s6 =	simm.s32 $0x108;
	_ =	swait.ge @!p0 [sflag:s8], $0x0  }
0x24: {  	s3 =	sadd.s32 $0x88, s3;
	s6 =	simm.s32 @!p1 $0x1082;
	[sflag:s4] =	ssyncset.s32 $0xFFFFF086  }
0x25: {  	[simem:s6], [sflag:s4] =	dma.local [hbm:s3], $0xF7A  }
0x26: {  	[smem:$0x3F99] =	sst s1;
	(tag) =	ssettag s2;
	_ =	strace s9  }
0x27: {  	s1 =	sld [smem:$0x3FA9]  }
0x28: {  	s2 =	sld [smem:$0x3FAA]  }
0x29: {  	s4 =	sld [smem:$0x3FAC]  }
0x2a: {  	p0 =	seq.s32 s5, $0x0;
	s5 =	sld [smem:$0x3FAD]  }
0x2b: {  	s6 =	sld [smem:$0x3FAE]  }
0x2c: {  	s7 =	sld [smem:$0x3FAF]  }
0x2d: {  	s3 =	simm.s32 $0x108;
	s8 =	sld [smem:$0x3FB0]  }
0x2e: {  	s3 =	simm.s32 @!p0 $0x1082;
	s9 =	sld [smem:$0x3FB1]  }
0x2f: {  	lr =	sadd.s32 s0, s3;
	s0 =	sld [smem:$0x3FA8]  }
0x30: {  	s3 =	sld [smem:$0x3FAB]  }
0x31: {  	[smem:$0x3FB4] =	sst s10  }
0x32: {  	s10 =	sld [smem:$0x3FB2];
	_ =	sdelay $0x3  }
0x33: {  	p0 =	seq.s32 s10, $0x1;
	s10 =	sld [smem:$0x3FB4];
	_ =	sdelay $0x3  }
0x34: {  	[smem:$0x3FB4] =	sst s10  }
0x35: {  	s10 =	sld [smem:$0x3FB3];
	_ =	sdelay $0x3  }
0x36: {  	p1 =	seq.s32 s10, $0x1;
	s10 =	sld [smem:$0x3FB4];
	_ =	sdelay $0x3  }
0x37: {  	[smem:$0x3FB4] =	sst s10  }
0x38: {  	s10 =	sld [smem:$0x3FB5]  }
0x39: {  	_ = 	snop;
	(pc) =	sbr.ind lr, $3  }
0x3a: {  	_ = 	snop  }
0x3b: {  	_ = 	snop  }
0x3c: {  	p2 =	seq.s32 s10, $0x1;
	s10 =	sld [smem:$0x3FB4]  }
0x3d: {  	_ =	shalt  }
0x3e: {  	_ =	shalt  }
0x3f: {  	_ =	shalt  }
0x40: {  	_ =	shalt  }
0x41: {  	_ =	shalt  }
0x42: {  	_ =	shalt  }
0x43: {  	_ =	shalt  }
0x44: {  	_ =	shalt  }
0x45: {  	_ =	shalt  }
0x46: {  	_ =	shalt  }
0x47: {  	_ =	shalt  }
0x48: {  	_ =	shalt  }
0x49: {  	_ =	shalt  }
0x4a: {  	_ =	shalt  }
0x4b: {  	_ =	shalt  }
0x4c: {  	_ =	shalt  }
0x4d: {  	_ =	shalt  }
0x4e: {  	_ =	shalt  }
0x4f: {  	_ =	shalt  }
0x50: {  	_ =	shalt  }
0x51: {  	_ =	shalt  }
0x52: {  	_ =	shalt  }
0x53: {  	_ =	shalt  }
0x54: {  	_ =	shalt  }
0x55: {  	_ =	shalt  }
0x56: {  	_ =	shalt  }
0x57: {  	_ =	shalt  }
0x58: {  	_ =	shalt  }
0x59: {  	_ =	shalt  }
0x5a: {  	_ =	shalt  }
0x5b: {  	_ =	shalt  }
0x5c: {  	_ =	shalt  }
0x5d: {  	_ =	shalt  }
0x5e: {  	_ =	shalt  }
0x5f: {  	_ =	shalt  }
0x60: {  	_ =	shalt  }
0x61: {  	_ =	shalt  }
0x62: {  	_ =	shalt  }
0x63: {  	_ =	shalt  }
0x64: {  	_ =	shalt  }
0x65: {  	_ =	shalt  }
0x66: {  	_ =	shalt  }
0x67: {  	_ =	shalt  }
0x68: {  	_ =	shalt  }
0x69: {  	_ =	shalt  }
0x6a: {  	_ =	shalt  }
0x6b: {  	_ =	shalt  }
0x6c: {  	_ =	shalt  }
0x6d: {  	_ =	shalt  }
0x6e: {  	_ =	shalt  }
0x6f: {  	_ =	shalt  }
0x70: {  	_ =	shalt  }
0x71: {  	_ =	shalt  }
0x72: {  	_ =	shalt  }
0x73: {  	_ =	shalt  }
0x74: {  	_ =	shalt  }
0x75: {  	_ =	shalt  }
0x76: {  	_ =	shalt  }
0x77: {  	_ =	shalt  }
0x78: {  	_ =	shalt  }
0x79: {  	_ =	shalt  }
0x7a: {  	_ =	shalt  }
0x7b: {  	_ =	shalt  }
0x7c: {  	_ =	shalt  }
0x7d: {  	_ =	shalt  }
0x7e: {  	_ =	shalt  }
0x7f: {  	_ =	shalt  }
0x80: {  	_ =	shalt  }
0x81: {  	_ =	shalt  }
0x82: {  	_ =	shalt  }
0x83: {  	_ =	shalt  }
0x84: {  	_ =	shalt  }
0x85: {  	_ =	shalt  }
0x86: {  	_ =	shalt  }
0x87: {  	_ =	shalt  }
.Lfunc_end0:
.L_simem_size_0:
called_computation.3_lowered:
.L_overlay_start_0:
0x88: {  	s2 =	sld [smem:$0x3FD9]  }
0x89: {  	s3 =	sld [smem:$0x3FFE];
	_ =	sdelay $0x1  }
0x8a: {  	s1 =	srdreg.scid  }
0x8b: {  	s0 =	sand.u32 $0x1, s1  }
0x8c: {  	s16 =	sshll.u32 s0, $0xA;
	s2 =	sadd.s32 s3, s2  }
0x8d: {  	s2 =	sadd.s32 s2, s16  }
0x8e: {  	[smem:$0x3FC0] =	sst s2  }
0x8f: {  	_ = 	snop  }
0x90: {  	(tm) =	ssettm $0x1  }
0x91: {  	s17 =	sld [smem:$0x3FFB];
	_ =	sdelay $0x3  }
0x92: {  	_ =	strace s17  }
0x93: {  	s2 =	sld [smem:$0x3FFC];
	_ =	sdelay $0x3  }
0x94: {  	_ =	strace s2  }
0x95: {  	s2 =	sld [smem:$0x3FFD];
	_ =	sdelay $0x3  }
0x96: {  	_ =	strace s2  }
0x97: {  	_ =	strace $0x8FFFFFFF  }
0x98: {  	s18 =	sld [smem:$0x3FDB];
	_ =	sdelay $0x1  }
0x99: {  	s19 =	simm.s32 $_scs_section_size  }
0x9a: {  	s4 =	simm.s32 $_size__tile_overlayer_lowered;
	s5 =	simm.s32 $_tile_overlayer_lowered  }
0x9b: {  	s22 =	simm.s32 $0x1BFF;
	s21 =	sshll.u32 s5, $0x1;
	s2 =	sadd.s32 s19, s18  }
0x9c: {  	s6 =	simm.s32 $0x0;
	s20 =	sshll.u32 s4, $0x1;
	s4 =	sadd.s32 s21, s2  }
0x9d: {  	[timem:s6], [sflag:s22] =	dma.local [hbm:s4], s20  }
0x9e: {  	_ =	swait.ge [sflag:s22], s20  }
0x9f: {  	s3 =	ssub.s32 $0x0, s20;
	[sflag:s22] =	ssyncset.done $0x0  }
0xa0: {  	[sflag:s22] =	ssyncadd.s32 s3;
	_ =	sdelay $0x1  }
0xa1: {  	s23 =	simm.s32 $0x1B8B  }
0xa2: {  	_ =	swait.ge [sflag:s23], $0x1  }
0xa3: {  	[sflag:s23] =	ssyncset.done $0x0  }
0xa4: {  	s25 =	simm.s32 $0x1B8E;
	s24 =	sld [smem:$0x3FFE];
	[sflag:s23] =	ssyncadd.s32 $0xFFFFFFFF  }
0xa5: {  	s26 =	simm.s32 $execute0_lowered;
	[smem:$0x3FD2] =	sst s25  }
0xa6: {  	s4 =	sshll.u32 s26, $0x1;
	_ =	strace $0x8000004F;
	[dreg:$0x1] =	wrdreg $0xFFFFFFFF  }
0xa7: {  	s28 =	simm.s32 $_size_execute0_lowered;
	s2 =	sadd.s32 s2, s4;
	[dreg:$0x0] =	wrdreg $0x0  }
0xa8: {  	s4 =	sshll.u32 s28, $0x1;
	[dreg:$0x2] =	wrdreg s2  }
0xa9: {  	[dreg:$0x3] =	wrdreg s4  }
0xaa: {  	[dreg:$0x4] =	wrdreg $0xC0  }
0xab: {  	_ =	task [dreg:s6], $0x5FFFF  }
0xac: {  	[dreg:$0x1] =	wrdreg $0xFFFFFFFF  }
0xad: {  	[dreg:$0x0] =	wrdreg $0x60  }
0xae: {  	[dreg:$0x2] =	wrdreg s24  }
0xaf: {  	[dreg:$0x3] =	wrdreg $0x90000  }
0xb0: {  	[dreg:$0x4] =	wrdreg $0x9  }
0xb1: {  	_ =	task.clear_ibuf [dreg:s6], $0x5FFFF;
	_ =	strace $0x9000004F  }
0xb2: {  	s29 =	simm.s32 $0x9;
	_ =	strace $0x80000051  }
0xb3: {  	_ =	swait.ge [sflag:s29], $0x1  }
0xb4: {  	[sflag:s29] =	ssyncadd.s32 $0xFFFFFFFF  }
0xb5: {  	_ =	strace $0x90000051  }
0xb6: {  	_ =	sfence  }
0xb7: {  	s30 =	sld [smem:$0x0];
	_ =	sdelay $0x2  }
0xb8: {  	s31 =	sshll.u32 s1, $0xD;
	s1 =	sshrl.u32 s1, $0x2  }
0xb9: {  	s3 =	sand.u32 $0x4000, s31;
	s1 =	sadd.s32 s1, s30  }
0xba: {  	s0 =	sor.u32 s3, s0;
	s1 =	sshll.u32 s1, $0x11  }
0xbb: {  	s0 =	sor.u32 s1, s0  }
0xbc: {  	s0 =	sadd.s32 $0x8F2B, s0  }
0xbd: {  	[sflag:s0] =	ssyncadd.remote.s32 $0x1  }
0xbe: {  	_ =	sfence.sel $0xFFFF  }
0xbf: {  	[dreg:$0x0] =	wrdreg $0xFFFFFFFF;
	(pc) =	sbr.abs _section_cstart, $3  }
0xc0: {  	[dreg:$0x1] =	wrdreg $0xFFFFFFFF  }
0xc1: {  	_ =	task.clear_ibuf [dreg:s6], $0x2FFFF;
	_ =	strace $0x9FFFFFFF  }
0xc2: {  	(tm) =	ssettm $0x7FFFFFFF  }
0xc3: {  	_ =	shalt  }
tec
execute0_lowered:
.L_overlay_start_1:
0x0: {  	(tag) =	ssettag $0x1  }
0x1: {  	s0 =	srdreg.scid  }
0x2: {  	s15 =	stileid.u32;
	s5 =	rddreg [dreg:$0x0]  }
0x3: {  	s2 =	rddreg [dreg:$0x1];
	s3 =	simm.s32 $0x0;
	s21 =	simm.s32 $0x3  }
0x4: {  	s23 =	simm.s32 $0x5000;
	s24 =	simm.s32 $0x40;
	s25 =	simm.s32 $0x7000  }
0x5: {  	s26 =	simm.s32 $0x1;
	s28 =	simm.s32 $0x2;
	s0 =	sand.u32 $0x1, s0  }
0x6: {  	s1 =	sshll.u32 s15, $0x1;
	[smem:$0x7FF] =	sst s3;
	s6 =	smul.u32 $0x6400, s15  }
0x7: {  	s29 =	sshll.u32 s15, $0xD;
	s8 =	ssub.s32 $0x41, s15;
	s31 =	smul.u32 $0x19000, s15  }
0x8: {  	s1 =	sor.u32 s0, s1;
	s4 =	smul.u32 $0x138800, s0;
	_ =	strace $0x80000050  }
0x9: {  	s0 =	ssub.s32 $0x2, s0;
	s8 =	sshrl.u32 s8, $0x4;
	s1 =	smul.u32 $0x500, s1  }
0xa: {  	s7 =	sshrl.u32 s0, $0x1;
	s6 =	sadd.s32 s6, s4;
	s4 =	sadd.s32 $0x2800, s5  }
0xb: {  	s0 =	ssub.s32 s0, s7;
	s7 =	sadd.s32 s29, s2;
	s1 =	sadd.s32 s1, s5  }
0xc: {  	s6 =	sshrl.u32 s6, $0x3;
	s9 =	smax.u32 s0, $0x1;
	s10 =	sadd.s32 $0x20000, s7  }
0xd: {  	s11 =	sadd.s32 $0x40000, s7;
	s12 =	sadd.s32 $0x60000, s7;
	s13 =	sadd.s32 $0x80000, s7  }
0xe: {  	s14 =	sadd.s32 $0xA0000, s7;
	s15 =	sadd.s32 $0xC0000, s7;
	s16 =	sadd.s32 $0xE0000, s7  }
0xf: {  	s17 =	sadd.s32 $0x100000, s7;
	s18 =	sadd.s32 $0x120000, s7;
	s0 =	sshrl.u32 s31, $0x2  }
0x10: {  	s19 =	sadd.s32 s6, s5;
	s5 =	sadd.s32 $0x50A00, s1;
	s6 =	sadd.s32 $0x5AA00, s1  }
0x11: {  	v0 =	vimm.f32 $0.0e+00;
	s30 =	sadd.s32 s0, s2;
	s1 =	simm.s32 $0x0;
	s19 =	sadd.s32 $0x64A00, s19  }
.LBB2_1:
0x12: {  	[tilespmem:s3], [sflag:$0x3] =	stream.linear.gather [hbm4b:s5+s3], $0x2800, $0x38;
	[tilespmem:$0x1D000] =	vst v63  }
0x13: {  	_ =	swait.ge [sflag:s21], $0x2800  }
0x14: {  	[sflag:s21] =	ssyncset.done $0x0  }
0x15: {  	s0 =	simm.s32 $0x2800;
	[sflag:s21] =	ssyncadd.s32 $0xFFFFD800  }
0x16: {  	[tilespmem:s0], [sflag:$0x3] =	stream.linear.gather [hbm4b:s6+s3], $0x2800, $0x38;
	[tilespmem:$0x1D000] =	vst v63  }
0x17: {  	_ =	swait.ge [sflag:s21], $0x2800  }
0x18: {  	[sflag:s21] =	ssyncset.done $0x0  }
0x19: {  	s22 =	simm.s32 $0x0;
	s0 =	simm.s32 $0x200;
	[sflag:s21] =	ssyncadd.s32 $0xFFFFD800  }
.LBB2_2:
0x1a: {  	p0 =	sne.s32 s0, $0x7E00;
	[tilespmem:s22+$0x5070] =	vst v0  }
0x1b: {  	[tilespmem:s22+$0x5000] =	vst v0  }
0x1c: {  	[tilespmem:s22+$0x5010] =	vst v0  }
.Ltmp0:
0x1d: {  	[tilespmem:s22+$0x5020] =	vst v0;
	(pc) =	sbr.rel @p0 .LBB2_2-.Ltmp0, $4  }
0x1e: {  	[tilespmem:s22+$0x5030] =	vst v0  }
0x1f: {  	[tilespmem:s22+$0x5040] =	vst v0  }
0x20: {  	[tilespmem:s22+$0x5050] =	vst v0  }
0x21: {  	[tilespmem:s22+$0x5060] =	vst v0;
	s22 =	sshra.s32 s0, $0x2;
	s0 =	sadd.s32 $0x200, s0  }
0x22: {  	[tilespmem:s22+$0x5070] =	vst v0  }
0x23: {  	[tilespmem:s22+$0x5000] =	vst v0  }
0x24: {  	[tilespmem:s22+$0x5010] =	vst v0  }
0x25: {  	[tilespmem:s22+$0x5020] =	vst v0  }
0x26: {  	[tilespmem:s22+$0x5030] =	vst v0  }
0x27: {  	[tilespmem:s22+$0x5040] =	vst v0  }
0x28: {  	[tilespmem:s22+$0x5050] =	vst v0  }
0x29: {  	[tilespmem:s22+$0x5060] =	vst v0  }
0x2a: {  	[spmem:s7] =	stream.linear.scatter [tilespmem:s23], [sflag:$0x3], $0x2000, $0x38;
	[tilespmem:$0x1D000] =	vst v63  }
0x2b: {  	_ =	swait.ge [sflag:s21], $0x2000  }
0x2c: {  	[sflag:s21] =	ssyncset.done $0x0  }
0x2d: {  	[sflag:s21] =	ssyncadd.s32 $0xFFFFE000  }
0x2e: {  	[spmem:s10] =	stream.linear.scatter [tilespmem:s23], [sflag:$0x3], $0x2000, $0x38;
	[tilespmem:$0x1D000] =	vst v63  }
0x2f: {  	_ =	swait.ge [sflag:s21], $0x2000  }
0x30: {  	[sflag:s21] =	ssyncset.done $0x0  }
0x31: {  	[sflag:s21] =	ssyncadd.s32 $0xFFFFE000  }
0x32: {  	[spmem:s11] =	stream.linear.scatter [tilespmem:s23], [sflag:$0x3], $0x2000, $0x38;
	[tilespmem:$0x1D000] =	vst v63  }
0x33: {  	_ =	swait.ge [sflag:s21], $0x2000  }
0x34: {  	[sflag:s21] =	ssyncset.done $0x0  }
0x35: {  	[sflag:s21] =	ssyncadd.s32 $0xFFFFE000  }
0x36: {  	[spmem:s12] =	stream.linear.scatter [tilespmem:s23], [sflag:$0x3], $0x2000, $0x38;
	[tilespmem:$0x1D000] =	vst v63  }
0x37: {  	_ =	swait.ge [sflag:s21], $0x2000  }
0x38: {  	[sflag:s21] =	ssyncset.done $0x0  }
0x39: {  	[sflag:s21] =	ssyncadd.s32 $0xFFFFE000  }
0x3a: {  	[spmem:s13] =	stream.linear.scatter [tilespmem:s23], [sflag:$0x3], $0x2000, $0x38;
	[tilespmem:$0x1D000] =	vst v63  }
0x3b: {  	_ =	swait.ge [sflag:s21], $0x2000  }
0x3c: {  	[sflag:s21] =	ssyncset.done $0x0  }
0x3d: {  	[sflag:s21] =	ssyncadd.s32 $0xFFFFE000  }
0x3e: {  	[spmem:s14] =	stream.linear.scatter [tilespmem:s23], [sflag:$0x3], $0x2000, $0x38;
	[tilespmem:$0x1D000] =	vst v63  }
0x3f: {  	_ =	swait.ge [sflag:s21], $0x2000  }
0x40: {  	[sflag:s21] =	ssyncset.done $0x0  }
0x41: {  	[sflag:s21] =	ssyncadd.s32 $0xFFFFE000  }
0x42: {  	[spmem:s15] =	stream.linear.scatter [tilespmem:s23], [sflag:$0x3], $0x2000, $0x38;
	[tilespmem:$0x1D000] =	vst v63  }
0x43: {  	_ =	swait.ge [sflag:s21], $0x2000  }
0x44: {  	[sflag:s21] =	ssyncset.done $0x0  }
0x45: {  	[sflag:s21] =	ssyncadd.s32 $0xFFFFE000  }
0x46: {  	[spmem:s16] =	stream.linear.scatter [tilespmem:s23], [sflag:$0x3], $0x2000, $0x38;
	[tilespmem:$0x1D000] =	vst v63  }
0x47: {  	_ =	swait.ge [sflag:s21], $0x2000  }
0x48: {  	[sflag:s21] =	ssyncset.done $0x0  }
0x49: {  	[sflag:s21] =	ssyncadd.s32 $0xFFFFE000  }
0x4a: {  	[spmem:s17] =	stream.linear.scatter [tilespmem:s23], [sflag:$0x3], $0x2000, $0x38;
	[tilespmem:$0x1D000] =	vst v63  }
0x4b: {  	_ =	swait.ge [sflag:s21], $0x2000  }
0x4c: {  	[sflag:s21] =	ssyncset.done $0x0  }
0x4d: {  	[sflag:s21] =	ssyncadd.s32 $0xFFFFE000  }
0x4e: {  	[spmem:s18] =	stream.linear.scatter [tilespmem:s23], [sflag:$0x3], $0x2000, $0x38;
	[tilespmem:$0x1D000] =	vst v63  }
0x4f: {  	_ =	swait.ge [sflag:s21], $0x2000  }
0x50: {  	[sflag:s21] =	ssyncset.done $0x0  }
0x51: {  	[sflag:s21] =	ssyncadd.s32 $0xFFFFE000  }
0x52: {  	s0 =	simm.s32 $0x0;
	[bflag:$0x0] =	sbarrier.arrive $0xFFFF  }
0x53: {  	[tilespmem:s23], [sflag:$0x1] =	stream.indirect.gather [hbm4b:s4+s24], $0x80, s0, s24, $0xb8;
	[tilespmem:$0x1D000] =	vst v63  }
0x54: {  	s20 =	simm.s32 $0x40  }
0x55: {  	[tilespmem:s25], [sflag:$0x2] =	stream.indirect.gather [hbm4b:s4+s24], $0x80, s20, s24, $0xb8;
	[tilespmem:$0x1D000] =	vst v63  }
0x56: {  	_ =	swait.ge [sflag:s26], $0x2000  }
0x57: {  	[sflag:s26] =	ssyncset.done $0x0  }
0x58: {  	s22 =	simm.s32 $0x2800;
	[sflag:s26] =	ssyncadd.s32 $0xFFFFE000  }
0x59: {  	[spmem:s2] =	stream.indirect.scatter.add.f32 [tilespmem:s23], [sflag:$0x3], $0x80, s22, s24, $0xb8;
	[tilespmem:$0x1D000] =	vst v63  }
0x5a: {  	_ =	swait.ge [sflag:s21], $0x2000  }
0x5b: {  	[sflag:s21] =	ssyncset.done $0x0  }
0x5c: {  	s29 =	simm.s32 $0x80;
	[sflag:s21] =	ssyncadd.s32 $0xFFFFE000  }
0x5d: {  	[tilespmem:s23], [sflag:$0x1] =	stream.indirect.gather [hbm4b:s4+s24], $0x80, s29, s24, $0xb8;
	[tilespmem:$0x1D000] =	vst v63  }
0x5e: {  	_ =	swait.ge [sflag:s28], $0x2000  }
0x5f: {  	[sflag:s28] =	ssyncset.done $0x0  }
0x60: {  	s31 =	simm.s32 $0x2840;
	[sflag:s28] =	ssyncadd.s32 $0xFFFFE000  }
0x61: {  	[spmem:s2] =	stream.indirect.scatter.add.f32 [tilespmem:s25], [sflag:$0x3], $0x80, s31, s24, $0xb8;
	[tilespmem:$0x1D000] =	vst v63  }
0x62: {  	_ =	swait.ge [sflag:s21], $0x2000  }
0x63: {  	s0 =	simm.s32 $0x400;
	s22 =	simm.s32 $0x80;
	[sflag:s21] =	ssyncset.done $0x0  }
.LBB2_4:
0x64: {  	s20 =	sadd.s32 $0x40, s22  }
0x65: {  	[sflag:s21] =	ssyncadd.s32 $0xFFFFE000;
	s29 =	smov.u32 s0;
	s31 =	sadd.s32 $0x200, s0  }
0x66: {  	[tilespmem:s25], [sflag:$0x2] =	stream.indirect.gather [hbm4b:s4+s24], $0x80, s20, s24, $0xb8;
	[tilespmem:$0x1D000] =	vst v63  }
0x67: {  	p0 =	sne.s32 s0, $0x9C00;
	_ =	swait.ge [sflag:s26], $0x2000  }
0x68: {  	[sflag:s26] =	ssyncset.done $0x0  }
0x69: {  	s0 =	sadd.s32 $0x2800, s22;
	[sflag:s26] =	ssyncadd.s32 $0xFFFFE000  }
0x6a: {  	[spmem:s2] =	stream.indirect.scatter.add.f32 [tilespmem:s23], [sflag:$0x3], $0x80, s0, s24, $0xb8;
	[tilespmem:$0x1D000] =	vst v63  }
0x6b: {  	_ =	swait.ge [sflag:s21], $0x2000  }
0x6c: {  	[sflag:s21] =	ssyncset.done $0x0  }
0x6d: {  	s0 =	sadd.s32 $0x80, s22;
	[sflag:s21] =	ssyncadd.s32 $0xFFFFE000  }
0x6e: {  	[tilespmem:s23], [sflag:$0x1] =	stream.indirect.gather [hbm4b:s4+s24], $0x80, s0, s24, $0xb8;
	[tilespmem:$0x1D000] =	vst v63  }
0x6f: {  	_ =	swait.ge [sflag:s28], $0x2000  }
.Ltmp1:
0x70: {  	[sflag:s28] =	ssyncset.done $0x0;
	(pc) =	sbr.rel @p0 .LBB2_4-.Ltmp1, $4  }
0x71: {  	s0 =	sadd.s32 $0x2840, s22;
	[sflag:s28] =	ssyncadd.s32 $0xFFFFE000  }
0x72: {  	[spmem:s2] =	stream.indirect.scatter.add.f32 [tilespmem:s25], [sflag:$0x3], $0x80, s0, s24, $0xb8;
	[tilespmem:$0x1D000] =	vst v63  }
0x73: {  	_ =	swait.ge [sflag:s21], $0x2000  }
0x74: {  	s22 =	sshra.s32 s29, $0x2;
	s0 =	smov.u32 s31;
	[sflag:s21] =	ssyncset.done $0x0  }
0x75: {  	s0 =	sadd.s32 $0x40, s22;
	[sflag:s21] =	ssyncadd.s32 $0xFFFFE000  }
0x76: {  	[tilespmem:s25], [sflag:$0x2] =	stream.indirect.gather [hbm4b:s4+s24], $0x80, s0, s24, $0xb8;
	[tilespmem:$0x1D000] =	vst v63  }
0x77: {  	_ =	swait.ge [sflag:s26], $0x2000  }
0x78: {  	[sflag:s26] =	ssyncset.done $0x0  }
0x79: {  	s20 =	sadd.s32 $0x2800, s22;
	[sflag:s26] =	ssyncadd.s32 $0xFFFFE000  }
0x7a: {  	[spmem:s2] =	stream.indirect.scatter.add.f32 [tilespmem:s23], [sflag:$0x3], $0x80, s20, s24, $0xb8;
	[tilespmem:$0x1D000] =	vst v63  }
0x7b: {  	_ =	swait.ge [sflag:s21], $0x2000  }
0x7c: {  	[sflag:s21] =	ssyncset.done $0x0  }
0x7d: {  	s31 =	sadd.s32 $0x80, s22;
	[sflag:s21] =	ssyncadd.s32 $0xFFFFE000  }
0x7e: {  	[tilespmem:s23], [sflag:$0x1] =	stream.indirect.gather [hbm4b:s4+s24], $0x80, s31, s24, $0xb8;
	[tilespmem:$0x1D000] =	vst v63  }
0x7f: {  	_ =	swait.ge [sflag:s28], $0x2000  }
0x80: {  	[sflag:s28] =	ssyncset.done $0x0  }
0x81: {  	s20 =	sadd.s32 $0x2840, s22;
	[sflag:s28] =	ssyncadd.s32 $0xFFFFE000  }
0x82: {  	[spmem:s2] =	stream.indirect.scatter.add.f32 [tilespmem:s25], [sflag:$0x3], $0x80, s20, s24, $0xb8;
	[tilespmem:$0x1D000] =	vst v63  }
0x83: {  	_ =	swait.ge [sflag:s21], $0x2000  }
0x84: {  	[sflag:s21] =	ssyncset.done $0x0  }
0x85: {  	s22 =	simm.s32 $0x27C0;
	[sflag:s21] =	ssyncadd.s32 $0xFFFFE000  }
0x86: {  	[tilespmem:s25], [sflag:$0x2] =	stream.indirect.gather [hbm4b:s4+s24], $0x80, s22, s24, $0xb8;
	[tilespmem:$0x1D000] =	vst v63  }
0x87: {  	_ =	swait.ge [sflag:s26], $0x2000  }
0x88: {  	[sflag:s26] =	ssyncset.done $0x0  }
0x89: {  	s31 =	simm.s32 $0x4F80;
	[sflag:s26] =	ssyncadd.s32 $0xFFFFE000  }
0x8a: {  	[spmem:s2] =	stream.indirect.scatter.add.f32 [tilespmem:s23], [sflag:$0x3], $0x80, s31, s24, $0xb8;
	[tilespmem:$0x1D000] =	vst v63  }
0x8b: {  	_ =	swait.ge [sflag:s21], $0x2000  }
0x8c: {  	[sflag:s21] =	ssyncset.done $0x0  }
0x8d: {  	[sflag:s21] =	ssyncadd.s32 $0xFFFFE000  }
0x8e: {  	_ =	swait.ge [sflag:s28], $0x2000  }
0x8f: {  	[sflag:s28] =	ssyncset.done $0x0  }
0x90: {  	s20 =	simm.s32 $0x4FC0;
	[sflag:s28] =	ssyncadd.s32 $0xFFFFE000  }
0x91: {  	[spmem:s2] =	stream.indirect.scatter.add.f32 [tilespmem:s25], [sflag:$0x3], $0x80, s20, s24, $0xb8;
	[tilespmem:$0x1D000] =	vst v63  }
0x92: {  	p0 =	sne.s32 s8, $0x1;
	_ =	swait.ge [sflag:s21], $0x2000  }
.Ltmp2:
0x93: {  	s22 =	stileid.u32;
	[sflag:s21] =	ssyncset.done $0x0;
	(pc) =	sbr.rel @!p0 .LBB2_7-.Ltmp2, $4  }
0x94: {  	s29 =	sadd.s32 $0xC800, s19;
	s0 =	sshll.u32 s22, $0x6;
	[sflag:s21] =	ssyncadd.s32 $0xFFFFE000  }
0x95: {  	s22 =	sor.u32 $0x1C03, s0;
	s31 =	sshrl.u32 s30, $0x3;
	[bflag:$0x0] =	sbarrier.arrive $0xFFFF  }
0x96: {  	[hbm:s19], [sflag:s22] =	dma.local [spmem:s31], $0xC80  }
0x97: {  	s0 =	sadd.s32 $0xFFFFFFFF, s8;
	s20 =	smov.u32 s30;
	_ =	swait.ge [sflag:s21], $0xC80  }
.LBB2_6:
0x98: {  	[sflag:s21] =	ssyncset.done $0x0;
	s20 =	sadd.s32 $0x64000, s20;
	p0 =	sne.s32 s0, $0x1  }
.Ltmp3:
0x99: {  	s31 =	sshrl.u32 s20, $0x3;
	[sflag:s21] =	ssyncadd.s32 $0xFFFFF380;
	(pc) =	sbr.rel @p0 .LBB2_6-.Ltmp3, $3  }
0x9a: {  	[hbm:s29], [sflag:s22] =	dma.local [spmem:s31], $0xC80  }
0x9b: {  	s0 =	sadd.s32 $0xFFFFFFFF, s0;
	_ =	sdelay $0x1  }
0x9c: {  	s29 =	sadd.s32 $0xC800, s29;
	_ =	swait.ge [sflag:s21], $0xC80  }
.LBB2_7:
0x9d: {  	s1 =	sadd.s32 $0x1, s1  }
0x9e: {  	p0 =	sne.s32 s1, s9  }
.Ltmp4:
0x9f: {  	_ = 	snop;
	(pc) =	sbr.rel @p0 .LBB2_1-.Ltmp4, $3  }
0xa0: {  	_ =	sdelay $0x1  }
0xa1: {  	[sflag:s21] =	ssyncset.done $0x0  }
0xa2: {  	[sflag:s21] =	ssyncadd.s32 $0xFFFFF380  }
0xa3: {  	_ =	sfence.sel $0x180000  }
0xa4: {  	[bflag:$0x0] =	sbarrier.arrive $0xFFFF  }
0xa5: {  	_ =	strace $0x90000050  }
0xa6: {  	s0 =	stileid.u32;
	[bflag:$0x2] =	sbarrier.arrive $0xFFFF  }
0xa7: {  	p0 =	sne.s32 s0, $0x0;
	s0 =	rddreg [dreg:$0x2]  }
0xa8: {  	s0 =	sadd.s32 @!p0 $0x100000, s0  }
0xa9: {  	[sflag:s0] =	ssyncadd.tile.s32 @!p0 $0x1;
	_ =	shalt  }
.Lfunc_end2:
_tile_overlayer_lowered:
.L_overlay_start_2:
0xaa: {  	(tag) =	ssettag $0x2  }
0xab: {  	s0 =	rddreg [dreg:$0x0];
	s2 =	stileid.u32  }
0xac: {  	s1 =	rddreg [dreg:$0x1];
	p0 =	sne.s32 s2, $0x0  }
0xad: {  	s3 =	rddreg [dreg:$0x2];
	[bflag:$0x3] =	sbarrier.arrive $0xFFFF;
	s2 =	simm.s32 @!p0 $0x1C03  }
0xae: {  	[timem:s3], [sflag:s2] =	dma.local @!p0 [hbm:s0], s1  }
0xaf: {  	s0 =	simm.s32 @!p0 $0x3  }
0xb0: {  	_ =	swait.ge @!p0 [sflag:s0], s1  }
0xb1: {  	s1 =	ssub.s32 @!p0 $0x0, s1;
	[sflag:s0] =	ssyncset.done @!p0 $0x0  }
0xb2: {  	[sflag:s0] =	ssyncadd.s32 @!p0 s1  }
0xb3: {  	[bflag:$0x3] =	sbarrier.arrive $0xFFFF  }
0xb4: {  	_ =	shalt  }

</sc_bundles>
